<compile_context>
chip_gen: v7x
topology: tpu7x:2x2x1
jax: 0.10.2.dev20260603
libtpu: 0.0.44.dev20260713+nightly
codegen_flags: <defaults>
</compile_context>

<pallas_src>
import functools

import jax
import jax.numpy as jnp
from jax import lax
from jax.experimental import pallas as pl
from jax.experimental.pallas import tpu as pltpu
from jax.experimental.pallas import tpu_sc as plsc

_NC = 2
_NS = 16
_NW = _NC * _NS
_LANES = 16

_SC_PARAMS = pltpu.CompilerParams(
    needs_layout_passes=False, use_tc_tiling_on_sc=False)


def _sc_degree(dst2, n_nodes):
  ept = dst2.shape[1]
  mesh = plsc.VectorSubcoreMesh(core_axis_name="c", subcore_axis_name="s")

  @functools.partial(
      pl.kernel,
      out_type=jax.ShapeDtypeStruct((_NW, n_nodes), jnp.float32),
      mesh=mesh,
      compiler_params=_SC_PARAMS,
      scratch_types=[
          pltpu.VMEM((ept,), jnp.int32),
          pltpu.VMEM((n_nodes,), jnp.float32),
      ],
  )
  def k(dst_hbm, out_hbm, dst_v, deg_v):
    c = lax.axis_index("c")
    s = lax.axis_index("s")
    wid = c * _NS + s
    pltpu.sync_copy(dst_hbm.at[wid], dst_v)

    def zero_body(i, carry):
      deg_v[pl.ds(pl.multiple_of(i * _LANES, 8), _LANES)] = jnp.zeros(
          (_LANES,), jnp.float32)
      return carry

    lax.fori_loop(0, n_nodes // _LANES, zero_body, 0)

    ones = jnp.ones((_LANES,), jnp.float32)

    def add_body(i, carry):
      idx = dst_v[pl.ds(pl.multiple_of(i * _LANES, 8), _LANES)]
      plsc.addupdate_scatter(deg_v, [idx], ones)
      return carry

    lax.fori_loop(0, ept // _LANES, add_body, 0)
    pltpu.sync_copy(deg_v, out_hbm.at[wid])

  return k(dst2)


def _sc_aggregate(g, src2, dst3, zeros, n_pad, k_depth):
  d = g.shape[1]
  nb, b = dst3.shape[1], dst3.shape[2]
  rpt = n_pad // _NS
  if k_depth:
    ngp = nb // (2 * k_depth)
    assert ngp * 2 * k_depth == nb
    kbuf = k_depth
  else:
    kbuf = 1
  mesh = plsc.VectorSubcoreMesh(core_axis_name="c", subcore_axis_name="s")

  @functools.partial(
      pl.kernel,
      out_type=jax.ShapeDtypeStruct((_NC, n_pad, d), jnp.float32),
      mesh=mesh,
      compiler_params=_SC_PARAMS,
      scratch_types=[
          pltpu.VMEM((nb * b,), jnp.int32),
          pltpu.VMEM((nb, b), jnp.int32),
          pltpu.VMEM((kbuf, b, d), jnp.float32),
          pltpu.VMEM((kbuf, b, d) if k_depth else (1, 1, 1), jnp.float32),
          pltpu.VMEM_SHARED((n_pad, d), jnp.float32),
          pltpu.SemaphoreType.DMA,
          pltpu.SemaphoreType.DMA,
          pltpu.SemaphoreType.DMA,
          pltpu.SemaphoreType.DMA,
      ],
  )
  def k(g_hbm, src_hbm, dst_hbm, z_hbm, out_hbm, src_v, dst_v, bufs0, bufs1,
        acc, gs0, gs1, ss0, ss1):
    c = lax.axis_index("c")
    s = lax.axis_index("s")
    wid = c * _NS + s
    pltpu.sync_copy(z_hbm.at[pl.ds(s * rpt, rpt)], acc.at[pl.ds(s * rpt, rpt)])
    pltpu.sync_copy(src_hbm.at[wid], src_v)
    pltpu.sync_copy(dst_hbm.at[wid], dst_v)
    plsc.subcore_barrier()

    if not k_depth:
      def sbody(i, carry):
        off = pl.multiple_of(i * b, 8)
        pltpu.sync_copy(g_hbm.at[src_v.at[pl.ds(off, b)]], bufs0.at[0])
        pltpu.sync_copy(bufs0.at[0], acc.at[dst_v.at[i]], add=True)
        return carry

      lax.fori_loop(0, nb, sbody, 0)
      plsc.subcore_barrier()
      pltpu.sync_copy(acc.at[pl.ds(s * rpt, rpt)],
                      out_hbm.at[c, pl.ds(s * rpt, rpt)])
      return

    bufs = (bufs0, bufs1)
    gsems = (gs0, gs1)
    ssems = (ss0, ss1)

    def fire_gathers(setid, jbase):
      for t in range(k_depth):
        off = pl.multiple_of((jbase + t) * b, 8)
        pltpu.async_copy(g_hbm.at[src_v.at[pl.ds(off, b)]],
                         bufs[setid].at[t], gsems[setid])

    def wait_gathers(setid):
      for t in range(k_depth):
        pltpu.make_async_copy(g_hbm.at[src_v.at[pl.ds(0, b)]],
                              bufs[setid].at[t], gsems[setid]).wait()

    def fire_scatters(setid, jbase):
      for t in range(k_depth):
        pltpu.async_copy(bufs[setid].at[t], acc.at[dst_v.at[jbase + t]],
                         ssems[setid], add=True)

    def wait_scatters(setid):
      for t in range(k_depth):
        pltpu.make_async_copy(bufs[setid].at[t], acc.at[dst_v.at[0]],
                              ssems[setid]).wait()

    fire_gathers(0, 0)

    def body(i, carry):
      j0 = i * 2 * k_depth
      wait_gathers(0)

      @pl.when(i > 0)
      def _():
        wait_scatters(1)

      fire_gathers(1, j0 + k_depth)
      fire_scatters(0, j0)
      wait_gathers(1)
      wait_scatters(0)

      @pl.when(i < ngp - 1)
      def _():
        fire_gathers(0, j0 + 2 * k_depth)

      fire_scatters(1, j0 + k_depth)
      return carry

    lax.fori_loop(0, ngp, body, 0)
    wait_scatters(1)
    plsc.subcore_barrier()
    pltpu.sync_copy(acc.at[pl.ds(s * rpt, rpt)],
                    out_hbm.at[c, pl.ds(s * rpt, rpt)])

  return k(g, src2, dst3, zeros)


def _dinv_block(degpt_ref):
  return lax.rsqrt(1.0 + jnp.sum(degpt_ref[...], axis=1, keepdims=True))


def _tc1_body(x_ref, w_ref, degpt_ref, out_ref):
  h = jnp.dot(x_ref[...], w_ref[...], preferred_element_type=jnp.float32)
  out_ref[...] = h * _dinv_block(degpt_ref)


def _tc2_body(acc_ref, g1_ref, degpt_ref, b1_ref, w2_ref, out_ref):
  dinv = _dinv_block(degpt_ref)
  a = acc_ref[...]
  t = dinv * (a[0] + a[1] + g1_ref[...]) + b1_ref[...]
  t = jnp.maximum(t, 0.0)
  out_ref[...] = jnp.dot(t, w2_ref[...],
                         preferred_element_type=jnp.float32) * dinv


def _tc3_body(acc_ref, g2_ref, degpt_ref, b2_ref, out_ref):
  dinv = _dinv_block(degpt_ref)
  a = acc_ref[...]
  out_ref[...] = dinv * (a[0] + a[1] + g2_ref[...]) + b2_ref[...]


_BM = 1000


def _tc1(x, w1, degpt):
  n, f = x.shape
  h = w1.shape[1]
  return pl.pallas_call(
      _tc1_body,
      grid=(n // _BM,),
      in_specs=[
          pl.BlockSpec((_BM, f), lambda i: (i, 0)),
          pl.BlockSpec((f, h), lambda i: (0, 0)),
          pl.BlockSpec((_BM, _NW), lambda i: (i, 0)),
      ],
      out_specs=pl.BlockSpec((_BM, h), lambda i: (i, 0)),
      out_shape=jax.ShapeDtypeStruct((n, h), jnp.float32),
  )(x, w1, degpt)


def _tc2(acc1, g1, degpt, b1, w2):
  n, h = g1.shape
  co = w2.shape[1]
  return pl.pallas_call(
      _tc2_body,
      grid=(n // _BM,),
      in_specs=[
          pl.BlockSpec((2, _BM, h), lambda i: (0, i, 0)),
          pl.BlockSpec((_BM, h), lambda i: (i, 0)),
          pl.BlockSpec((_BM, _NW), lambda i: (i, 0)),
          pl.BlockSpec((1, h), lambda i: (0, 0)),
          pl.BlockSpec((h, co), lambda i: (0, 0)),
      ],
      out_specs=pl.BlockSpec((_BM, co), lambda i: (i, 0)),
      out_shape=jax.ShapeDtypeStruct((n, co), jnp.float32),
  )(acc1, g1, degpt, b1, w2)


def _tc3(acc2, g2, degpt, b2):
  n, co = g2.shape
  return pl.pallas_call(
      _tc3_body,
      grid=(n // _BM,),
      in_specs=[
          pl.BlockSpec((2, _BM, co), lambda i: (0, i, 0)),
          pl.BlockSpec((_BM, co), lambda i: (i, 0)),
          pl.BlockSpec((_BM, _NW), lambda i: (i, 0)),
          pl.BlockSpec((1, co), lambda i: (0, 0)),
      ],
      out_specs=pl.BlockSpec((_BM, co), lambda i: (i, 0)),
      out_shape=jax.ShapeDtypeStruct((n, co), jnp.float32),
  )(acc2, g2, degpt, b2)


def kernel(x, edge_index, W1, b1, W2, b2):
  n, f = x.shape
  e = edge_index.shape[1]
  src = edge_index[0].astype(jnp.int32)
  dst = edge_index[1].astype(jnp.int32)

  ept = e // _NW
  assert ept * _NW == e and n % _NS == 0 and n % _LANES == 0

  n_pad = ((n + 8 * _NS - 1) // (8 * _NS)) * (8 * _NS)

  src2 = src.reshape(_NW, ept)
  dst2 = dst.reshape(_NW, ept)

  def pad_indices(b, k_depth):
    nb = (ept + b - 1) // b
    if k_depth:
      gsz = 2 * k_depth
      nb = ((nb + gsz - 1) // gsz) * gsz
    pad = nb * b - ept
    src2p = jnp.concatenate(
        [src2, jnp.zeros((_NW, pad), jnp.int32)], axis=1)
    dst2p = jnp.concatenate(
        [dst2, jnp.full((_NW, pad), n_pad - 1, jnp.int32)], axis=1)
    return src2p, dst2p.reshape(_NW, nb, b)

  degp = _sc_degree(dst2, n)
  degpt = degp.T

  g1 = _tc1(x, W1, degpt)
  z128 = jnp.zeros((n_pad, f), jnp.float32)
  src1p, dst1p = pad_indices(b=80, k_depth=0)
  acc1 = _sc_aggregate(g1, src1p, dst1p, z128, n_pad, k_depth=0)
  g2 = _tc2(acc1, g1, degpt, b1.reshape(1, -1), W2)
  src2p, dst2p3 = pad_indices(b=128, k_depth=8)
  acc2 = _sc_aggregate(
      g2, src2p, dst2p3, jnp.zeros((n_pad, g2.shape[1]), jnp.float32),
      n_pad, k_depth=8)
  out = _tc3(acc2, g2, degpt, b2.reshape(1, -1))
  return out

# --- scband reference (transcript-rebuilt; emitter-appended) ---
"""Pipeline reference for scband-gcn-19310172963198 (READ-ONLY COPY).

The authoritative reference and input builder live on the scoring server;
editing this copy changes nothing except your own understanding.
"""

import jax, jax.numpy as jnp
import numpy as np

N_NODES = 10000
N_EDGES = 320000
N_FEAT = 128
HIDDEN = 128
N_CLASSES = 16


def gcn_conv(x, edge_index, W, b):
    # GCNConv: out = D^{-1/2} (A + I) D^{-1/2} X W + b
    N = x.shape[0]
    src = edge_index[0]
    dst = edge_index[1]
    loop = jnp.arange(N, dtype=edge_index.dtype)
    src = jnp.concatenate([src, loop])
    dst = jnp.concatenate([dst, loop])
    h = x @ W
    deg = jnp.zeros((N,), dtype=x.dtype).at[dst].add(1.0)
    dinv = jnp.where(deg > 0, jax.lax.rsqrt(jnp.maximum(deg, 1.0)), 0.0)
    norm = dinv[src] * dinv[dst]
    msg = h[src] * norm[:, None]
    out = jax.ops.segment_sum(msg, dst, num_segments=N)
    return out + b


def setup_inputs(seed: int = 0) -> dict:
    key = jax.random.key(seed)
    k1, k2, k3, k4, k5, k6 = jax.random.split(key, 6)
    x = jax.random.normal(k1, (N_NODES, N_FEAT), dtype=jnp.float32)
    edge_index = jax.random.randint(k2, (2, N_EDGES), 0, N_NODES, dtype=jnp.int64)
    # Glorot-style init for conv weights, zeros for bias (matches GCNConv defaults)
    s1 = float(np.sqrt(6.0 / (N_FEAT + HIDDEN)))
    W1 = jax.random.uniform(k3, (N_FEAT, HIDDEN), dtype=jnp.float32, minval=-s1, maxval=s1)
    b1 = jnp.zeros((HIDDEN,), dtype=jnp.float32)
    s2 = float(np.sqrt(6.0 / (HIDDEN + N_CLASSES)))
    W2 = jax.random.uniform(k4, (HIDDEN, N_CLASSES), dtype=jnp.float32, minval=-s2, maxval=s2)
    b2 = jnp.zeros((N_CLASSES,), dtype=jnp.float32)
    return {"x": x, "edge_index": edge_index, "W1": W1, "b1": b1, "W2": W2, "b2": b2}


def reference(x, edge_index, W1, b1, W2, b2):
    h = gcn_conv(x, edge_index, W1, b1)
    h = jax.nn.relu(h)
    # F.dropout in eval mode is identity (deterministic reference)
    out = gcn_conv(h, edge_index, W2, b2)
    return out

if __name__ == "__main__":
    import jax
    _d = setup_inputs()
    print(jax.jit(kernel)(*tuple(_d.values())))

</pallas_src>

<mosaic_0001>
#map = affine_map<(d0, d1) -> (0, 0)>
module attributes {stable_mosaic.version = 14 : i64} {
  func.func @k(%arg0: i32, %arg1: i32, %arg2: memref<32x10000xi32, #tpu.memory_space<hbm>>, %arg3: memref<32x10000xf32, #tpu.memory_space<hbm>>, %arg4: memref<10000xi32, #tpu.memory_space<vmem>>, %arg5: memref<10000xf32, #tpu.memory_space<vmem>>) attributes {dimension_semantics = [#tpu.dimension_semantics<core_parallel>, #tpu.dimension_semantics<subcore_parallel>], iteration_bounds = array<i64: 2, 16>, scalar_prefetch = 0 : i64, scratch_operands = 2 : i64, tpu.core_type = #tpu.core_type<sc_vector_subcore>, window_params = [{transform_indices = #map}, {transform_indices = #map}]} {
    %mul3A = arith.constant 16 : i32
    %mul3A_0 = arith.muli %arg0, %mul3A : i32
    %add3A = arith.addi %mul3A_0, %arg1 : i32
    "tpu.region"() ({
      %run_scoped3A = tpu.sem_alloc : memref<!tpu.dma_semaphore, #tpu.memory_space<semaphore_mem>>
      %dma_start3A = arith.constant 0 : i32
      %dma_start3A_13 = tpu.memref_slice %arg2[%add3A, %dma_start3A] : memref<32x10000xi32, #tpu.memory_space<hbm>> -> memref<1x10000xi32, #tpu.memory_space<hbm>>
      %dma_start3A_14 = tpu.memref_squeeze %dma_start3A_13 : memref<1x10000xi32, #tpu.memory_space<hbm>> -> memref<10000xi32, #tpu.memory_space<hbm>>
      %dma_start3A_15 = arith.constant 0 : i32
      %dma_start3A_16 = tpu.memref_slice %arg2[%add3A, %dma_start3A_15] : memref<32x10000xi32, #tpu.memory_space<hbm>> -> memref<1x10000xi32, #tpu.memory_space<hbm>>
      %dma_start3A_17 = tpu.memref_squeeze %dma_start3A_16 : memref<1x10000xi32, #tpu.memory_space<hbm>> -> memref<10000xi32, #tpu.memory_space<hbm>>
      tpu.enqueue_dma source(%dma_start3A_17 : memref<10000xi32, #tpu.memory_space<hbm>>) target(%arg4 : memref<10000xi32, #tpu.memory_space<vmem>>) target_semaphore(%run_scoped3A : memref<!tpu.dma_semaphore, #tpu.memory_space<semaphore_mem>>)
      %dma_wait3A = arith.constant 0 : i32
      %dma_wait3A_18 = tpu.memref_slice %arg2[%add3A, %dma_wait3A] : memref<32x10000xi32, #tpu.memory_space<hbm>> -> memref<1x10000xi32, #tpu.memory_space<hbm>>
      %dma_wait3A_19 = tpu.memref_squeeze %dma_wait3A_18 : memref<1x10000xi32, #tpu.memory_space<hbm>> -> memref<10000xi32, #tpu.memory_space<hbm>>
      %dma_wait3A_20 = arith.constant 0 : i32
      %dma_wait3A_21 = tpu.memref_slice %arg2[%add3A, %dma_wait3A_20] : memref<32x10000xi32, #tpu.memory_space<hbm>> -> memref<1x10000xi32, #tpu.memory_space<hbm>>
      %dma_wait3A_22 = tpu.memref_squeeze %dma_wait3A_21 : memref<1x10000xi32, #tpu.memory_space<hbm>> -> memref<10000xi32, #tpu.memory_space<hbm>>
      tpu.wait_dma2 semaphore(%run_scoped3A : memref<!tpu.dma_semaphore, #tpu.memory_space<semaphore_mem>>) src(%dma_wait3A_22 : memref<10000xi32, #tpu.memory_space<hbm>>) dst(%arg4 : memref<10000xi32, #tpu.memory_space<vmem>>)
      tpu.yield
    }) : () -> ()
    %scan3A = arith.constant 0 : i32
    %scan3A_1 = arith.constant 0 : i32
    %scan3A_2 = arith.constant 625 : i32
    %scan3A_3 = arith.addi %scan3A_1, %scan3A_2 : i32
    %scan3A_4 = arith.constant 1 : i32
    scf.for %scan3A_13 = %scan3A_1 to %scan3A_3 step %scan3A_4  : i32 {
      %broadcast_in_dim3A_14 = arith.constant 0.000000e+00 : f32
      %broadcast_in_dim3A_15 = vector.broadcast %broadcast_in_dim3A_14 : f32 to vector<16xf32>
      %mul3A_16 = arith.constant 16 : i32
      %mul3A_17 = arith.muli %scan3A_13, %mul3A_16 : i32
      %multiple_of3A = tpu.assume_multiple %mul3A_17, 8 : i32
      %swap3A = arith.index_cast %multiple_of3A : i32 to index
      %swap3A_18 = tpu.vector_load %arg5[%swap3A] {strides = array<i32>} : memref<10000xf32, #tpu.memory_space<vmem>>, vector<16xf32>,
      tpu.vector_store %arg5[%swap3A], %broadcast_in_dim3A_15 {strides = array<i32>} : memref<10000xf32, #tpu.memory_space<vmem>>, vector<16xf32>,
    }
    %scan3A_5 = arith.constant 625 : i32
    %broadcast_in_dim3A = arith.constant 1.000000e+00 : f32
    %broadcast_in_dim3A_6 = vector.broadcast %broadcast_in_dim3A : f32 to vector<16xf32>
    %scan3A_7 = arith.constant 0 : i32
    %scan3A_8 = arith.constant 0 : i32
    %scan3A_9 = arith.constant 625 : i32
    %scan3A_10 = arith.addi %scan3A_8, %scan3A_9 : i32
    %scan3A_11 = arith.constant 1 : i32
    scf.for %scan3A_13 = %scan3A_8 to %scan3A_10 step %scan3A_11  : i32 {
      %mul3A_14 = arith.constant 16 : i32
      %mul3A_15 = arith.muli %scan3A_13, %mul3A_14 : i32
      %multiple_of3A = tpu.assume_multiple %mul3A_15, 8 : i32
      %get3A = arith.index_cast %multiple_of3A : i32 to index
      %get3A_16 = tpu.vector_load %arg4[%get3A] {strides = array<i32>} : memref<10000xi32, #tpu.memory_space<vmem>>, vector<16xi32>,
      tpu.vector_store_idx %arg5[%get3A_16], %broadcast_in_dim3A_6 {add = true} : memref<10000xf32, #tpu.memory_space<vmem>>[vector<16xi32>], vector<16xf32>,
    }
    %scan3A_12 = arith.constant 625 : i32
    "tpu.region"() ({
      %run_scoped3A = tpu.sem_alloc : memref<!tpu.dma_semaphore, #tpu.memory_space<semaphore_mem>>
      %dma_start3A = arith.constant 0 : i32
      %dma_start3A_13 = tpu.memref_slice %arg3[%add3A, %dma_start3A] : memref<32x10000xf32, #tpu.memory_space<hbm>> -> memref<1x10000xf32, #tpu.memory_space<hbm>>
      %dma_start3A_14 = tpu.memref_squeeze %dma_start3A_13 : memref<1x10000xf32, #tpu.memory_space<hbm>> -> memref<10000xf32, #tpu.memory_space<hbm>>
      %dma_start3A_15 = arith.constant 0 : i32
      %dma_start3A_16 = tpu.memref_slice %arg3[%add3A, %dma_start3A_15] : memref<32x10000xf32, #tpu.memory_space<hbm>> -> memref<1x10000xf32, #tpu.memory_space<hbm>>
      %dma_start3A_17 = tpu.memref_squeeze %dma_start3A_16 : memref<1x10000xf32, #tpu.memory_space<hbm>> -> memref<10000xf32, #tpu.memory_space<hbm>>
      tpu.enqueue_dma source(%arg5 : memref<10000xf32, #tpu.memory_space<vmem>>) target(%dma_start3A_17 : memref<10000xf32, #tpu.memory_space<hbm>>) target_semaphore(%run_scoped3A : memref<!tpu.dma_semaphore, #tpu.memory_space<semaphore_mem>>)
      %dma_wait3A = arith.constant 0 : i32
      %dma_wait3A_18 = tpu.memref_slice %arg3[%add3A, %dma_wait3A] : memref<32x10000xf32, #tpu.memory_space<hbm>> -> memref<1x10000xf32, #tpu.memory_space<hbm>>
      %dma_wait3A_19 = tpu.memref_squeeze %dma_wait3A_18 : memref<1x10000xf32, #tpu.memory_space<hbm>> -> memref<10000xf32, #tpu.memory_space<hbm>>
      %dma_wait3A_20 = arith.constant 0 : i32
      %dma_wait3A_21 = tpu.memref_slice %arg3[%add3A, %dma_wait3A_20] : memref<32x10000xf32, #tpu.memory_space<hbm>> -> memref<1x10000xf32, #tpu.memory_space<hbm>>
      %dma_wait3A_22 = tpu.memref_squeeze %dma_wait3A_21 : memref<1x10000xf32, #tpu.memory_space<hbm>> -> memref<10000xf32, #tpu.memory_space<hbm>>
      tpu.wait_dma2 semaphore(%run_scoped3A : memref<!tpu.dma_semaphore, #tpu.memory_space<semaphore_mem>>) src(%arg5 : memref<10000xf32, #tpu.memory_space<vmem>>) dst(%dma_wait3A_22 : memref<10000xf32, #tpu.memory_space<hbm>>)
      tpu.yield
    }) : () -> ()
    return
  }
}

#map = affine_map<(d0, d1) -> (0, 0)>
#map1 = affine_map<(d0, d1) -> (0, 0, 0)>
module attributes {stable_mosaic.version = 14 : i64} {
  func.func @k(%arg0: i32, %arg1: i32, %arg2: memref<10000x128xf32, #tpu.memory_space<hbm>>, %arg3: memref<32x10000xi32, #tpu.memory_space<hbm>>, %arg4: memref<32x125x80xi32, #tpu.memory_space<hbm>>, %arg5: memref<10112x128xf32, #tpu.memory_space<hbm>>, %arg6: memref<2x10112x128xf32, #tpu.memory_space<hbm>>, %arg7: memref<10000xi32, #tpu.memory_space<vmem>>, %arg8: memref<125x80xi32, #tpu.memory_space<vmem>>, %arg9: memref<1x80x128xf32, #tpu.memory_space<vmem>>, %arg10: memref<1x1x1xf32, #tpu.memory_space<vmem>>, %arg11: memref<10112x128xf32, #tpu.memory_space<vmem_shared>>, %arg12: memref<!tpu.dma_semaphore, #tpu.memory_space<semaphore_mem>>, %arg13: memref<!tpu.dma_semaphore, #tpu.memory_space<semaphore_mem>>, %arg14: memref<!tpu.dma_semaphore, #tpu.memory_space<semaphore_mem>>, %arg15: memref<!tpu.dma_semaphore, #tpu.memory_space<semaphore_mem>>) attributes {dimension_semantics = [#tpu.dimension_semantics<core_parallel>, #tpu.dimension_semantics<subcore_parallel>], iteration_bounds = array<i64: 2, 16>, scalar_prefetch = 0 : i64, scratch_operands = 9 : i64, tpu.core_type = #tpu.core_type<sc_vector_subcore>, window_params = [{transform_indices = #map}, {transform_indices = #map}, {transform_indices = #map1}, {transform_indices = #map}, {transform_indices = #map1}]} {
    %mul3A = arith.constant 16 : i32
    %mul3A_0 = arith.muli %arg0, %mul3A : i32
    %add3A = arith.addi %mul3A_0, %arg1 : i32
    %mul3A_1 = arith.constant 632 : i32
    %mul3A_2 = arith.muli %arg1, %mul3A_1 : i32
    %mul3A_3 = arith.constant 632 : i32
    %mul3A_4 = arith.muli %arg1, %mul3A_3 : i32
    "tpu.region"() ({
      %run_scoped3A = tpu.sem_alloc : memref<!tpu.dma_semaphore, #tpu.memory_space<semaphore_mem>>
      %dma_start3A = arith.constant 0 : i32
      %dma_start3A_15 = tpu.memref_slice %arg11[%mul3A_4, %dma_start3A] : memref<10112x128xf32, #tpu.memory_space<vmem_shared>> -> memref<632x128xf32, #tpu.memory_space<vmem_shared>>
      %dma_start3A_16 = arith.constant 0 : i32
      %dma_start3A_17 = tpu.memref_slice %arg5[%mul3A_2, %dma_start3A_16] : memref<10112x128xf32, #tpu.memory_space<hbm>> -> memref<632x128xf32, #tpu.memory_space<hbm>>
      tpu.enqueue_dma source(%dma_start3A_17 : memref<632x128xf32, #tpu.memory_space<hbm>>) target(%dma_start3A_15 : memref<632x128xf32, #tpu.memory_space<vmem_shared>>) target_semaphore(%run_scoped3A : memref<!tpu.dma_semaphore, #tpu.memory_space<semaphore_mem>>)
      %dma_wait3A = arith.constant 0 : i32
      %dma_wait3A_18 = tpu.memref_slice %arg11[%mul3A_4, %dma_wait3A] : memref<10112x128xf32, #tpu.memory_space<vmem_shared>> -> memref<632x128xf32, #tpu.memory_space<vmem_shared>>
      %dma_wait3A_19 = arith.constant 0 : i32
      %dma_wait3A_20 = tpu.memref_slice %arg5[%mul3A_2, %dma_wait3A_19] : memref<10112x128xf32, #tpu.memory_space<hbm>> -> memref<632x128xf32, #tpu.memory_space<hbm>>
      tpu.wait_dma2 semaphore(%run_scoped3A : memref<!tpu.dma_semaphore, #tpu.memory_space<semaphore_mem>>) src(%dma_wait3A_20 : memref<632x128xf32, #tpu.memory_space<hbm>>) dst(%dma_wait3A_18 : memref<632x128xf32, #tpu.memory_space<vmem_shared>>)
      tpu.yield
    }) : () -> ()
    "tpu.region"() ({
      %run_scoped3A = tpu.sem_alloc : memref<!tpu.dma_semaphore, #tpu.memory_space<semaphore_mem>>
      %dma_start3A = arith.constant 0 : i32
      %dma_start3A_15 = tpu.memref_slice %arg3[%add3A, %dma_start3A] : memref<32x10000xi32, #tpu.memory_space<hbm>> -> memref<1x10000xi32, #tpu.memory_space<hbm>>
      %dma_start3A_16 = tpu.memref_squeeze %dma_start3A_15 : memref<1x10000xi32, #tpu.memory_space<hbm>> -> memref<10000xi32, #tpu.memory_space<hbm>>
      %dma_start3A_17 = arith.constant 0 : i32
      %dma_start3A_18 = tpu.memref_slice %arg3[%add3A, %dma_start3A_17] : memref<32x10000xi32, #tpu.memory_space<hbm>> -> memref<1x10000xi32, #tpu.memory_space<hbm>>
      %dma_start3A_19 = tpu.memref_squeeze %dma_start3A_18 : memref<1x10000xi32, #tpu.memory_space<hbm>> -> memref<10000xi32, #tpu.memory_space<hbm>>
      tpu.enqueue_dma source(%dma_start3A_19 : memref<10000xi32, #tpu.memory_space<hbm>>) target(%arg7 : memref<10000xi32, #tpu.memory_space<vmem>>) target_semaphore(%run_scoped3A : memref<!tpu.dma_semaphore, #tpu.memory_space<semaphore_mem>>)
      %dma_wait3A = arith.constant 0 : i32
      %dma_wait3A_20 = tpu.memref_slice %arg3[%add3A, %dma_wait3A] : memref<32x10000xi32, #tpu.memory_space<hbm>> -> memref<1x10000xi32, #tpu.memory_space<hbm>>
      %dma_wait3A_21 = tpu.memref_squeeze %dma_wait3A_20 : memref<1x10000xi32, #tpu.memory_space<hbm>> -> memref<10000xi32, #tpu.memory_space<hbm>>
      %dma_wait3A_22 = arith.constant 0 : i32
      %dma_wait3A_23 = tpu.memref_slice %arg3[%add3A, %dma_wait3A_22] : memref<32x10000xi32, #tpu.memory_space<hbm>> -> memref<1x10000xi32, #tpu.memory_space<hbm>>
      %dma_wait3A_24 = tpu.memref_squeeze %dma_wait3A_23 : memref<1x10000xi32, #tpu.memory_space<hbm>> -> memref<10000xi32, #tpu.memory_space<hbm>>
      tpu.wait_dma2 semaphore(%run_scoped3A : memref<!tpu.dma_semaphore, #tpu.memory_space<semaphore_mem>>) src(%dma_wait3A_24 : memref<10000xi32, #tpu.memory_space<hbm>>) dst(%arg7 : memref<10000xi32, #tpu.memory_space<vmem>>)
      tpu.yield
    }) : () -> ()
    "tpu.region"() ({
      %run_scoped3A = tpu.sem_alloc : memref<!tpu.dma_semaphore, #tpu.memory_space<semaphore_mem>>
      %dma_start3A = arith.constant 0 : i32
      %dma_start3A_15 = arith.constant 0 : i32
      %dma_start3A_16 = tpu.memref_slice %arg4[%add3A, %dma_start3A, %dma_start3A_15] : memref<32x125x80xi32, #tpu.memory_space<hbm>> -> memref<1x125x80xi32, #tpu.memory_space<hbm>>
      %dma_start3A_17 = tpu.memref_squeeze %dma_start3A_16 : memref<1x125x80xi32, #tpu.memory_space<hbm>> -> memref<125x80xi32, #tpu.memory_space<hbm>>
      %dma_start3A_18 = arith.constant 0 : i32
      %dma_start3A_19 = arith.constant 0 : i32
      %dma_start3A_20 = tpu.memref_slice %arg4[%add3A, %dma_start3A_18, %dma_start3A_19] : memref<32x125x80xi32, #tpu.memory_space<hbm>> -> memref<1x125x80xi32, #tpu.memory_space<hbm>>
      %dma_start3A_21 = tpu.memref_squeeze %dma_start3A_20 : memref<1x125x80xi32, #tpu.memory_space<hbm>> -> memref<125x80xi32, #tpu.memory_space<hbm>>
      tpu.enqueue_dma source(%dma_start3A_21 : memref<125x80xi32, #tpu.memory_space<hbm>>) target(%arg8 : memref<125x80xi32, #tpu.memory_space<vmem>>) target_semaphore(%run_scoped3A : memref<!tpu.dma_semaphore, #tpu.memory_space<semaphore_mem>>)
      %dma_wait3A = arith.constant 0 : i32
      %dma_wait3A_22 = arith.constant 0 : i32
      %dma_wait3A_23 = tpu.memref_slice %arg4[%add3A, %dma_wait3A, %dma_wait3A_22] : memref<32x125x80xi32, #tpu.memory_space<hbm>> -> memref<1x125x80xi32, #tpu.memory_space<hbm>>
      %dma_wait3A_24 = tpu.memref_squeeze %dma_wait3A_23 : memref<1x125x80xi32, #tpu.memory_space<hbm>> -> memref<125x80xi32, #tpu.memory_space<hbm>>
      %dma_wait3A_25 = arith.constant 0 : i32
      %dma_wait3A_26 = arith.constant 0 : i32
      %dma_wait3A_27 = tpu.memref_slice %arg4[%add3A, %dma_wait3A_25, %dma_wait3A_26] : memref<32x125x80xi32, #tpu.memory_space<hbm>> -> memref<1x125x80xi32, #tpu.memory_space<hbm>>
      %dma_wait3A_28 = tpu.memref_squeeze %dma_wait3A_27 : memref<1x125x80xi32, #tpu.memory_space<hbm>> -> memref<125x80xi32, #tpu.memory_space<hbm>>
      tpu.wait_dma2 semaphore(%run_scoped3A : memref<!tpu.dma_semaphore, #tpu.memory_space<semaphore_mem>>) src(%dma_wait3A_28 : memref<125x80xi32, #tpu.memory_space<hbm>>) dst(%arg8 : memref<125x80xi32, #tpu.memory_space<vmem>>)
      tpu.yield
    }) : () -> ()
    %barrier3A = arith.constant 0 : index
    tpu.barrier barrier_id(%barrier3A)
    %scan3A = arith.constant 0 : i32
    %scan3A_5 = arith.constant 0 : i32
    %scan3A_6 = arith.constant 125 : i32
    %scan3A_7 = arith.addi %scan3A_5, %scan3A_6 : i32
    %scan3A_8 = arith.constant 1 : i32
    scf.for %scan3A_15 = %scan3A_5 to %scan3A_7 step %scan3A_8  : i32 {
      %mul3A_16 = arith.constant 80 : i32
      %mul3A_17 = arith.muli %scan3A_15, %mul3A_16 : i32
      %multiple_of3A = tpu.assume_multiple %mul3A_17, 8 : i32
      %run_scoped3A = arith.constant 0 : i32
      "tpu.region"() ({
        %run_scoped3A_19 = tpu.sem_alloc : memref<!tpu.dma_semaphore, #tpu.memory_space<semaphore_mem>>
        %dma_start3A = arith.constant 0 : i32
        %dma_start3A_20 = arith.constant 0 : i32
        %dma_start3A_21 = tpu.memref_slice %arg9[%run_scoped3A, %dma_start3A, %dma_start3A_20] : memref<1x80x128xf32, #tpu.memory_space<vmem>> -> memref<1x80x128xf32, #tpu.memory_space<vmem>>
        %dma_start3A_22 = tpu.memref_squeeze %dma_start3A_21 : memref<1x80x128xf32, #tpu.memory_space<vmem>> -> memref<80x128xf32, #tpu.memory_space<vmem>>
        %dma_start3A_23 = tpu.memref_slice %arg7[%multiple_of3A] : memref<10000xi32, #tpu.memory_space<vmem>> -> memref<80xi32, #tpu.memory_space<vmem>>
        %dma_start3A_24 = arith.constant 0 : i32
        %dma_start3A_25 = arith.constant 0 : i32
        %dma_start3A_26 = tpu.memref_slice %arg2[%dma_start3A_24, %dma_start3A_25] : memref<10000x128xf32, #tpu.memory_space<hbm>> -> memref<10000x128xf32, #tpu.memory_space<hbm>>
        tpu.enqueue_indirect_dma source(%dma_start3A_26 : memref<10000x128xf32, #tpu.memory_space<hbm>>) target(%dma_start3A_22 : memref<80x128xf32, #tpu.memory_space<vmem>>) offsets(%dma_start3A_23 : memref<80xi32, #tpu.memory_space<vmem>>) semaphore(%run_scoped3A_19 : memref<!tpu.dma_semaphore, #tpu.memory_space<semaphore_mem>>)
        %dma_wait3A = arith.constant 0 : i32
        %dma_wait3A_27 = arith.constant 0 : i32
        %dma_wait3A_28 = tpu.memref_slice %arg9[%run_scoped3A, %dma_wait3A, %dma_wait3A_27] : memref<1x80x128xf32, #tpu.memory_space<vmem>> -> memref<1x80x128xf32, #tpu.memory_space<vmem>>
        %dma_wait3A_29 = tpu.memref_squeeze %dma_wait3A_28 : memref<1x80x128xf32, #tpu.memory_space<vmem>> -> memref<80x128xf32, #tpu.memory_space<vmem>>
        %dma_wait3A_30 = tpu.memref_slice %arg7[%multiple_of3A] : memref<10000xi32, #tpu.memory_space<vmem>> -> memref<80xi32, #tpu.memory_space<vmem>>
        %dma_wait3A_31 = arith.constant 0 : i32
        %dma_wait3A_32 = arith.constant 0 : i32
        %dma_wait3A_33 = tpu.memref_slice %arg2[%dma_wait3A_31, %dma_wait3A_32] : memref<10000x128xf32, #tpu.memory_space<hbm>> -> memref<10000x128xf32, #tpu.memory_space<hbm>>
        tpu.wait_indirect_dma semaphore(%run_scoped3A_19 : memref<!tpu.dma_semaphore, #tpu.memory_space<semaphore_mem>>) src(%dma_wait3A_33 : memref<10000x128xf32, #tpu.memory_space<hbm>>) dst(%dma_wait3A_29 : memref<80x128xf32, #tpu.memory_space<vmem>>)
        tpu.yield
      }) : () -> ()
      %run_scoped3A_18 = arith.constant 0 : i32
      "tpu.region"() ({
        %run_scoped3A_19 = tpu.sem_alloc : memref<!tpu.dma_semaphore, #tpu.memory_space<semaphore_mem>>
        %dma_start3A = arith.constant 0 : i32
        %dma_start3A_20 = arith.constant 0 : i32
        %dma_start3A_21 = tpu.memref_slice %arg9[%run_scoped3A_18, %dma_start3A, %dma_start3A_20] : memref<1x80x128xf32, #tpu.memory_space<vmem>> -> memref<1x80x128xf32, #tpu.memory_space<vmem>>
        %dma_start3A_22 = tpu.memref_squeeze %dma_start3A_21 : memref<1x80x128xf32, #tpu.memory_space<vmem>> -> memref<80x128xf32, #tpu.memory_space<vmem>>
        %dma_start3A_23 = arith.constant 0 : i32
        %dma_start3A_24 = tpu.memref_slice %arg8[%scan3A_15, %dma_start3A_23] : memref<125x80xi32, #tpu.memory_space<vmem>> -> memref<1x80xi32, #tpu.memory_space<vmem>>
        %dma_start3A_25 = tpu.memref_squeeze %dma_start3A_24 : memref<1x80xi32, #tpu.memory_space<vmem>> -> memref<80xi32, #tpu.memory_space<vmem>>
        %dma_start3A_26 = arith.constant 0 : i32
        %dma_start3A_27 = arith.constant 0 : i32
        %dma_start3A_28 = tpu.memref_slice %arg11[%dma_start3A_26, %dma_start3A_27] : memref<10112x128xf32, #tpu.memory_space<vmem_shared>> -> memref<10112x128xf32, #tpu.memory_space<vmem_shared>>
        tpu.enqueue_indirect_dma source(%dma_start3A_22 : memref<80x128xf32, #tpu.memory_space<vmem>>) target(%dma_start3A_28 : memref<10112x128xf32, #tpu.memory_space<vmem_shared>>) offsets(%dma_start3A_25 : memref<80xi32, #tpu.memory_space<vmem>>) semaphore(%run_scoped3A_19 : memref<!tpu.dma_semaphore, #tpu.memory_space<semaphore_mem>>) {add = true}
        %dma_wait3A = arith.constant 0 : i32
        %dma_wait3A_29 = arith.constant 0 : i32
        %dma_wait3A_30 = tpu.memref_slice %arg9[%run_scoped3A_18, %dma_wait3A, %dma_wait3A_29] : memref<1x80x128xf32, #tpu.memory_space<vmem>> -> memref<1x80x128xf32, #tpu.memory_space<vmem>>
        %dma_wait3A_31 = tpu.memref_squeeze %dma_wait3A_30 : memref<1x80x128xf32, #tpu.memory_space<vmem>> -> memref<80x128xf32, #tpu.memory_space<vmem>>
        %dma_wait3A_32 = arith.constant 0 : i32
        %dma_wait3A_33 = tpu.memref_slice %arg8[%scan3A_15, %dma_wait3A_32] : memref<125x80xi32, #tpu.memory_space<vmem>> -> memref<1x80xi32, #tpu.memory_space<vmem>>
        %dma_wait3A_34 = tpu.memref_squeeze %dma_wait3A_33 : memref<1x80xi32, #tpu.memory_space<vmem>> -> memref<80xi32, #tpu.memory_space<vmem>>
        %dma_wait3A_35 = arith.constant 0 : i32
        %dma_wait3A_36 = arith.constant 0 : i32
        %dma_wait3A_37 = tpu.memref_slice %arg11[%dma_wait3A_35, %dma_wait3A_36] : memref<10112x128xf32, #tpu.memory_space<vmem_shared>> -> memref<10112x128xf32, #tpu.memory_space<vmem_shared>>
        tpu.wait_indirect_dma semaphore(%run_scoped3A_19 : memref<!tpu.dma_semaphore, #tpu.memory_space<semaphore_mem>>) src(%dma_wait3A_31 : memref<80x128xf32, #tpu.memory_space<vmem>>) dst(%dma_wait3A_37 : memref<10112x128xf32, #tpu.memory_space<vmem_shared>>)
        tpu.yield
      }) : () -> ()
    }
    %scan3A_9 = arith.constant 125 : i32
    %barrier3A_10 = arith.constant 0 : index
    tpu.barrier barrier_id(%barrier3A_10)
    %mul3A_11 = arith.constant 632 : i32
    %mul3A_12 = arith.muli %arg1, %mul3A_11 : i32
    %mul3A_13 = arith.constant 632 : i32
    %mul3A_14 = arith.muli %arg1, %mul3A_13 : i32
    "tpu.region"() ({
      %run_scoped3A = tpu.sem_alloc : memref<!tpu.dma_semaphore, #tpu.memory_space<semaphore_mem>>
      %dma_start3A = arith.constant 0 : i32
      %dma_start3A_15 = tpu.memref_slice %arg6[%arg0, %mul3A_14, %dma_start3A] : memref<2x10112x128xf32, #tpu.memory_space<hbm>> -> memref<1x632x128xf32, #tpu.memory_space<hbm>>
      %dma_start3A_16 = tpu.memref_squeeze %dma_start3A_15 : memref<1x632x128xf32, #tpu.memory_space<hbm>> -> memref<632x128xf32, #tpu.memory_space<hbm>>
      %dma_start3A_17 = arith.constant 0 : i32
      %dma_start3A_18 = tpu.memref_slice %arg11[%mul3A_12, %dma_start3A_17] : memref<10112x128xf32, #tpu.memory_space<vmem_shared>> -> memref<632x128xf32, #tpu.memory_space<vmem_shared>>
      tpu.enqueue_dma source(%dma_start3A_18 : memref<632x128xf32, #tpu.memory_space<vmem_shared>>) target(%dma_start3A_16 : memref<632x128xf32, #tpu.memory_space<hbm>>) target_semaphore(%run_scoped3A : memref<!tpu.dma_semaphore, #tpu.memory_space<semaphore_mem>>)
      %dma_wait3A = arith.constant 0 : i32
      %dma_wait3A_19 = tpu.memref_slice %arg6[%arg0, %mul3A_14, %dma_wait3A] : memref<2x10112x128xf32, #tpu.memory_space<hbm>> -> memref<1x632x128xf32, #tpu.memory_space<hbm>>
      %dma_wait3A_20 = tpu.memref_squeeze %dma_wait3A_19 : memref<1x632x128xf32, #tpu.memory_space<hbm>> -> memref<632x128xf32, #tpu.memory_space<hbm>>
      %dma_wait3A_21 = arith.constant 0 : i32
      %dma_wait3A_22 = tpu.memref_slice %arg11[%mul3A_12, %dma_wait3A_21] : memref<10112x128xf32, #tpu.memory_space<vmem_shared>> -> memref<632x128xf32, #tpu.memory_space<vmem_shared>>
      tpu.wait_dma2 semaphore(%run_scoped3A : memref<!tpu.dma_semaphore, #tpu.memory_space<semaphore_mem>>) src(%dma_wait3A_22 : memref<632x128xf32, #tpu.memory_space<vmem_shared>>) dst(%dma_wait3A_20 : memref<632x128xf32, #tpu.memory_space<hbm>>)
      tpu.yield
    }) : () -> ()
    return
  }
}

#map = affine_map<(d0, d1) -> (0, 0)>
#map1 = affine_map<(d0, d1) -> (0, 0, 0)>
module attributes {stable_mosaic.version = 14 : i64} {
  func.func @k(%arg0: i32, %arg1: i32, %arg2: memref<10000x16xf32, #tpu.memory_space<hbm>>, %arg3: memref<32x10240xi32, #tpu.memory_space<hbm>>, %arg4: memref<32x80x128xi32, #tpu.memory_space<hbm>>, %arg5: memref<10112x16xf32, #tpu.memory_space<hbm>>, %arg6: memref<2x10112x16xf32, #tpu.memory_space<hbm>>, %arg7: memref<10240xi32, #tpu.memory_space<vmem>>, %arg8: memref<80x128xi32, #tpu.memory_space<vmem>>, %arg9: memref<8x128x16xf32, #tpu.memory_space<vmem>>, %arg10: memref<8x128x16xf32, #tpu.memory_space<vmem>>, %arg11: memref<10112x16xf32, #tpu.memory_space<vmem_shared>>, %arg12: memref<!tpu.dma_semaphore, #tpu.memory_space<semaphore_mem>>, %arg13: memref<!tpu.dma_semaphore, #tpu.memory_space<semaphore_mem>>, %arg14: memref<!tpu.dma_semaphore, #tpu.memory_space<semaphore_mem>>, %arg15: memref<!tpu.dma_semaphore, #tpu.memory_space<semaphore_mem>>) attributes {dimension_semantics = [#tpu.dimension_semantics<core_parallel>, #tpu.dimension_semantics<subcore_parallel>], iteration_bounds = array<i64: 2, 16>, scalar_prefetch = 0 : i64, scratch_operands = 9 : i64, tpu.core_type = #tpu.core_type<sc_vector_subcore>, window_params = [{transform_indices = #map}, {transform_indices = #map}, {transform_indices = #map1}, {transform_indices = #map}, {transform_indices = #map1}]} {
    %mul3A = arith.constant 16 : i32
    %mul3A_0 = arith.muli %arg0, %mul3A : i32
    %add3A = arith.addi %mul3A_0, %arg1 : i32
    %mul3A_1 = arith.constant 632 : i32
    %mul3A_2 = arith.muli %arg1, %mul3A_1 : i32
    %mul3A_3 = arith.constant 632 : i32
    %mul3A_4 = arith.muli %arg1, %mul3A_3 : i32
    "tpu.region"() ({
      %run_scoped3A = tpu.sem_alloc : memref<!tpu.dma_semaphore, #tpu.memory_space<semaphore_mem>>
      %dma_start3A_196 = arith.constant 0 : i32
      %dma_start3A_197 = tpu.memref_slice %arg11[%mul3A_4, %dma_start3A_196] : memref<10112x16xf32, #tpu.memory_space<vmem_shared>> -> memref<632x16xf32, #tpu.memory_space<vmem_shared>>
      %dma_start3A_198 = arith.constant 0 : i32
      %dma_start3A_199 = tpu.memref_slice %arg5[%mul3A_2, %dma_start3A_198] : memref<10112x16xf32, #tpu.memory_space<hbm>> -> memref<632x16xf32, #tpu.memory_space<hbm>>
      tpu.enqueue_dma source(%dma_start3A_199 : memref<632x16xf32, #tpu.memory_space<hbm>>) target(%dma_start3A_197 : memref<632x16xf32, #tpu.memory_space<vmem_shared>>) target_semaphore(%run_scoped3A : memref<!tpu.dma_semaphore, #tpu.memory_space<semaphore_mem>>)
      %dma_wait3A_200 = arith.constant 0 : i32
      %dma_wait3A_201 = tpu.memref_slice %arg11[%mul3A_4, %dma_wait3A_200] : memref<10112x16xf32, #tpu.memory_space<vmem_shared>> -> memref<632x16xf32, #tpu.memory_space<vmem_shared>>
      %dma_wait3A_202 = arith.constant 0 : i32
      %dma_wait3A_203 = tpu.memref_slice %arg5[%mul3A_2, %dma_wait3A_202] : memref<10112x16xf32, #tpu.memory_space<hbm>> -> memref<632x16xf32, #tpu.memory_space<hbm>>
      tpu.wait_dma2 semaphore(%run_scoped3A : memref<!tpu.dma_semaphore, #tpu.memory_space<semaphore_mem>>) src(%dma_wait3A_203 : memref<632x16xf32, #tpu.memory_space<hbm>>) dst(%dma_wait3A_201 : memref<632x16xf32, #tpu.memory_space<vmem_shared>>)
      tpu.yield
    }) : () -> ()
    "tpu.region"() ({
      %run_scoped3A = tpu.sem_alloc : memref<!tpu.dma_semaphore, #tpu.memory_space<semaphore_mem>>
      %dma_start3A_196 = arith.constant 0 : i32
      %dma_start3A_197 = tpu.memref_slice %arg3[%add3A, %dma_start3A_196] : memref<32x10240xi32, #tpu.memory_space<hbm>> -> memref<1x10240xi32, #tpu.memory_space<hbm>>
      %dma_start3A_198 = tpu.memref_squeeze %dma_start3A_197 : memref<1x10240xi32, #tpu.memory_space<hbm>> -> memref<10240xi32, #tpu.memory_space<hbm>>
      %dma_start3A_199 = arith.constant 0 : i32
      %dma_start3A_200 = tpu.memref_slice %arg3[%add3A, %dma_start3A_199] : memref<32x10240xi32, #tpu.memory_space<hbm>> -> memref<1x10240xi32, #tpu.memory_space<hbm>>
      %dma_start3A_201 = tpu.memref_squeeze %dma_start3A_200 : memref<1x10240xi32, #tpu.memory_space<hbm>> -> memref<10240xi32, #tpu.memory_space<hbm>>
      tpu.enqueue_dma source(%dma_start3A_201 : memref<10240xi32, #tpu.memory_space<hbm>>) target(%arg7 : memref<10240xi32, #tpu.memory_space<vmem>>) target_semaphore(%run_scoped3A : memref<!tpu.dma_semaphore, #tpu.memory_space<semaphore_mem>>)
      %dma_wait3A_202 = arith.constant 0 : i32
      %dma_wait3A_203 = tpu.memref_slice %arg3[%add3A, %dma_wait3A_202] : memref<32x10240xi32, #tpu.memory_space<hbm>> -> memref<1x10240xi32, #tpu.memory_space<hbm>>
      %dma_wait3A_204 = tpu.memref_squeeze %dma_wait3A_203 : memref<1x10240xi32, #tpu.memory_space<hbm>> -> memref<10240xi32, #tpu.memory_space<hbm>>
      %dma_wait3A_205 = arith.constant 0 : i32
      %dma_wait3A_206 = tpu.memref_slice %arg3[%add3A, %dma_wait3A_205] : memref<32x10240xi32, #tpu.memory_space<hbm>> -> memref<1x10240xi32, #tpu.memory_space<hbm>>
      %dma_wait3A_207 = tpu.memref_squeeze %dma_wait3A_206 : memref<1x10240xi32, #tpu.memory_space<hbm>> -> memref<10240xi32, #tpu.memory_space<hbm>>
      tpu.wait_dma2 semaphore(%run_scoped3A : memref<!tpu.dma_semaphore, #tpu.memory_space<semaphore_mem>>) src(%dma_wait3A_207 : memref<10240xi32, #tpu.memory_space<hbm>>) dst(%arg7 : memref<10240xi32, #tpu.memory_space<vmem>>)
      tpu.yield
    }) : () -> ()
    "tpu.region"() ({
      %run_scoped3A = tpu.sem_alloc : memref<!tpu.dma_semaphore, #tpu.memory_space<semaphore_mem>>
      %dma_start3A_196 = arith.constant 0 : i32
      %dma_start3A_197 = arith.constant 0 : i32
      %dma_start3A_198 = tpu.memref_slice %arg4[%add3A, %dma_start3A_196, %dma_start3A_197] : memref<32x80x128xi32, #tpu.memory_space<hbm>> -> memref<1x80x128xi32, #tpu.memory_space<hbm>>
      %dma_start3A_199 = tpu.memref_squeeze %dma_start3A_198 : memref<1x80x128xi32, #tpu.memory_space<hbm>> -> memref<80x128xi32, #tpu.memory_space<hbm>>
      %dma_start3A_200 = arith.constant 0 : i32
      %dma_start3A_201 = arith.constant 0 : i32
      %dma_start3A_202 = tpu.memref_slice %arg4[%add3A, %dma_start3A_200, %dma_start3A_201] : memref<32x80x128xi32, #tpu.memory_space<hbm>> -> memref<1x80x128xi32, #tpu.memory_space<hbm>>
      %dma_start3A_203 = tpu.memref_squeeze %dma_start3A_202 : memref<1x80x128xi32, #tpu.memory_space<hbm>> -> memref<80x128xi32, #tpu.memory_space<hbm>>
      tpu.enqueue_dma source(%dma_start3A_203 : memref<80x128xi32, #tpu.memory_space<hbm>>) target(%arg8 : memref<80x128xi32, #tpu.memory_space<vmem>>) target_semaphore(%run_scoped3A : memref<!tpu.dma_semaphore, #tpu.memory_space<semaphore_mem>>)
      %dma_wait3A_204 = arith.constant 0 : i32
      %dma_wait3A_205 = arith.constant 0 : i32
      %dma_wait3A_206 = tpu.memref_slice %arg4[%add3A, %dma_wait3A_204, %dma_wait3A_205] : memref<32x80x128xi32, #tpu.memory_space<hbm>> -> memref<1x80x128xi32, #tpu.memory_space<hbm>>
      %dma_wait3A_207 = tpu.memref_squeeze %dma_wait3A_206 : memref<1x80x128xi32, #tpu.memory_space<hbm>> -> memref<80x128xi32, #tpu.memory_space<hbm>>
      %dma_wait3A_208 = arith.constant 0 : i32
      %dma_wait3A_209 = arith.constant 0 : i32
      %dma_wait3A_210 = tpu.memref_slice %arg4[%add3A, %dma_wait3A_208, %dma_wait3A_209] : memref<32x80x128xi32, #tpu.memory_space<hbm>> -> memref<1x80x128xi32, #tpu.memory_space<hbm>>
      %dma_wait3A_211 = tpu.memref_squeeze %dma_wait3A_210 : memref<1x80x128xi32, #tpu.memory_space<hbm>> -> memref<80x128xi32, #tpu.memory_space<hbm>>
      tpu.wait_dma2 semaphore(%run_scoped3A : memref<!tpu.dma_semaphore, #tpu.memory_space<semaphore_mem>>) src(%dma_wait3A_211 : memref<80x128xi32, #tpu.memory_space<hbm>>) dst(%arg8 : memref<80x128xi32, #tpu.memory_space<vmem>>)
      tpu.yield
    }) : () -> ()
    %barrier3A = arith.constant 0 : index
    tpu.barrier barrier_id(%barrier3A)
    %multiple_of3A = arith.constant 0 : i32
    %multiple_of3A_5 = tpu.assume_multiple %multiple_of3A, 8 : i32
    %dma_start3A = arith.constant 0 : i32
    %dma_start3A_6 = arith.constant 0 : i32
    %dma_start3A_7 = arith.constant 0 : i32
    %dma_start3A_8 = tpu.memref_slice %arg9[%dma_start3A, %dma_start3A_6, %dma_start3A_7] : memref<8x128x16xf32, #tpu.memory_space<vmem>> -> memref<1x128x16xf32, #tpu.memory_space<vmem>>
    %dma_start3A_9 = tpu.memref_squeeze %dma_start3A_8 : memref<1x128x16xf32, #tpu.memory_space<vmem>> -> memref<128x16xf32, #tpu.memory_space<vmem>>
    %dma_start3A_10 = tpu.memref_slice %arg7[%multiple_of3A_5] : memref<10240xi32, #tpu.memory_space<vmem>> -> memref<128xi32, #tpu.memory_space<vmem>>
    %dma_start3A_11 = arith.constant 0 : i32
    %dma_start3A_12 = arith.constant 0 : i32
    %dma_start3A_13 = tpu.memref_slice %arg2[%dma_start3A_11, %dma_start3A_12] : memref<10000x16xf32, #tpu.memory_space<hbm>> -> memref<10000x16xf32, #tpu.memory_space<hbm>>
    tpu.enqueue_indirect_dma source(%dma_start3A_13 : memref<10000x16xf32, #tpu.memory_space<hbm>>) target(%dma_start3A_9 : memref<128x16xf32, #tpu.memory_space<vmem>>) offsets(%dma_start3A_10 : memref<128xi32, #tpu.memory_space<vmem>>) semaphore(%arg12 : memref<!tpu.dma_semaphore, #tpu.memory_space<semaphore_mem>>)
    %multiple_of3A_14 = arith.constant 128 : i32
    %multiple_of3A_15 = tpu.assume_multiple %multiple_of3A_14, 8 : i32
    %dma_start3A_16 = arith.constant 1 : i32
    %dma_start3A_17 = arith.constant 0 : i32
    %dma_start3A_18 = arith.constant 0 : i32
    %dma_start3A_19 = tpu.memref_slice %arg9[%dma_start3A_16, %dma_start3A_17, %dma_start3A_18] : memref<8x128x16xf32, #tpu.memory_space<vmem>> -> memref<1x128x16xf32, #tpu.memory_space<vmem>>
    %dma_start3A_20 = tpu.memref_squeeze %dma_start3A_19 : memref<1x128x16xf32, #tpu.memory_space<vmem>> -> memref<128x16xf32, #tpu.memory_space<vmem>>
    %dma_start3A_21 = tpu.memref_slice %arg7[%multiple_of3A_15] : memref<10240xi32, #tpu.memory_space<vmem>> -> memref<128xi32, #tpu.memory_space<vmem>>
    %dma_start3A_22 = arith.constant 0 : i32
    %dma_start3A_23 = arith.constant 0 : i32
    %dma_start3A_24 = tpu.memref_slice %arg2[%dma_start3A_22, %dma_start3A_23] : memref<10000x16xf32, #tpu.memory_space<hbm>> -> memref<10000x16xf32, #tpu.memory_space<hbm>>
    tpu.enqueue_indirect_dma source(%dma_start3A_24 : memref<10000x16xf32, #tpu.memory_space<hbm>>) target(%dma_start3A_20 : memref<128x16xf32, #tpu.memory_space<vmem>>) offsets(%dma_start3A_21 : memref<128xi32, #tpu.memory_space<vmem>>) semaphore(%arg12 : memref<!tpu.dma_semaphore, #tpu.memory_space<semaphore_mem>>)
    %multiple_of3A_25 = arith.constant 256 : i32
    %multiple_of3A_26 = tpu.assume_multiple %multiple_of3A_25, 8 : i32
    %dma_start3A_27 = arith.constant 2 : i32
    %dma_start3A_28 = arith.constant 0 : i32
    %dma_start3A_29 = arith.constant 0 : i32
    %dma_start3A_30 = tpu.memref_slice %arg9[%dma_start3A_27, %dma_start3A_28, %dma_start3A_29] : memref<8x128x16xf32, #tpu.memory_space<vmem>> -> memref<1x128x16xf32, #tpu.memory_space<vmem>>
    %dma_start3A_31 = tpu.memref_squeeze %dma_start3A_30 : memref<1x128x16xf32, #tpu.memory_space<vmem>> -> memref<128x16xf32, #tpu.memory_space<vmem>>
    %dma_start3A_32 = tpu.memref_slice %arg7[%multiple_of3A_26] : memref<10240xi32, #tpu.memory_space<vmem>> -> memref<128xi32, #tpu.memory_space<vmem>>
    %dma_start3A_33 = arith.constant 0 : i32
    %dma_start3A_34 = arith.constant 0 : i32
    %dma_start3A_35 = tpu.memref_slice %arg2[%dma_start3A_33, %dma_start3A_34] : memref<10000x16xf32, #tpu.memory_space<hbm>> -> memref<10000x16xf32, #tpu.memory_space<hbm>>
    tpu.enqueue_indirect_dma source(%dma_start3A_35 : memref<10000x16xf32, #tpu.memory_space<hbm>>) target(%dma_start3A_31 : memref<128x16xf32, #tpu.memory_space<vmem>>) offsets(%dma_start3A_32 : memref<128xi32, #tpu.memory_space<vmem>>) semaphore(%arg12 : memref<!tpu.dma_semaphore, #tpu.memory_space<semaphore_mem>>)
    %multiple_of3A_36 = arith.constant 384 : i32
    %multiple_of3A_37 = tpu.assume_multiple %multiple_of3A_36, 8 : i32
    %dma_start3A_38 = arith.constant 3 : i32
    %dma_start3A_39 = arith.constant 0 : i32
    %dma_start3A_40 = arith.constant 0 : i32
    %dma_start3A_41 = tpu.memref_slice %arg9[%dma_start3A_38, %dma_start3A_39, %dma_start3A_40] : memref<8x128x16xf32, #tpu.memory_space<vmem>> -> memref<1x128x16xf32, #tpu.memory_space<vmem>>
    %dma_start3A_42 = tpu.memref_squeeze %dma_start3A_41 : memref<1x128x16xf32, #tpu.memory_space<vmem>> -> memref<128x16xf32, #tpu.memory_space<vmem>>
    %dma_start3A_43 = tpu.memref_slice %arg7[%multiple_of3A_37] : memref<10240xi32, #tpu.memory_space<vmem>> -> memref<128xi32, #tpu.memory_space<vmem>>
    %dma_start3A_44 = arith.constant 0 : i32
    %dma_start3A_45 = arith.constant 0 : i32
    %dma_start3A_46 = tpu.memref_slice %arg2[%dma_start3A_44, %dma_start3A_45] : memref<10000x16xf32, #tpu.memory_space<hbm>> -> memref<10000x16xf32, #tpu.memory_space<hbm>>
    tpu.enqueue_indirect_dma source(%dma_start3A_46 : memref<10000x16xf32, #tpu.memory_space<hbm>>) target(%dma_start3A_42 : memref<128x16xf32, #tpu.memory_space<vmem>>) offsets(%dma_start3A_43 : memref<128xi32, #tpu.memory_space<vmem>>) semaphore(%arg12 : memref<!tpu.dma_semaphore, #tpu.memory_space<semaphore_mem>>)
    %multiple_of3A_47 = arith.constant 512 : i32
    %multiple_of3A_48 = tpu.assume_multiple %multiple_of3A_47, 8 : i32
    %dma_start3A_49 = arith.constant 4 : i32
    %dma_start3A_50 = arith.constant 0 : i32
    %dma_start3A_51 = arith.constant 0 : i32
    %dma_start3A_52 = tpu.memref_slice %arg9[%dma_start3A_49, %dma_start3A_50, %dma_start3A_51] : memref<8x128x16xf32, #tpu.memory_space<vmem>> -> memref<1x128x16xf32, #tpu.memory_space<vmem>>
    %dma_start3A_53 = tpu.memref_squeeze %dma_start3A_52 : memref<1x128x16xf32, #tpu.memory_space<vmem>> -> memref<128x16xf32, #tpu.memory_space<vmem>>
    %dma_start3A_54 = tpu.memref_slice %arg7[%multiple_of3A_48] : memref<10240xi32, #tpu.memory_space<vmem>> -> memref<128xi32, #tpu.memory_space<vmem>>
    %dma_start3A_55 = arith.constant 0 : i32
    %dma_start3A_56 = arith.constant 0 : i32
    %dma_start3A_57 = tpu.memref_slice %arg2[%dma_start3A_55, %dma_start3A_56] : memref<10000x16xf32, #tpu.memory_space<hbm>> -> memref<10000x16xf32, #tpu.memory_space<hbm>>
    tpu.enqueue_indirect_dma source(%dma_start3A_57 : memref<10000x16xf32, #tpu.memory_space<hbm>>) target(%dma_start3A_53 : memref<128x16xf32, #tpu.memory_space<vmem>>) offsets(%dma_start3A_54 : memref<128xi32, #tpu.memory_space<vmem>>) semaphore(%arg12 : memref<!tpu.dma_semaphore, #tpu.memory_space<semaphore_mem>>)
    %multiple_of3A_58 = arith.constant 640 : i32
    %multiple_of3A_59 = tpu.assume_multiple %multiple_of3A_58, 8 : i32
    %dma_start3A_60 = arith.constant 5 : i32
    %dma_start3A_61 = arith.constant 0 : i32
    %dma_start3A_62 = arith.constant 0 : i32
    %dma_start3A_63 = tpu.memref_slice %arg9[%dma_start3A_60, %dma_start3A_61, %dma_start3A_62] : memref<8x128x16xf32, #tpu.memory_space<vmem>> -> memref<1x128x16xf32, #tpu.memory_space<vmem>>
    %dma_start3A_64 = tpu.memref_squeeze %dma_start3A_63 : memref<1x128x16xf32, #tpu.memory_space<vmem>> -> memref<128x16xf32, #tpu.memory_space<vmem>>
    %dma_start3A_65 = tpu.memref_slice %arg7[%multiple_of3A_59] : memref<10240xi32, #tpu.memory_space<vmem>> -> memref<128xi32, #tpu.memory_space<vmem>>
    %dma_start3A_66 = arith.constant 0 : i32
    %dma_start3A_67 = arith.constant 0 : i32
    %dma_start3A_68 = tpu.memref_slice %arg2[%dma_start3A_66, %dma_start3A_67] : memref<10000x16xf32, #tpu.memory_space<hbm>> -> memref<10000x16xf32, #tpu.memory_space<hbm>>
    tpu.enqueue_indirect_dma source(%dma_start3A_68 : memref<10000x16xf32, #tpu.memory_space<hbm>>) target(%dma_start3A_64 : memref<128x16xf32, #tpu.memory_space<vmem>>) offsets(%dma_start3A_65 : memref<128xi32, #tpu.memory_space<vmem>>) semaphore(%arg12 : memref<!tpu.dma_semaphore, #tpu.memory_space<semaphore_mem>>)
    %multiple_of3A_69 = arith.constant 768 : i32
    %multiple_of3A_70 = tpu.assume_multiple %multiple_of3A_69, 8 : i32
    %dma_start3A_71 = arith.constant 6 : i32
    %dma_start3A_72 = arith.constant 0 : i32
    %dma_start3A_73 = arith.constant 0 : i32
    %dma_start3A_74 = tpu.memref_slice %arg9[%dma_start3A_71, %dma_start3A_72, %dma_start3A_73] : memref<8x128x16xf32, #tpu.memory_space<vmem>> -> memref<1x128x16xf32, #tpu.memory_space<vmem>>
    %dma_start3A_75 = tpu.memref_squeeze %dma_start3A_74 : memref<1x128x16xf32, #tpu.memory_space<vmem>> -> memref<128x16xf32, #tpu.memory_space<vmem>>
    %dma_start3A_76 = tpu.memref_slice %arg7[%multiple_of3A_70] : memref<10240xi32, #tpu.memory_space<vmem>> -> memref<128xi32, #tpu.memory_space<vmem>>
    %dma_start3A_77 = arith.constant 0 : i32
    %dma_start3A_78 = arith.constant 0 : i32
    %dma_start3A_79 = tpu.memref_slice %arg2[%dma_start3A_77, %dma_start3A_78] : memref<10000x16xf32, #tpu.memory_space<hbm>> -> memref<10000x16xf32, #tpu.memory_space<hbm>>
    tpu.enqueue_indirect_dma source(%dma_start3A_79 : memref<10000x16xf32, #tpu.memory_space<hbm>>) target(%dma_start3A_75 : memref<128x16xf32, #tpu.memory_space<vmem>>) offsets(%dma_start3A_76 : memref<128xi32, #tpu.memory_space<vmem>>) semaphore(%arg12 : memref<!tpu.dma_semaphore, #tpu.memory_space<semaphore_mem>>)
    %multiple_of3A_80 = arith.constant 896 : i32
    %multiple_of3A_81 = tpu.assume_multiple %multiple_of3A_80, 8 : i32
    %dma_start3A_82 = arith.constant 7 : i32
    %dma_start3A_83 = arith.constant 0 : i32
    %dma_start3A_84 = arith.constant 0 : i32
    %dma_start3A_85 = tpu.memref_slice %arg9[%dma_start3A_82, %dma_start3A_83, %dma_start3A_84] : memref<8x128x16xf32, #tpu.memory_space<vmem>> -> memref<1x128x16xf32, #tpu.memory_space<vmem>>
    %dma_start3A_86 = tpu.memref_squeeze %dma_start3A_85 : memref<1x128x16xf32, #tpu.memory_space<vmem>> -> memref<128x16xf32, #tpu.memory_space<vmem>>
    %dma_start3A_87 = tpu.memref_slice %arg7[%multiple_of3A_81] : memref<10240xi32, #tpu.memory_space<vmem>> -> memref<128xi32, #tpu.memory_space<vmem>>
    %dma_start3A_88 = arith.constant 0 : i32
    %dma_start3A_89 = arith.constant 0 : i32
    %dma_start3A_90 = tpu.memref_slice %arg2[%dma_start3A_88, %dma_start3A_89] : memref<10000x16xf32, #tpu.memory_space<hbm>> -> memref<10000x16xf32, #tpu.memory_space<hbm>>
    tpu.enqueue_indirect_dma source(%dma_start3A_90 : memref<10000x16xf32, #tpu.memory_space<hbm>>) target(%dma_start3A_86 : memref<128x16xf32, #tpu.memory_space<vmem>>) offsets(%dma_start3A_87 : memref<128xi32, #tpu.memory_space<vmem>>) semaphore(%arg12 : memref<!tpu.dma_semaphore, #tpu.memory_space<semaphore_mem>>)
    %scan3A = arith.constant 0 : i32
    %scan3A_91 = arith.constant 0 : i32
    %scan3A_92 = arith.constant 5 : i32
    %scan3A_93 = arith.addi %scan3A_91, %scan3A_92 : i32
    %scan3A_94 = arith.constant 1 : i32
    scf.for %scan3A_196 = %scan3A_91 to %scan3A_93 step %scan3A_94  : i32 {
      %mul3A_197 = arith.constant 2 : i32
      %mul3A_198 = arith.muli %scan3A_196, %mul3A_197 : i32
      %mul3A_199 = arith.constant 8 : i32
      %mul3A_200 = arith.muli %mul3A_198, %mul3A_199 : i32
      %dma_wait3A_201 = arith.constant 0 : i32
      %dma_wait3A_202 = arith.constant 0 : i32
      %dma_wait3A_203 = arith.constant 0 : i32
      %dma_wait3A_204 = tpu.memref_slice %arg9[%dma_wait3A_201, %dma_wait3A_202, %dma_wait3A_203] : memref<8x128x16xf32, #tpu.memory_space<vmem>> -> memref<1x128x16xf32, #tpu.memory_space<vmem>>
      %dma_wait3A_205 = tpu.memref_squeeze %dma_wait3A_204 : memref<1x128x16xf32, #tpu.memory_space<vmem>> -> memref<128x16xf32, #tpu.memory_space<vmem>>
      %dma_wait3A_206 = arith.constant 0 : i32
      %dma_wait3A_207 = tpu.memref_slice %arg7[%dma_wait3A_206] : memref<10240xi32, #tpu.memory_space<vmem>> -> memref<128xi32, #tpu.memory_space<vmem>>
      %dma_wait3A_208 = arith.constant 0 : i32
      %dma_wait3A_209 = arith.constant 0 : i32
      %dma_wait3A_210 = tpu.memref_slice %arg2[%dma_wait3A_208, %dma_wait3A_209] : memref<10000x16xf32, #tpu.memory_space<hbm>> -> memref<10000x16xf32, #tpu.memory_space<hbm>>
      tpu.wait_indirect_dma semaphore(%arg12 : memref<!tpu.dma_semaphore, #tpu.memory_space<semaphore_mem>>) src(%dma_wait3A_210 : memref<10000x16xf32, #tpu.memory_space<hbm>>) dst(%dma_wait3A_205 : memref<128x16xf32, #tpu.memory_space<vmem>>)
      %dma_wait3A_211 = arith.constant 1 : i32
      %dma_wait3A_212 = arith.constant 0 : i32
      %dma_wait3A_213 = arith.constant 0 : i32
      %dma_wait3A_214 = tpu.memref_slice %arg9[%dma_wait3A_211, %dma_wait3A_212, %dma_wait3A_213] : memref<8x128x16xf32, #tpu.memory_space<vmem>> -> memref<1x128x16xf32, #tpu.memory_space<vmem>>
      %dma_wait3A_215 = tpu.memref_squeeze %dma_wait3A_214 : memref<1x128x16xf32, #tpu.memory_space<vmem>> -> memref<128x16xf32, #tpu.memory_space<vmem>>
      %dma_wait3A_216 = arith.constant 0 : i32
      %dma_wait3A_217 = tpu.memref_slice %arg7[%dma_wait3A_216] : memref<10240xi32, #tpu.memory_space<vmem>> -> memref<128xi32, #tpu.memory_space<vmem>>
      %dma_wait3A_218 = arith.constant 0 : i32
      %dma_wait3A_219 = arith.constant 0 : i32
      %dma_wait3A_220 = tpu.memref_slice %arg2[%dma_wait3A_218, %dma_wait3A_219] : memref<10000x16xf32, #tpu.memory_space<hbm>> -> memref<10000x16xf32, #tpu.memory_space<hbm>>
      tpu.wait_indirect_dma semaphore(%arg12 : memref<!tpu.dma_semaphore, #tpu.memory_space<semaphore_mem>>) src(%dma_wait3A_220 : memref<10000x16xf32, #tpu.memory_space<hbm>>) dst(%dma_wait3A_215 : memref<128x16xf32, #tpu.memory_space<vmem>>)
      %dma_wait3A_221 = arith.constant 2 : i32
      %dma_wait3A_222 = arith.constant 0 : i32
      %dma_wait3A_223 = arith.constant 0 : i32
      %dma_wait3A_224 = tpu.memref_slice %arg9[%dma_wait3A_221, %dma_wait3A_222, %dma_wait3A_223] : memref<8x128x16xf32, #tpu.memory_space<vmem>> -> memref<1x128x16xf32, #tpu.memory_space<vmem>>
      %dma_wait3A_225 = tpu.memref_squeeze %dma_wait3A_224 : memref<1x128x16xf32, #tpu.memory_space<vmem>> -> memref<128x16xf32, #tpu.memory_space<vmem>>
      %dma_wait3A_226 = arith.constant 0 : i32
      %dma_wait3A_227 = tpu.memref_slice %arg7[%dma_wait3A_226] : memref<10240xi32, #tpu.memory_space<vmem>> -> memref<128xi32, #tpu.memory_space<vmem>>
      %dma_wait3A_228 = arith.constant 0 : i32
      %dma_wait3A_229 = arith.constant 0 : i32
      %dma_wait3A_230 = tpu.memref_slice %arg2[%dma_wait3A_228, %dma_wait3A_229] : memref<10000x16xf32, #tpu.memory_space<hbm>> -> memref<10000x16xf32, #tpu.memory_space<hbm>>
      tpu.wait_indirect_dma semaphore(%arg12 : memref<!tpu.dma_semaphore, #tpu.memory_space<semaphore_mem>>) src(%dma_wait3A_230 : memref<10000x16xf32, #tpu.memory_space<hbm>>) dst(%dma_wait3A_225 : memref<128x16xf32, #tpu.memory_space<vmem>>)
      %dma_wait3A_231 = arith.constant 3 : i32
      %dma_wait3A_232 = arith.constant 0 : i32
      %dma_wait3A_233 = arith.constant 0 : i32
      %dma_wait3A_234 = tpu.memref_slice %arg9[%dma_wait3A_231, %dma_wait3A_232, %dma_wait3A_233] : memref<8x128x16xf32, #tpu.memory_space<vmem>> -> memref<1x128x16xf32, #tpu.memory_space<vmem>>
      %dma_wait3A_235 = tpu.memref_squeeze %dma_wait3A_234 : memref<1x128x16xf32, #tpu.memory_space<vmem>> -> memref<128x16xf32, #tpu.memory_space<vmem>>
      %dma_wait3A_236 = arith.constant 0 : i32
      %dma_wait3A_237 = tpu.memref_slice %arg7[%dma_wait3A_236] : memref<10240xi32, #tpu.memory_space<vmem>> -> memref<128xi32, #tpu.memory_space<vmem>>
      %dma_wait3A_238 = arith.constant 0 : i32
      %dma_wait3A_239 = arith.constant 0 : i32
      %dma_wait3A_240 = tpu.memref_slice %arg2[%dma_wait3A_238, %dma_wait3A_239] : memref<10000x16xf32, #tpu.memory_space<hbm>> -> memref<10000x16xf32, #tpu.memory_space<hbm>>
      tpu.wait_indirect_dma semaphore(%arg12 : memref<!tpu.dma_semaphore, #tpu.memory_space<semaphore_mem>>) src(%dma_wait3A_240 : memref<10000x16xf32, #tpu.memory_space<hbm>>) dst(%dma_wait3A_235 : memref<128x16xf32, #tpu.memory_space<vmem>>)
      %dma_wait3A_241 = arith.constant 4 : i32
      %dma_wait3A_242 = arith.constant 0 : i32
      %dma_wait3A_243 = arith.constant 0 : i32
      %dma_wait3A_244 = tpu.memref_slice %arg9[%dma_wait3A_241, %dma_wait3A_242, %dma_wait3A_243] : memref<8x128x16xf32, #tpu.memory_space<vmem>> -> memref<1x128x16xf32, #tpu.memory_space<vmem>>
      %dma_wait3A_245 = tpu.memref_squeeze %dma_wait3A_244 : memref<1x128x16xf32, #tpu.memory_space<vmem>> -> memref<128x16xf32, #tpu.memory_space<vmem>>
      %dma_wait3A_246 = arith.constant 0 : i32
      %dma_wait3A_247 = tpu.memref_slice %arg7[%dma_wait3A_246] : memref<10240xi32, #tpu.memory_space<vmem>> -> memref<128xi32, #tpu.memory_space<vmem>>
      %dma_wait3A_248 = arith.constant 0 : i32
      %dma_wait3A_249 = arith.constant 0 : i32
      %dma_wait3A_250 = tpu.memref_slice %arg2[%dma_wait3A_248, %dma_wait3A_249] : memref<10000x16xf32, #tpu.memory_space<hbm>> -> memref<10000x16xf32, #tpu.memory_space<hbm>>
      tpu.wait_indirect_dma semaphore(%arg12 : memref<!tpu.dma_semaphore, #tpu.memory_space<semaphore_mem>>) src(%dma_wait3A_250 : memref<10000x16xf32, #tpu.memory_space<hbm>>) dst(%dma_wait3A_245 : memref<128x16xf32, #tpu.memory_space<vmem>>)
      %dma_wait3A_251 = arith.constant 5 : i32
      %dma_wait3A_252 = arith.constant 0 : i32
      %dma_wait3A_253 = arith.constant 0 : i32
      %dma_wait3A_254 = tpu.memref_slice %arg9[%dma_wait3A_251, %dma_wait3A_252, %dma_wait3A_253] : memref<8x128x16xf32, #tpu.memory_space<vmem>> -> memref<1x128x16xf32, #tpu.memory_space<vmem>>
      %dma_wait3A_255 = tpu.memref_squeeze %dma_wait3A_254 : memref<1x128x16xf32, #tpu.memory_space<vmem>> -> memref<128x16xf32, #tpu.memory_space<vmem>>
      %dma_wait3A_256 = arith.constant 0 : i32
      %dma_wait3A_257 = tpu.memref_slice %arg7[%dma_wait3A_256] : memref<10240xi32, #tpu.memory_space<vmem>> -> memref<128xi32, #tpu.memory_space<vmem>>
      %dma_wait3A_258 = arith.constant 0 : i32
      %dma_wait3A_259 = arith.constant 0 : i32
      %dma_wait3A_260 = tpu.memref_slice %arg2[%dma_wait3A_258, %dma_wait3A_259] : memref<10000x16xf32, #tpu.memory_space<hbm>> -> memref<10000x16xf32, #tpu.memory_space<hbm>>
      tpu.wait_indirect_dma semaphore(%arg12 : memref<!tpu.dma_semaphore, #tpu.memory_space<semaphore_mem>>) src(%dma_wait3A_260 : memref<10000x16xf32, #tpu.memory_space<hbm>>) dst(%dma_wait3A_255 : memref<128x16xf32, #tpu.memory_space<vmem>>)
      %dma_wait3A_261 = arith.constant 6 : i32
      %dma_wait3A_262 = arith.constant 0 : i32
      %dma_wait3A_263 = arith.constant 0 : i32
      %dma_wait3A_264 = tpu.memref_slice %arg9[%dma_wait3A_261, %dma_wait3A_262, %dma_wait3A_263] : memref<8x128x16xf32, #tpu.memory_space<vmem>> -> memref<1x128x16xf32, #tpu.memory_space<vmem>>
      %dma_wait3A_265 = tpu.memref_squeeze %dma_wait3A_264 : memref<1x128x16xf32, #tpu.memory_space<vmem>> -> memref<128x16xf32, #tpu.memory_space<vmem>>
      %dma_wait3A_266 = arith.constant 0 : i32
      %dma_wait3A_267 = tpu.memref_slice %arg7[%dma_wait3A_266] : memref<10240xi32, #tpu.memory_space<vmem>> -> memref<128xi32, #tpu.memory_space<vmem>>
      %dma_wait3A_268 = arith.constant 0 : i32
      %dma_wait3A_269 = arith.constant 0 : i32
      %dma_wait3A_270 = tpu.memref_slice %arg2[%dma_wait3A_268, %dma_wait3A_269] : memref<10000x16xf32, #tpu.memory_space<hbm>> -> memref<10000x16xf32, #tpu.memory_space<hbm>>
      tpu.wait_indirect_dma semaphore(%arg12 : memref<!tpu.dma_semaphore, #tpu.memory_space<semaphore_mem>>) src(%dma_wait3A_270 : memref<10000x16xf32, #tpu.memory_space<hbm>>) dst(%dma_wait3A_265 : memref<128x16xf32, #tpu.memory_space<vmem>>)
      %dma_wait3A_271 = arith.constant 7 : i32
      %dma_wait3A_272 = arith.constant 0 : i32
      %dma_wait3A_273 = arith.constant 0 : i32
      %dma_wait3A_274 = tpu.memref_slice %arg9[%dma_wait3A_271, %dma_wait3A_272, %dma_wait3A_273] : memref<8x128x16xf32, #tpu.memory_space<vmem>> -> memref<1x128x16xf32, #tpu.memory_space<vmem>>
      %dma_wait3A_275 = tpu.memref_squeeze %dma_wait3A_274 : memref<1x128x16xf32, #tpu.memory_space<vmem>> -> memref<128x16xf32, #tpu.memory_space<vmem>>
      %dma_wait3A_276 = arith.constant 0 : i32
      %dma_wait3A_277 = tpu.memref_slice %arg7[%dma_wait3A_276] : memref<10240xi32, #tpu.memory_space<vmem>> -> memref<128xi32, #tpu.memory_space<vmem>>
      %dma_wait3A_278 = arith.constant 0 : i32
      %dma_wait3A_279 = arith.constant 0 : i32
      %dma_wait3A_280 = tpu.memref_slice %arg2[%dma_wait3A_278, %dma_wait3A_279] : memref<10000x16xf32, #tpu.memory_space<hbm>> -> memref<10000x16xf32, #tpu.memory_space<hbm>>
      tpu.wait_indirect_dma semaphore(%arg12 : memref<!tpu.dma_semaphore, #tpu.memory_space<semaphore_mem>>) src(%dma_wait3A_280 : memref<10000x16xf32, #tpu.memory_space<hbm>>) dst(%dma_wait3A_275 : memref<128x16xf32, #tpu.memory_space<vmem>>)
      %gt3A = arith.constant 0 : i32
      %gt3A_281 = arith.cmpi sgt, %scan3A_196, %gt3A : i32
      %convert_element_type3A = arith.extui %gt3A_281 : i1 to i32
      %cond3A = arith.constant 0 : i32
      %cond3A_282 = arith.cmpi ne, %convert_element_type3A, %cond3A : i32
      scf.if %cond3A_282 {
        %dma_wait3A_787 = arith.constant 0 : i32
        %dma_wait3A_788 = arith.constant 0 : i32
        %dma_wait3A_789 = arith.constant 0 : i32
        %dma_wait3A_790 = arith.constant 0 : i32
        %dma_wait3A_791 = tpu.memref_slice %arg10[%dma_wait3A_787, %dma_wait3A_789, %dma_wait3A_790] : memref<8x128x16xf32, #tpu.memory_space<vmem>> -> memref<1x128x16xf32, #tpu.memory_space<vmem>>
        %dma_wait3A_792 = tpu.memref_squeeze %dma_wait3A_791 : memref<1x128x16xf32, #tpu.memory_space<vmem>> -> memref<128x16xf32, #tpu.memory_space<vmem>>
        %dma_wait3A_793 = arith.constant 0 : i32
        %dma_wait3A_794 = tpu.memref_slice %arg8[%dma_wait3A_788, %dma_wait3A_793] : memref<80x128xi32, #tpu.memory_space<vmem>> -> memref<1x128xi32, #tpu.memory_space<vmem>>
        %dma_wait3A_795 = tpu.memref_squeeze %dma_wait3A_794 : memref<1x128xi32, #tpu.memory_space<vmem>> -> memref<128xi32, #tpu.memory_space<vmem>>
        %dma_wait3A_796 = arith.constant 0 : i32
        %dma_wait3A_797 = arith.constant 0 : i32
        %dma_wait3A_798 = tpu.memref_slice %arg11[%dma_wait3A_796, %dma_wait3A_797] : memref<10112x16xf32, #tpu.memory_space<vmem_shared>> -> memref<10112x16xf32, #tpu.memory_space<vmem_shared>>
        tpu.wait_indirect_dma semaphore(%arg15 : memref<!tpu.dma_semaphore, #tpu.memory_space<semaphore_mem>>) src(%dma_wait3A_792 : memref<128x16xf32, #tpu.memory_space<vmem>>) dst(%dma_wait3A_798 : memref<10112x16xf32, #tpu.memory_space<vmem_shared>>)
        %dma_wait3A_799 = arith.constant 1 : i32
        %dma_wait3A_800 = arith.constant 0 : i32
        %dma_wait3A_801 = arith.constant 0 : i32
        %dma_wait3A_802 = arith.constant 0 : i32
        %dma_wait3A_803 = tpu.memref_slice %arg10[%dma_wait3A_799, %dma_wait3A_801, %dma_wait3A_802] : memref<8x128x16xf32, #tpu.memory_space<vmem>> -> memref<1x128x16xf32, #tpu.memory_space<vmem>>
        %dma_wait3A_804 = tpu.memref_squeeze %dma_wait3A_803 : memref<1x128x16xf32, #tpu.memory_space<vmem>> -> memref<128x16xf32, #tpu.memory_space<vmem>>
        %dma_wait3A_805 = arith.constant 0 : i32
        %dma_wait3A_806 = tpu.memref_slice %arg8[%dma_wait3A_800, %dma_wait3A_805] : memref<80x128xi32, #tpu.memory_space<vmem>> -> memref<1x128xi32, #tpu.memory_space<vmem>>
        %dma_wait3A_807 = tpu.memref_squeeze %dma_wait3A_806 : memref<1x128xi32, #tpu.memory_space<vmem>> -> memref<128xi32, #tpu.memory_space<vmem>>
        %dma_wait3A_808 = arith.constant 0 : i32
        %dma_wait3A_809 = arith.constant 0 : i32
        %dma_wait3A_810 = tpu.memref_slice %arg11[%dma_wait3A_808, %dma_wait3A_809] : memref<10112x16xf32, #tpu.memory_space<vmem_shared>> -> memref<10112x16xf32, #tpu.memory_space<vmem_shared>>
        tpu.wait_indirect_dma semaphore(%arg15 : memref<!tpu.dma_semaphore, #tpu.memory_space<semaphore_mem>>) src(%dma_wait3A_804 : memref<128x16xf32, #tpu.memory_space<vmem>>) dst(%dma_wait3A_810 : memref<10112x16xf32, #tpu.memory_space<vmem_shared>>)
        %dma_wait3A_811 = arith.constant 2 : i32
        %dma_wait3A_812 = arith.constant 0 : i32
        %dma_wait3A_813 = arith.constant 0 : i32
        %dma_wait3A_814 = arith.constant 0 : i32
        %dma_wait3A_815 = tpu.memref_slice %arg10[%dma_wait3A_811, %dma_wait3A_813, %dma_wait3A_814] : memref<8x128x16xf32, #tpu.memory_space<vmem>> -> memref<1x128x16xf32, #tpu.memory_space<vmem>>
        %dma_wait3A_816 = tpu.memref_squeeze %dma_wait3A_815 : memref<1x128x16xf32, #tpu.memory_space<vmem>> -> memref<128x16xf32, #tpu.memory_space<vmem>>
        %dma_wait3A_817 = arith.constant 0 : i32
        %dma_wait3A_818 = tpu.memref_slice %arg8[%dma_wait3A_812, %dma_wait3A_817] : memref<80x128xi32, #tpu.memory_space<vmem>> -> memref<1x128xi32, #tpu.memory_space<vmem>>
        %dma_wait3A_819 = tpu.memref_squeeze %dma_wait3A_818 : memref<1x128xi32, #tpu.memory_space<vmem>> -> memref<128xi32, #tpu.memory_space<vmem>>
        %dma_wait3A_820 = arith.constant 0 : i32
        %dma_wait3A_821 = arith.constant 0 : i32
        %dma_wait3A_822 = tpu.memref_slice %arg11[%dma_wait3A_820, %dma_wait3A_821] : memref<10112x16xf32, #tpu.memory_space<vmem_shared>> -> memref<10112x16xf32, #tpu.memory_space<vmem_shared>>
        tpu.wait_indirect_dma semaphore(%arg15 : memref<!tpu.dma_semaphore, #tpu.memory_space<semaphore_mem>>) src(%dma_wait3A_816 : memref<128x16xf32, #tpu.memory_space<vmem>>) dst(%dma_wait3A_822 : memref<10112x16xf32, #tpu.memory_space<vmem_shared>>)
        %dma_wait3A_823 = arith.constant 3 : i32
        %dma_wait3A_824 = arith.constant 0 : i32
        %dma_wait3A_825 = arith.constant 0 : i32
        %dma_wait3A_826 = arith.constant 0 : i32
        %dma_wait3A_827 = tpu.memref_slice %arg10[%dma_wait3A_823, %dma_wait3A_825, %dma_wait3A_826] : memref<8x128x16xf32, #tpu.memory_space<vmem>> -> memref<1x128x16xf32, #tpu.memory_space<vmem>>
        %dma_wait3A_828 = tpu.memref_squeeze %dma_wait3A_827 : memref<1x128x16xf32, #tpu.memory_space<vmem>> -> memref<128x16xf32, #tpu.memory_space<vmem>>
        %dma_wait3A_829 = arith.constant 0 : i32
        %dma_wait3A_830 = tpu.memref_slice %arg8[%dma_wait3A_824, %dma_wait3A_829] : memref<80x128xi32, #tpu.memory_space<vmem>> -> memref<1x128xi32, #tpu.memory_space<vmem>>
        %dma_wait3A_831 = tpu.memref_squeeze %dma_wait3A_830 : memref<1x128xi32, #tpu.memory_space<vmem>> -> memref<128xi32, #tpu.memory_space<vmem>>
        %dma_wait3A_832 = arith.constant 0 : i32
        %dma_wait3A_833 = arith.constant 0 : i32
        %dma_wait3A_834 = tpu.memref_slice %arg11[%dma_wait3A_832, %dma_wait3A_833] : memref<10112x16xf32, #tpu.memory_space<vmem_shared>> -> memref<10112x16xf32, #tpu.memory_space<vmem_shared>>
        tpu.wait_indirect_dma semaphore(%arg15 : memref<!tpu.dma_semaphore, #tpu.memory_space<semaphore_mem>>) src(%dma_wait3A_828 : memref<128x16xf32, #tpu.memory_space<vmem>>) dst(%dma_wait3A_834 : memref<10112x16xf32, #tpu.memory_space<vmem_shared>>)
        %dma_wait3A_835 = arith.constant 4 : i32
        %dma_wait3A_836 = arith.constant 0 : i32
        %dma_wait3A_837 = arith.constant 0 : i32
        %dma_wait3A_838 = arith.constant 0 : i32
        %dma_wait3A_839 = tpu.memref_slice %arg10[%dma_wait3A_835, %dma_wait3A_837, %dma_wait3A_838] : memref<8x128x16xf32, #tpu.memory_space<vmem>> -> memref<1x128x16xf32, #tpu.memory_space<vmem>>
        %dma_wait3A_840 = tpu.memref_squeeze %dma_wait3A_839 : memref<1x128x16xf32, #tpu.memory_space<vmem>> -> memref<128x16xf32, #tpu.memory_space<vmem>>
        %dma_wait3A_841 = arith.constant 0 : i32
        %dma_wait3A_842 = tpu.memref_slice %arg8[%dma_wait3A_836, %dma_wait3A_841] : memref<80x128xi32, #tpu.memory_space<vmem>> -> memref<1x128xi32, #tpu.memory_space<vmem>>
        %dma_wait3A_843 = tpu.memref_squeeze %dma_wait3A_842 : memref<1x128xi32, #tpu.memory_space<vmem>> -> memref<128xi32, #tpu.memory_space<vmem>>
        %dma_wait3A_844 = arith.constant 0 : i32
        %dma_wait3A_845 = arith.constant 0 : i32
        %dma_wait3A_846 = tpu.memref_slice %arg11[%dma_wait3A_844, %dma_wait3A_845] : memref<10112x16xf32, #tpu.memory_space<vmem_shared>> -> memref<10112x16xf32, #tpu.memory_space<vmem_shared>>
        tpu.wait_indirect_dma semaphore(%arg15 : memref<!tpu.dma_semaphore, #tpu.memory_space<semaphore_mem>>) src(%dma_wait3A_840 : memref<128x16xf32, #tpu.memory_space<vmem>>) dst(%dma_wait3A_846 : memref<10112x16xf32, #tpu.memory_space<vmem_shared>>)
        %dma_wait3A_847 = arith.constant 5 : i32
        %dma_wait3A_848 = arith.constant 0 : i32
        %dma_wait3A_849 = arith.constant 0 : i32
        %dma_wait3A_850 = arith.constant 0 : i32
        %dma_wait3A_851 = tpu.memref_slice %arg10[%dma_wait3A_847, %dma_wait3A_849, %dma_wait3A_850] : memref<8x128x16xf32, #tpu.memory_space<vmem>> -> memref<1x128x16xf32, #tpu.memory_space<vmem>>
        %dma_wait3A_852 = tpu.memref_squeeze %dma_wait3A_851 : memref<1x128x16xf32, #tpu.memory_space<vmem>> -> memref<128x16xf32, #tpu.memory_space<vmem>>
        %dma_wait3A_853 = arith.constant 0 : i32
        %dma_wait3A_854 = tpu.memref_slice %arg8[%dma_wait3A_848, %dma_wait3A_853] : memref<80x128xi32, #tpu.memory_space<vmem>> -> memref<1x128xi32, #tpu.memory_space<vmem>>
        %dma_wait3A_855 = tpu.memref_squeeze %dma_wait3A_854 : memref<1x128xi32, #tpu.memory_space<vmem>> -> memref<128xi32, #tpu.memory_space<vmem>>
        %dma_wait3A_856 = arith.constant 0 : i32
        %dma_wait3A_857 = arith.constant 0 : i32
        %dma_wait3A_858 = tpu.memref_slice %arg11[%dma_wait3A_856, %dma_wait3A_857] : memref<10112x16xf32, #tpu.memory_space<vmem_shared>> -> memref<10112x16xf32, #tpu.memory_space<vmem_shared>>
        tpu.wait_indirect_dma semaphore(%arg15 : memref<!tpu.dma_semaphore, #tpu.memory_space<semaphore_mem>>) src(%dma_wait3A_852 : memref<128x16xf32, #tpu.memory_space<vmem>>) dst(%dma_wait3A_858 : memref<10112x16xf32, #tpu.memory_space<vmem_shared>>)
        %dma_wait3A_859 = arith.constant 6 : i32
        %dma_wait3A_860 = arith.constant 0 : i32
        %dma_wait3A_861 = arith.constant 0 : i32
        %dma_wait3A_862 = arith.constant 0 : i32
        %dma_wait3A_863 = tpu.memref_slice %arg10[%dma_wait3A_859, %dma_wait3A_861, %dma_wait3A_862] : memref<8x128x16xf32, #tpu.memory_space<vmem>> -> memref<1x128x16xf32, #tpu.memory_space<vmem>>
        %dma_wait3A_864 = tpu.memref_squeeze %dma_wait3A_863 : memref<1x128x16xf32, #tpu.memory_space<vmem>> -> memref<128x16xf32, #tpu.memory_space<vmem>>
        %dma_wait3A_865 = arith.constant 0 : i32
        %dma_wait3A_866 = tpu.memref_slice %arg8[%dma_wait3A_860, %dma_wait3A_865] : memref<80x128xi32, #tpu.memory_space<vmem>> -> memref<1x128xi32, #tpu.memory_space<vmem>>
        %dma_wait3A_867 = tpu.memref_squeeze %dma_wait3A_866 : memref<1x128xi32, #tpu.memory_space<vmem>> -> memref<128xi32, #tpu.memory_space<vmem>>
        %dma_wait3A_868 = arith.constant 0 : i32
        %dma_wait3A_869 = arith.constant 0 : i32
        %dma_wait3A_870 = tpu.memref_slice %arg11[%dma_wait3A_868, %dma_wait3A_869] : memref<10112x16xf32, #tpu.memory_space<vmem_shared>> -> memref<10112x16xf32, #tpu.memory_space<vmem_shared>>
        tpu.wait_indirect_dma semaphore(%arg15 : memref<!tpu.dma_semaphore, #tpu.memory_space<semaphore_mem>>) src(%dma_wait3A_864 : memref<128x16xf32, #tpu.memory_space<vmem>>) dst(%dma_wait3A_870 : memref<10112x16xf32, #tpu.memory_space<vmem_shared>>)
        %dma_wait3A_871 = arith.constant 7 : i32
        %dma_wait3A_872 = arith.constant 0 : i32
        %dma_wait3A_873 = arith.constant 0 : i32
        %dma_wait3A_874 = arith.constant 0 : i32
        %dma_wait3A_875 = tpu.memref_slice %arg10[%dma_wait3A_871, %dma_wait3A_873, %dma_wait3A_874] : memref<8x128x16xf32, #tpu.memory_space<vmem>> -> memref<1x128x16xf32, #tpu.memory_space<vmem>>
        %dma_wait3A_876 = tpu.memref_squeeze %dma_wait3A_875 : memref<1x128x16xf32, #tpu.memory_space<vmem>> -> memref<128x16xf32, #tpu.memory_space<vmem>>
        %dma_wait3A_877 = arith.constant 0 : i32
        %dma_wait3A_878 = tpu.memref_slice %arg8[%dma_wait3A_872, %dma_wait3A_877] : memref<80x128xi32, #tpu.memory_space<vmem>> -> memref<1x128xi32, #tpu.memory_space<vmem>>
        %dma_wait3A_879 = tpu.memref_squeeze %dma_wait3A_878 : memref<1x128xi32, #tpu.memory_space<vmem>> -> memref<128xi32, #tpu.memory_space<vmem>>
        %dma_wait3A_880 = arith.constant 0 : i32
        %dma_wait3A_881 = arith.constant 0 : i32
        %dma_wait3A_882 = tpu.memref_slice %arg11[%dma_wait3A_880, %dma_wait3A_881] : memref<10112x16xf32, #tpu.memory_space<vmem_shared>> -> memref<10112x16xf32, #tpu.memory_space<vmem_shared>>
        tpu.wait_indirect_dma semaphore(%arg15 : memref<!tpu.dma_semaphore, #tpu.memory_space<semaphore_mem>>) src(%dma_wait3A_876 : memref<128x16xf32, #tpu.memory_space<vmem>>) dst(%dma_wait3A_882 : memref<10112x16xf32, #tpu.memory_space<vmem_shared>>)
      } else {
      }
      %add3A_283 = arith.constant 8 : i32
      %add3A_284 = arith.addi %mul3A_200, %add3A_283 : i32
      %add3A_285 = arith.constant 0 : i32
      %add3A_286 = arith.addi %add3A_284, %add3A_285 : i32
      %mul3A_287 = arith.constant 128 : i32
      %mul3A_288 = arith.muli %add3A_286, %mul3A_287 : i32
      %multiple_of3A_289 = tpu.assume_multiple %mul3A_288, 8 : i32
      %dma_start3A_290 = arith.constant 0 : i32
      %dma_start3A_291 = arith.constant 0 : i32
      %dma_start3A_292 = arith.constant 0 : i32
      %dma_start3A_293 = tpu.memref_slice %arg10[%dma_start3A_290, %dma_start3A_291, %dma_start3A_292] : memref<8x128x16xf32, #tpu.memory_space<vmem>> -> memref<1x128x16xf32, #tpu.memory_space<vmem>>
      %dma_start3A_294 = tpu.memref_squeeze %dma_start3A_293 : memref<1x128x16xf32, #tpu.memory_space<vmem>> -> memref<128x16xf32, #tpu.memory_space<vmem>>
      %dma_start3A_295 = tpu.memref_slice %arg7[%multiple_of3A_289] : memref<10240xi32, #tpu.memory_space<vmem>> -> memref<128xi32, #tpu.memory_space<vmem>>
      %dma_start3A_296 = arith.constant 0 : i32
      %dma_start3A_297 = arith.constant 0 : i32
      %dma_start3A_298 = tpu.memref_slice %arg2[%dma_start3A_296, %dma_start3A_297] : memref<10000x16xf32, #tpu.memory_space<hbm>> -> memref<10000x16xf32, #tpu.memory_space<hbm>>
      tpu.enqueue_indirect_dma source(%dma_start3A_298 : memref<10000x16xf32, #tpu.memory_space<hbm>>) target(%dma_start3A_294 : memref<128x16xf32, #tpu.memory_space<vmem>>) offsets(%dma_start3A_295 : memref<128xi32, #tpu.memory_space<vmem>>) semaphore(%arg13 : memref<!tpu.dma_semaphore, #tpu.memory_space<semaphore_mem>>)
      %add3A_299 = arith.constant 1 : i32
      %add3A_300 = arith.addi %add3A_284, %add3A_299 : i32
      %mul3A_301 = arith.constant 128 : i32
      %mul3A_302 = arith.muli %add3A_300, %mul3A_301 : i32
      %multiple_of3A_303 = tpu.assume_multiple %mul3A_302, 8 : i32
      %dma_start3A_304 = arith.constant 1 : i32
      %dma_start3A_305 = arith.constant 0 : i32
      %dma_start3A_306 = arith.constant 0 : i32
      %dma_start3A_307 = tpu.memref_slice %arg10[%dma_start3A_304, %dma_start3A_305, %dma_start3A_306] : memref<8x128x16xf32, #tpu.memory_space<vmem>> -> memref<1x128x16xf32, #tpu.memory_space<vmem>>
      %dma_start3A_308 = tpu.memref_squeeze %dma_start3A_307 : memref<1x128x16xf32, #tpu.memory_space<vmem>> -> memref<128x16xf32, #tpu.memory_space<vmem>>
      %dma_start3A_309 = tpu.memref_slice %arg7[%multiple_of3A_303] : memref<10240xi32, #tpu.memory_space<vmem>> -> memref<128xi32, #tpu.memory_space<vmem>>
      %dma_start3A_310 = arith.constant 0 : i32
      %dma_start3A_311 = arith.constant 0 : i32
      %dma_start3A_312 = tpu.memref_slice %arg2[%dma_start3A_310, %dma_start3A_311] : memref<10000x16xf32, #tpu.memory_space<hbm>> -> memref<10000x16xf32, #tpu.memory_space<hbm>>
      tpu.enqueue_indirect_dma source(%dma_start3A_312 : memref<10000x16xf32, #tpu.memory_space<hbm>>) target(%dma_start3A_308 : memref<128x16xf32, #tpu.memory_space<vmem>>) offsets(%dma_start3A_309 : memref<128xi32, #tpu.memory_space<vmem>>) semaphore(%arg13 : memref<!tpu.dma_semaphore, #tpu.memory_space<semaphore_mem>>)
      %add3A_313 = arith.constant 2 : i32
      %add3A_314 = arith.addi %add3A_284, %add3A_313 : i32
      %mul3A_315 = arith.constant 128 : i32
      %mul3A_316 = arith.muli %add3A_314, %mul3A_315 : i32
      %multiple_of3A_317 = tpu.assume_multiple %mul3A_316, 8 : i32
      %dma_start3A_318 = arith.constant 2 : i32
      %dma_start3A_319 = arith.constant 0 : i32
      %dma_start3A_320 = arith.constant 0 : i32
      %dma_start3A_321 = tpu.memref_slice %arg10[%dma_start3A_318, %dma_start3A_319, %dma_start3A_320] : memref<8x128x16xf32, #tpu.memory_space<vmem>> -> memref<1x128x16xf32, #tpu.memory_space<vmem>>
      %dma_start3A_322 = tpu.memref_squeeze %dma_start3A_321 : memref<1x128x16xf32, #tpu.memory_space<vmem>> -> memref<128x16xf32, #tpu.memory_space<vmem>>
      %dma_start3A_323 = tpu.memref_slice %arg7[%multiple_of3A_317] : memref<10240xi32, #tpu.memory_space<vmem>> -> memref<128xi32, #tpu.memory_space<vmem>>
      %dma_start3A_324 = arith.constant 0 : i32
      %dma_start3A_325 = arith.constant 0 : i32
      %dma_start3A_326 = tpu.memref_slice %arg2[%dma_start3A_324, %dma_start3A_325] : memref<10000x16xf32, #tpu.memory_space<hbm>> -> memref<10000x16xf32, #tpu.memory_space<hbm>>
      tpu.enqueue_indirect_dma source(%dma_start3A_326 : memref<10000x16xf32, #tpu.memory_space<hbm>>) target(%dma_start3A_322 : memref<128x16xf32, #tpu.memory_space<vmem>>) offsets(%dma_start3A_323 : memref<128xi32, #tpu.memory_space<vmem>>) semaphore(%arg13 : memref<!tpu.dma_semaphore, #tpu.memory_space<semaphore_mem>>)
      %add3A_327 = arith.constant 3 : i32
      %add3A_328 = arith.addi %add3A_284, %add3A_327 : i32
      %mul3A_329 = arith.constant 128 : i32
      %mul3A_330 = arith.muli %add3A_328, %mul3A_329 : i32
      %multiple_of3A_331 = tpu.assume_multiple %mul3A_330, 8 : i32
      %dma_start3A_332 = arith.constant 3 : i32
      %dma_start3A_333 = arith.constant 0 : i32
      %dma_start3A_334 = arith.constant 0 : i32
      %dma_start3A_335 = tpu.memref_slice %arg10[%dma_start3A_332, %dma_start3A_333, %dma_start3A_334] : memref<8x128x16xf32, #tpu.memory_space<vmem>> -> memref<1x128x16xf32, #tpu.memory_space<vmem>>
      %dma_start3A_336 = tpu.memref_squeeze %dma_start3A_335 : memref<1x128x16xf32, #tpu.memory_space<vmem>> -> memref<128x16xf32, #tpu.memory_space<vmem>>
      %dma_start3A_337 = tpu.memref_slice %arg7[%multiple_of3A_331] : memref<10240xi32, #tpu.memory_space<vmem>> -> memref<128xi32, #tpu.memory_space<vmem>>
      %dma_start3A_338 = arith.constant 0 : i32
      %dma_start3A_339 = arith.constant 0 : i32
      %dma_start3A_340 = tpu.memref_slice %arg2[%dma_start3A_338, %dma_start3A_339] : memref<10000x16xf32, #tpu.memory_space<hbm>> -> memref<10000x16xf32, #tpu.memory_space<hbm>>
      tpu.enqueue_indirect_dma source(%dma_start3A_340 : memref<10000x16xf32, #tpu.memory_space<hbm>>) target(%dma_start3A_336 : memref<128x16xf32, #tpu.memory_space<vmem>>) offsets(%dma_start3A_337 : memref<128xi32, #tpu.memory_space<vmem>>) semaphore(%arg13 : memref<!tpu.dma_semaphore, #tpu.memory_space<semaphore_mem>>)
      %add3A_341 = arith.constant 4 : i32
      %add3A_342 = arith.addi %add3A_284, %add3A_341 : i32
      %mul3A_343 = arith.constant 128 : i32
      %mul3A_344 = arith.muli %add3A_342, %mul3A_343 : i32
      %multiple_of3A_345 = tpu.assume_multiple %mul3A_344, 8 : i32
      %dma_start3A_346 = arith.constant 4 : i32
      %dma_start3A_347 = arith.constant 0 : i32
      %dma_start3A_348 = arith.constant 0 : i32
      %dma_start3A_349 = tpu.memref_slice %arg10[%dma_start3A_346, %dma_start3A_347, %dma_start3A_348] : memref<8x128x16xf32, #tpu.memory_space<vmem>> -> memref<1x128x16xf32, #tpu.memory_space<vmem>>
      %dma_start3A_350 = tpu.memref_squeeze %dma_start3A_349 : memref<1x128x16xf32, #tpu.memory_space<vmem>> -> memref<128x16xf32, #tpu.memory_space<vmem>>
      %dma_start3A_351 = tpu.memref_slice %arg7[%multiple_of3A_345] : memref<10240xi32, #tpu.memory_space<vmem>> -> memref<128xi32, #tpu.memory_space<vmem>>
      %dma_start3A_352 = arith.constant 0 : i32
      %dma_start3A_353 = arith.constant 0 : i32
      %dma_start3A_354 = tpu.memref_slice %arg2[%dma_start3A_352, %dma_start3A_353] : memref<10000x16xf32, #tpu.memory_space<hbm>> -> memref<10000x16xf32, #tpu.memory_space<hbm>>
      tpu.enqueue_indirect_dma source(%dma_start3A_354 : memref<10000x16xf32, #tpu.memory_space<hbm>>) target(%dma_start3A_350 : memref<128x16xf32, #tpu.memory_space<vmem>>) offsets(%dma_start3A_351 : memref<128xi32, #tpu.memory_space<vmem>>) semaphore(%arg13 : memref<!tpu.dma_semaphore, #tpu.memory_space<semaphore_mem>>)
      %add3A_355 = arith.constant 5 : i32
      %add3A_356 = arith.addi %add3A_284, %add3A_355 : i32
      %mul3A_357 = arith.constant 128 : i32
      %mul3A_358 = arith.muli %add3A_356, %mul3A_357 : i32
      %multiple_of3A_359 = tpu.assume_multiple %mul3A_358, 8 : i32
      %dma_start3A_360 = arith.constant 5 : i32
      %dma_start3A_361 = arith.constant 0 : i32
      %dma_start3A_362 = arith.constant 0 : i32
      %dma_start3A_363 = tpu.memref_slice %arg10[%dma_start3A_360, %dma_start3A_361, %dma_start3A_362] : memref<8x128x16xf32, #tpu.memory_space<vmem>> -> memref<1x128x16xf32, #tpu.memory_space<vmem>>
      %dma_start3A_364 = tpu.memref_squeeze %dma_start3A_363 : memref<1x128x16xf32, #tpu.memory_space<vmem>> -> memref<128x16xf32, #tpu.memory_space<vmem>>
      %dma_start3A_365 = tpu.memref_slice %arg7[%multiple_of3A_359] : memref<10240xi32, #tpu.memory_space<vmem>> -> memref<128xi32, #tpu.memory_space<vmem>>
      %dma_start3A_366 = arith.constant 0 : i32
      %dma_start3A_367 = arith.constant 0 : i32
      %dma_start3A_368 = tpu.memref_slice %arg2[%dma_start3A_366, %dma_start3A_367] : memref<10000x16xf32, #tpu.memory_space<hbm>> -> memref<10000x16xf32, #tpu.memory_space<hbm>>
      tpu.enqueue_indirect_dma source(%dma_start3A_368 : memref<10000x16xf32, #tpu.memory_space<hbm>>) target(%dma_start3A_364 : memref<128x16xf32, #tpu.memory_space<vmem>>) offsets(%dma_start3A_365 : memref<128xi32, #tpu.memory_space<vmem>>) semaphore(%arg13 : memref<!tpu.dma_semaphore, #tpu.memory_space<semaphore_mem>>)
      %add3A_369 = arith.constant 6 : i32
      %add3A_370 = arith.addi %add3A_284, %add3A_369 : i32
      %mul3A_371 = arith.constant 128 : i32
      %mul3A_372 = arith.muli %add3A_370, %mul3A_371 : i32
      %multiple_of3A_373 = tpu.assume_multiple %mul3A_372, 8 : i32
      %dma_start3A_374 = arith.constant 6 : i32
      %dma_start3A_375 = arith.constant 0 : i32
      %dma_start3A_376 = arith.constant 0 : i32
      %dma_start3A_377 = tpu.memref_slice %arg10[%dma_start3A_374, %dma_start3A_375, %dma_start3A_376] : memref<8x128x16xf32, #tpu.memory_space<vmem>> -> memref<1x128x16xf32, #tpu.memory_space<vmem>>
      %dma_start3A_378 = tpu.memref_squeeze %dma_start3A_377 : memref<1x128x16xf32, #tpu.memory_space<vmem>> -> memref<128x16xf32, #tpu.memory_space<vmem>>
      %dma_start3A_379 = tpu.memref_slice %arg7[%multiple_of3A_373] : memref<10240xi32, #tpu.memory_space<vmem>> -> memref<128xi32, #tpu.memory_space<vmem>>
      %dma_start3A_380 = arith.constant 0 : i32
      %dma_start3A_381 = arith.constant 0 : i32
      %dma_start3A_382 = tpu.memref_slice %arg2[%dma_start3A_380, %dma_start3A_381] : memref<10000x16xf32, #tpu.memory_space<hbm>> -> memref<10000x16xf32, #tpu.memory_space<hbm>>
      tpu.enqueue_indirect_dma source(%dma_start3A_382 : memref<10000x16xf32, #tpu.memory_space<hbm>>) target(%dma_start3A_378 : memref<128x16xf32, #tpu.memory_space<vmem>>) offsets(%dma_start3A_379 : memref<128xi32, #tpu.memory_space<vmem>>) semaphore(%arg13 : memref<!tpu.dma_semaphore, #tpu.memory_space<semaphore_mem>>)
      %add3A_383 = arith.constant 7 : i32
      %add3A_384 = arith.addi %add3A_284, %add3A_383 : i32
      %mul3A_385 = arith.constant 128 : i32
      %mul3A_386 = arith.muli %add3A_384, %mul3A_385 : i32
      %multiple_of3A_387 = tpu.assume_multiple %mul3A_386, 8 : i32
      %dma_start3A_388 = arith.constant 7 : i32
      %dma_start3A_389 = arith.constant 0 : i32
      %dma_start3A_390 = arith.constant 0 : i32
      %dma_start3A_391 = tpu.memref_slice %arg10[%dma_start3A_388, %dma_start3A_389, %dma_start3A_390] : memref<8x128x16xf32, #tpu.memory_space<vmem>> -> memref<1x128x16xf32, #tpu.memory_space<vmem>>
      %dma_start3A_392 = tpu.memref_squeeze %dma_start3A_391 : memref<1x128x16xf32, #tpu.memory_space<vmem>> -> memref<128x16xf32, #tpu.memory_space<vmem>>
      %dma_start3A_393 = tpu.memref_slice %arg7[%multiple_of3A_387] : memref<10240xi32, #tpu.memory_space<vmem>> -> memref<128xi32, #tpu.memory_space<vmem>>
      %dma_start3A_394 = arith.constant 0 : i32
      %dma_start3A_395 = arith.constant 0 : i32
      %dma_start3A_396 = tpu.memref_slice %arg2[%dma_start3A_394, %dma_start3A_395] : memref<10000x16xf32, #tpu.memory_space<hbm>> -> memref<10000x16xf32, #tpu.memory_space<hbm>>
      tpu.enqueue_indirect_dma source(%dma_start3A_396 : memref<10000x16xf32, #tpu.memory_space<hbm>>) target(%dma_start3A_392 : memref<128x16xf32, #tpu.memory_space<vmem>>) offsets(%dma_start3A_393 : memref<128xi32, #tpu.memory_space<vmem>>) semaphore(%arg13 : memref<!tpu.dma_semaphore, #tpu.memory_space<semaphore_mem>>)
      %add3A_397 = arith.constant 0 : i32
      %add3A_398 = arith.addi %mul3A_200, %add3A_397 : i32
      %dma_start3A_399 = arith.constant 0 : i32
      %dma_start3A_400 = arith.constant 0 : i32
      %dma_start3A_401 = arith.constant 0 : i32
      %dma_start3A_402 = tpu.memref_slice %arg9[%dma_start3A_399, %dma_start3A_400, %dma_start3A_401] : memref<8x128x16xf32, #tpu.memory_space<vmem>> -> memref<1x128x16xf32, #tpu.memory_space<vmem>>
      %dma_start3A_403 = tpu.memref_squeeze %dma_start3A_402 : memref<1x128x16xf32, #tpu.memory_space<vmem>> -> memref<128x16xf32, #tpu.memory_space<vmem>>
      %dma_start3A_404 = arith.constant 0 : i32
      %dma_start3A_405 = tpu.memref_slice %arg8[%add3A_398, %dma_start3A_404] : memref<80x128xi32, #tpu.memory_space<vmem>> -> memref<1x128xi32, #tpu.memory_space<vmem>>
      %dma_start3A_406 = tpu.memref_squeeze %dma_start3A_405 : memref<1x128xi32, #tpu.memory_space<vmem>> -> memref<128xi32, #tpu.memory_space<vmem>>
      %dma_start3A_407 = arith.constant 0 : i32
      %dma_start3A_408 = arith.constant 0 : i32
      %dma_start3A_409 = tpu.memref_slice %arg11[%dma_start3A_407, %dma_start3A_408] : memref<10112x16xf32, #tpu.memory_space<vmem_shared>> -> memref<10112x16xf32, #tpu.memory_space<vmem_shared>>
      tpu.enqueue_indirect_dma source(%dma_start3A_403 : memref<128x16xf32, #tpu.memory_space<vmem>>) target(%dma_start3A_409 : memref<10112x16xf32, #tpu.memory_space<vmem_shared>>) offsets(%dma_start3A_406 : memref<128xi32, #tpu.memory_space<vmem>>) semaphore(%arg14 : memref<!tpu.dma_semaphore, #tpu.memory_space<semaphore_mem>>) {add = true}
      %add3A_410 = arith.constant 1 : i32
      %add3A_411 = arith.addi %mul3A_200, %add3A_410 : i32
      %dma_start3A_412 = arith.constant 1 : i32
      %dma_start3A_413 = arith.constant 0 : i32
      %dma_start3A_414 = arith.constant 0 : i32
      %dma_start3A_415 = tpu.memref_slice %arg9[%dma_start3A_412, %dma_start3A_413, %dma_start3A_414] : memref<8x128x16xf32, #tpu.memory_space<vmem>> -> memref<1x128x16xf32, #tpu.memory_space<vmem>>
      %dma_start3A_416 = tpu.memref_squeeze %dma_start3A_415 : memref<1x128x16xf32, #tpu.memory_space<vmem>> -> memref<128x16xf32, #tpu.memory_space<vmem>>
      %dma_start3A_417 = arith.constant 0 : i32
      %dma_start3A_418 = tpu.memref_slice %arg8[%add3A_411, %dma_start3A_417] : memref<80x128xi32, #tpu.memory_space<vmem>> -> memref<1x128xi32, #tpu.memory_space<vmem>>
      %dma_start3A_419 = tpu.memref_squeeze %dma_start3A_418 : memref<1x128xi32, #tpu.memory_space<vmem>> -> memref<128xi32, #tpu.memory_space<vmem>>
      %dma_start3A_420 = arith.constant 0 : i32
      %dma_start3A_421 = arith.constant 0 : i32
      %dma_start3A_422 = tpu.memref_slice %arg11[%dma_start3A_420, %dma_start3A_421] : memref<10112x16xf32, #tpu.memory_space<vmem_shared>> -> memref<10112x16xf32, #tpu.memory_space<vmem_shared>>
      tpu.enqueue_indirect_dma source(%dma_start3A_416 : memref<128x16xf32, #tpu.memory_space<vmem>>) target(%dma_start3A_422 : memref<10112x16xf32, #tpu.memory_space<vmem_shared>>) offsets(%dma_start3A_419 : memref<128xi32, #tpu.memory_space<vmem>>) semaphore(%arg14 : memref<!tpu.dma_semaphore, #tpu.memory_space<semaphore_mem>>) {add = true}
      %add3A_423 = arith.constant 2 : i32
      %add3A_424 = arith.addi %mul3A_200, %add3A_423 : i32
      %dma_start3A_425 = arith.constant 2 : i32
      %dma_start3A_426 = arith.constant 0 : i32
      %dma_start3A_427 = arith.constant 0 : i32
      %dma_start3A_428 = tpu.memref_slice %arg9[%dma_start3A_425, %dma_start3A_426, %dma_start3A_427] : memref<8x128x16xf32, #tpu.memory_space<vmem>> -> memref<1x128x16xf32, #tpu.memory_space<vmem>>
      %dma_start3A_429 = tpu.memref_squeeze %dma_start3A_428 : memref<1x128x16xf32, #tpu.memory_space<vmem>> -> memref<128x16xf32, #tpu.memory_space<vmem>>
      %dma_start3A_430 = arith.constant 0 : i32
      %dma_start3A_431 = tpu.memref_slice %arg8[%add3A_424, %dma_start3A_430] : memref<80x128xi32, #tpu.memory_space<vmem>> -> memref<1x128xi32, #tpu.memory_space<vmem>>
      %dma_start3A_432 = tpu.memref_squeeze %dma_start3A_431 : memref<1x128xi32, #tpu.memory_space<vmem>> -> memref<128xi32, #tpu.memory_space<vmem>>
      %dma_start3A_433 = arith.constant 0 : i32
      %dma_start3A_434 = arith.constant 0 : i32
      %dma_start3A_435 = tpu.memref_slice %arg11[%dma_start3A_433, %dma_start3A_434] : memref<10112x16xf32, #tpu.memory_space<vmem_shared>> -> memref<10112x16xf32, #tpu.memory_space<vmem_shared>>
      tpu.enqueue_indirect_dma source(%dma_start3A_429 : memref<128x16xf32, #tpu.memory_space<vmem>>) target(%dma_start3A_435 : memref<10112x16xf32, #tpu.memory_space<vmem_shared>>) offsets(%dma_start3A_432 : memref<128xi32, #tpu.memory_space<vmem>>) semaphore(%arg14 : memref<!tpu.dma_semaphore, #tpu.memory_space<semaphore_mem>>) {add = true}
      %add3A_436 = arith.constant 3 : i32
      %add3A_437 = arith.addi %mul3A_200, %add3A_436 : i32
      %dma_start3A_438 = arith.constant 3 : i32
      %dma_start3A_439 = arith.constant 0 : i32
      %dma_start3A_440 = arith.constant 0 : i32
      %dma_start3A_441 = tpu.memref_slice %arg9[%dma_start3A_438, %dma_start3A_439, %dma_start3A_440] : memref<8x128x16xf32, #tpu.memory_space<vmem>> -> memref<1x128x16xf32, #tpu.memory_space<vmem>>
      %dma_start3A_442 = tpu.memref_squeeze %dma_start3A_441 : memref<1x128x16xf32, #tpu.memory_space<vmem>> -> memref<128x16xf32, #tpu.memory_space<vmem>>
      %dma_start3A_443 = arith.constant 0 : i32
      %dma_start3A_444 = tpu.memref_slice %arg8[%add3A_437, %dma_start3A_443] : memref<80x128xi32, #tpu.memory_space<vmem>> -> memref<1x128xi32, #tpu.memory_space<vmem>>
      %dma_start3A_445 = tpu.memref_squeeze %dma_start3A_444 : memref<1x128xi32, #tpu.memory_space<vmem>> -> memref<128xi32, #tpu.memory_space<vmem>>
      %dma_start3A_446 = arith.constant 0 : i32
      %dma_start3A_447 = arith.constant 0 : i32
      %dma_start3A_448 = tpu.memref_slice %arg11[%dma_start3A_446, %dma_start3A_447] : memref<10112x16xf32, #tpu.memory_space<vmem_shared>> -> memref<10112x16xf32, #tpu.memory_space<vmem_shared>>
      tpu.enqueue_indirect_dma source(%dma_start3A_442 : memref<128x16xf32, #tpu.memory_space<vmem>>) target(%dma_start3A_448 : memref<10112x16xf32, #tpu.memory_space<vmem_shared>>) offsets(%dma_start3A_445 : memref<128xi32, #tpu.memory_space<vmem>>) semaphore(%arg14 : memref<!tpu.dma_semaphore, #tpu.memory_space<semaphore_mem>>) {add = true}
      %add3A_449 = arith.constant 4 : i32
      %add3A_450 = arith.addi %mul3A_200, %add3A_449 : i32
      %dma_start3A_451 = arith.constant 4 : i32
      %dma_start3A_452 = arith.constant 0 : i32
      %dma_start3A_453 = arith.constant 0 : i32
      %dma_start3A_454 = tpu.memref_slice %arg9[%dma_start3A_451, %dma_start3A_452, %dma_start3A_453] : memref<8x128x16xf32, #tpu.memory_space<vmem>> -> memref<1x128x16xf32, #tpu.memory_space<vmem>>
      %dma_start3A_455 = tpu.memref_squeeze %dma_start3A_454 : memref<1x128x16xf32, #tpu.memory_space<vmem>> -> memref<128x16xf32, #tpu.memory_space<vmem>>
      %dma_start3A_456 = arith.constant 0 : i32
      %dma_start3A_457 = tpu.memref_slice %arg8[%add3A_450, %dma_start3A_456] : memref<80x128xi32, #tpu.memory_space<vmem>> -> memref<1x128xi32, #tpu.memory_space<vmem>>
      %dma_start3A_458 = tpu.memref_squeeze %dma_start3A_457 : memref<1x128xi32, #tpu.memory_space<vmem>> -> memref<128xi32, #tpu.memory_space<vmem>>
      %dma_start3A_459 = arith.constant 0 : i32
      %dma_start3A_460 = arith.constant 0 : i32
      %dma_start3A_461 = tpu.memref_slice %arg11[%dma_start3A_459, %dma_start3A_460] : memref<10112x16xf32, #tpu.memory_space<vmem_shared>> -> memref<10112x16xf32, #tpu.memory_space<vmem_shared>>
      tpu.enqueue_indirect_dma source(%dma_start3A_455 : memref<128x16xf32, #tpu.memory_space<vmem>>) target(%dma_start3A_461 : memref<10112x16xf32, #tpu.memory_space<vmem_shared>>) offsets(%dma_start3A_458 : memref<128xi32, #tpu.memory_space<vmem>>) semaphore(%arg14 : memref<!tpu.dma_semaphore, #tpu.memory_space<semaphore_mem>>) {add = true}
      %add3A_462 = arith.constant 5 : i32
      %add3A_463 = arith.addi %mul3A_200, %add3A_462 : i32
      %dma_start3A_464 = arith.constant 5 : i32
      %dma_start3A_465 = arith.constant 0 : i32
      %dma_start3A_466 = arith.constant 0 : i32
      %dma_start3A_467 = tpu.memref_slice %arg9[%dma_start3A_464, %dma_start3A_465, %dma_start3A_466] : memref<8x128x16xf32, #tpu.memory_space<vmem>> -> memref<1x128x16xf32, #tpu.memory_space<vmem>>
      %dma_start3A_468 = tpu.memref_squeeze %dma_start3A_467 : memref<1x128x16xf32, #tpu.memory_space<vmem>> -> memref<128x16xf32, #tpu.memory_space<vmem>>
      %dma_start3A_469 = arith.constant 0 : i32
      %dma_start3A_470 = tpu.memref_slice %arg8[%add3A_463, %dma_start3A_469] : memref<80x128xi32, #tpu.memory_space<vmem>> -> memref<1x128xi32, #tpu.memory_space<vmem>>
      %dma_start3A_471 = tpu.memref_squeeze %dma_start3A_470 : memref<1x128xi32, #tpu.memory_space<vmem>> -> memref<128xi32, #tpu.memory_space<vmem>>
      %dma_start3A_472 = arith.constant 0 : i32
      %dma_start3A_473 = arith.constant 0 : i32
      %dma_start3A_474 = tpu.memref_slice %arg11[%dma_start3A_472, %dma_start3A_473] : memref<10112x16xf32, #tpu.memory_space<vmem_shared>> -> memref<10112x16xf32, #tpu.memory_space<vmem_shared>>
      tpu.enqueue_indirect_dma source(%dma_start3A_468 : memref<128x16xf32, #tpu.memory_space<vmem>>) target(%dma_start3A_474 : memref<10112x16xf32, #tpu.memory_space<vmem_shared>>) offsets(%dma_start3A_471 : memref<128xi32, #tpu.memory_space<vmem>>) semaphore(%arg14 : memref<!tpu.dma_semaphore, #tpu.memory_space<semaphore_mem>>) {add = true}
      %add3A_475 = arith.constant 6 : i32
      %add3A_476 = arith.addi %mul3A_200, %add3A_475 : i32
      %dma_start3A_477 = arith.constant 6 : i32
      %dma_start3A_478 = arith.constant 0 : i32
      %dma_start3A_479 = arith.constant 0 : i32
      %dma_start3A_480 = tpu.memref_slice %arg9[%dma_start3A_477, %dma_start3A_478, %dma_start3A_479] : memref<8x128x16xf32, #tpu.memory_space<vmem>> -> memref<1x128x16xf32, #tpu.memory_space<vmem>>
      %dma_start3A_481 = tpu.memref_squeeze %dma_start3A_480 : memref<1x128x16xf32, #tpu.memory_space<vmem>> -> memref<128x16xf32, #tpu.memory_space<vmem>>
      %dma_start3A_482 = arith.constant 0 : i32
      %dma_start3A_483 = tpu.memref_slice %arg8[%add3A_476, %dma_start3A_482] : memref<80x128xi32, #tpu.memory_space<vmem>> -> memref<1x128xi32, #tpu.memory_space<vmem>>
      %dma_start3A_484 = tpu.memref_squeeze %dma_start3A_483 : memref<1x128xi32, #tpu.memory_space<vmem>> -> memref<128xi32, #tpu.memory_space<vmem>>
      %dma_start3A_485 = arith.constant 0 : i32
      %dma_start3A_486 = arith.constant 0 : i32
      %dma_start3A_487 = tpu.memref_slice %arg11[%dma_start3A_485, %dma_start3A_486] : memref<10112x16xf32, #tpu.memory_space<vmem_shared>> -> memref<10112x16xf32, #tpu.memory_space<vmem_shared>>
      tpu.enqueue_indirect_dma source(%dma_start3A_481 : memref<128x16xf32, #tpu.memory_space<vmem>>) target(%dma_start3A_487 : memref<10112x16xf32, #tpu.memory_space<vmem_shared>>) offsets(%dma_start3A_484 : memref<128xi32, #tpu.memory_space<vmem>>) semaphore(%arg14 : memref<!tpu.dma_semaphore, #tpu.memory_space<semaphore_mem>>) {add = true}
      %add3A_488 = arith.constant 7 : i32
      %add3A_489 = arith.addi %mul3A_200, %add3A_488 : i32
      %dma_start3A_490 = arith.constant 7 : i32
      %dma_start3A_491 = arith.constant 0 : i32
      %dma_start3A_492 = arith.constant 0 : i32
      %dma_start3A_493 = tpu.memref_slice %arg9[%dma_start3A_490, %dma_start3A_491, %dma_start3A_492] : memref<8x128x16xf32, #tpu.memory_space<vmem>> -> memref<1x128x16xf32, #tpu.memory_space<vmem>>
      %dma_start3A_494 = tpu.memref_squeeze %dma_start3A_493 : memref<1x128x16xf32, #tpu.memory_space<vmem>> -> memref<128x16xf32, #tpu.memory_space<vmem>>
      %dma_start3A_495 = arith.constant 0 : i32
      %dma_start3A_496 = tpu.memref_slice %arg8[%add3A_489, %dma_start3A_495] : memref<80x128xi32, #tpu.memory_space<vmem>> -> memref<1x128xi32, #tpu.memory_space<vmem>>
      %dma_start3A_497 = tpu.memref_squeeze %dma_start3A_496 : memref<1x128xi32, #tpu.memory_space<vmem>> -> memref<128xi32, #tpu.memory_space<vmem>>
      %dma_start3A_498 = arith.constant 0 : i32
      %dma_start3A_499 = arith.constant 0 : i32
      %dma_start3A_500 = tpu.memref_slice %arg11[%dma_start3A_498, %dma_start3A_499] : memref<10112x16xf32, #tpu.memory_space<vmem_shared>> -> memref<10112x16xf32, #tpu.memory_space<vmem_shared>>
      tpu.enqueue_indirect_dma source(%dma_start3A_494 : memref<128x16xf32, #tpu.memory_space<vmem>>) target(%dma_start3A_500 : memref<10112x16xf32, #tpu.memory_space<vmem_shared>>) offsets(%dma_start3A_497 : memref<128xi32, #tpu.memory_space<vmem>>) semaphore(%arg14 : memref<!tpu.dma_semaphore, #tpu.memory_space<semaphore_mem>>) {add = true}
      %dma_wait3A_501 = arith.constant 0 : i32
      %dma_wait3A_502 = arith.constant 0 : i32
      %dma_wait3A_503 = arith.constant 0 : i32
      %dma_wait3A_504 = tpu.memref_slice %arg10[%dma_wait3A_501, %dma_wait3A_502, %dma_wait3A_503] : memref<8x128x16xf32, #tpu.memory_space<vmem>> -> memref<1x128x16xf32, #tpu.memory_space<vmem>>
      %dma_wait3A_505 = tpu.memref_squeeze %dma_wait3A_504 : memref<1x128x16xf32, #tpu.memory_space<vmem>> -> memref<128x16xf32, #tpu.memory_space<vmem>>
      %dma_wait3A_506 = arith.constant 0 : i32
      %dma_wait3A_507 = tpu.memref_slice %arg7[%dma_wait3A_506] : memref<10240xi32, #tpu.memory_space<vmem>> -> memref<128xi32, #tpu.memory_space<vmem>>
      %dma_wait3A_508 = arith.constant 0 : i32
      %dma_wait3A_509 = arith.constant 0 : i32
      %dma_wait3A_510 = tpu.memref_slice %arg2[%dma_wait3A_508, %dma_wait3A_509] : memref<10000x16xf32, #tpu.memory_space<hbm>> -> memref<10000x16xf32, #tpu.memory_space<hbm>>
      tpu.wait_indirect_dma semaphore(%arg13 : memref<!tpu.dma_semaphore, #tpu.memory_space<semaphore_mem>>) src(%dma_wait3A_510 : memref<10000x16xf32, #tpu.memory_space<hbm>>) dst(%dma_wait3A_505 : memref<128x16xf32, #tpu.memory_space<vmem>>)
      %dma_wait3A_511 = arith.constant 1 : i32
      %dma_wait3A_512 = arith.constant 0 : i32
      %dma_wait3A_513 = arith.constant 0 : i32
      %dma_wait3A_514 = tpu.memref_slice %arg10[%dma_wait3A_511, %dma_wait3A_512, %dma_wait3A_513] : memref<8x128x16xf32, #tpu.memory_space<vmem>> -> memref<1x128x16xf32, #tpu.memory_space<vmem>>
      %dma_wait3A_515 = tpu.memref_squeeze %dma_wait3A_514 : memref<1x128x16xf32, #tpu.memory_space<vmem>> -> memref<128x16xf32, #tpu.memory_space<vmem>>
      %dma_wait3A_516 = arith.constant 0 : i32
      %dma_wait3A_517 = tpu.memref_slice %arg7[%dma_wait3A_516] : memref<10240xi32, #tpu.memory_space<vmem>> -> memref<128xi32, #tpu.memory_space<vmem>>
      %dma_wait3A_518 = arith.constant 0 : i32
      %dma_wait3A_519 = arith.constant 0 : i32
      %dma_wait3A_520 = tpu.memref_slice %arg2[%dma_wait3A_518, %dma_wait3A_519] : memref<10000x16xf32, #tpu.memory_space<hbm>> -> memref<10000x16xf32, #tpu.memory_space<hbm>>
      tpu.wait_indirect_dma semaphore(%arg13 : memref<!tpu.dma_semaphore, #tpu.memory_space<semaphore_mem>>) src(%dma_wait3A_520 : memref<10000x16xf32, #tpu.memory_space<hbm>>) dst(%dma_wait3A_515 : memref<128x16xf32, #tpu.memory_space<vmem>>)
      %dma_wait3A_521 = arith.constant 2 : i32
      %dma_wait3A_522 = arith.constant 0 : i32
      %dma_wait3A_523 = arith.constant 0 : i32
      %dma_wait3A_524 = tpu.memref_slice %arg10[%dma_wait3A_521, %dma_wait3A_522, %dma_wait3A_523] : memref<8x128x16xf32, #tpu.memory_space<vmem>> -> memref<1x128x16xf32, #tpu.memory_space<vmem>>
      %dma_wait3A_525 = tpu.memref_squeeze %dma_wait3A_524 : memref<1x128x16xf32, #tpu.memory_space<vmem>> -> memref<128x16xf32, #tpu.memory_space<vmem>>
      %dma_wait3A_526 = arith.constant 0 : i32
      %dma_wait3A_527 = tpu.memref_slice %arg7[%dma_wait3A_526] : memref<10240xi32, #tpu.memory_space<vmem>> -> memref<128xi32, #tpu.memory_space<vmem>>
      %dma_wait3A_528 = arith.constant 0 : i32
      %dma_wait3A_529 = arith.constant 0 : i32
      %dma_wait3A_530 = tpu.memref_slice %arg2[%dma_wait3A_528, %dma_wait3A_529] : memref<10000x16xf32, #tpu.memory_space<hbm>> -> memref<10000x16xf32, #tpu.memory_space<hbm>>
      tpu.wait_indirect_dma semaphore(%arg13 : memref<!tpu.dma_semaphore, #tpu.memory_space<semaphore_mem>>) src(%dma_wait3A_530 : memref<10000x16xf32, #tpu.memory_space<hbm>>) dst(%dma_wait3A_525 : memref<128x16xf32, #tpu.memory_space<vmem>>)
      %dma_wait3A_531 = arith.constant 3 : i32
      %dma_wait3A_532 = arith.constant 0 : i32
      %dma_wait3A_533 = arith.constant 0 : i32
      %dma_wait3A_534 = tpu.memref_slice %arg10[%dma_wait3A_531, %dma_wait3A_532, %dma_wait3A_533] : memref<8x128x16xf32, #tpu.memory_space<vmem>> -> memref<1x128x16xf32, #tpu.memory_space<vmem>>
      %dma_wait3A_535 = tpu.memref_squeeze %dma_wait3A_534 : memref<1x128x16xf32, #tpu.memory_space<vmem>> -> memref<128x16xf32, #tpu.memory_space<vmem>>
      %dma_wait3A_536 = arith.constant 0 : i32
      %dma_wait3A_537 = tpu.memref_slice %arg7[%dma_wait3A_536] : memref<10240xi32, #tpu.memory_space<vmem>> -> memref<128xi32, #tpu.memory_space<vmem>>
      %dma_wait3A_538 = arith.constant 0 : i32
      %dma_wait3A_539 = arith.constant 0 : i32
      %dma_wait3A_540 = tpu.memref_slice %arg2[%dma_wait3A_538, %dma_wait3A_539] : memref<10000x16xf32, #tpu.memory_space<hbm>> -> memref<10000x16xf32, #tpu.memory_space<hbm>>
      tpu.wait_indirect_dma semaphore(%arg13 : memref<!tpu.dma_semaphore, #tpu.memory_space<semaphore_mem>>) src(%dma_wait3A_540 : memref<10000x16xf32, #tpu.memory_space<hbm>>) dst(%dma_wait3A_535 : memref<128x16xf32, #tpu.memory_space<vmem>>)
      %dma_wait3A_541 = arith.constant 4 : i32
      %dma_wait3A_542 = arith.constant 0 : i32
      %dma_wait3A_543 = arith.constant 0 : i32
      %dma_wait3A_544 = tpu.memref_slice %arg10[%dma_wait3A_541, %dma_wait3A_542, %dma_wait3A_543] : memref<8x128x16xf32, #tpu.memory_space<vmem>> -> memref<1x128x16xf32, #tpu.memory_space<vmem>>
      %dma_wait3A_545 = tpu.memref_squeeze %dma_wait3A_544 : memref<1x128x16xf32, #tpu.memory_space<vmem>> -> memref<128x16xf32, #tpu.memory_space<vmem>>
      %dma_wait3A_546 = arith.constant 0 : i32
      %dma_wait3A_547 = tpu.memref_slice %arg7[%dma_wait3A_546] : memref<10240xi32, #tpu.memory_space<vmem>> -> memref<128xi32, #tpu.memory_space<vmem>>
      %dma_wait3A_548 = arith.constant 0 : i32
      %dma_wait3A_549 = arith.constant 0 : i32
      %dma_wait3A_550 = tpu.memref_slice %arg2[%dma_wait3A_548, %dma_wait3A_549] : memref<10000x16xf32, #tpu.memory_space<hbm>> -> memref<10000x16xf32, #tpu.memory_space<hbm>>
      tpu.wait_indirect_dma semaphore(%arg13 : memref<!tpu.dma_semaphore, #tpu.memory_space<semaphore_mem>>) src(%dma_wait3A_550 : memref<10000x16xf32, #tpu.memory_space<hbm>>) dst(%dma_wait3A_545 : memref<128x16xf32, #tpu.memory_space<vmem>>)
      %dma_wait3A_551 = arith.constant 5 : i32
      %dma_wait3A_552 = arith.constant 0 : i32
      %dma_wait3A_553 = arith.constant 0 : i32
      %dma_wait3A_554 = tpu.memref_slice %arg10[%dma_wait3A_551, %dma_wait3A_552, %dma_wait3A_553] : memref<8x128x16xf32, #tpu.memory_space<vmem>> -> memref<1x128x16xf32, #tpu.memory_space<vmem>>
      %dma_wait3A_555 = tpu.memref_squeeze %dma_wait3A_554 : memref<1x128x16xf32, #tpu.memory_space<vmem>> -> memref<128x16xf32, #tpu.memory_space<vmem>>
      %dma_wait3A_556 = arith.constant 0 : i32
      %dma_wait3A_557 = tpu.memref_slice %arg7[%dma_wait3A_556] : memref<10240xi32, #tpu.memory_space<vmem>> -> memref<128xi32, #tpu.memory_space<vmem>>
      %dma_wait3A_558 = arith.constant 0 : i32
      %dma_wait3A_559 = arith.constant 0 : i32
      %dma_wait3A_560 = tpu.memref_slice %arg2[%dma_wait3A_558, %dma_wait3A_559] : memref<10000x16xf32, #tpu.memory_space<hbm>> -> memref<10000x16xf32, #tpu.memory_space<hbm>>
      tpu.wait_indirect_dma semaphore(%arg13 : memref<!tpu.dma_semaphore, #tpu.memory_space<semaphore_mem>>) src(%dma_wait3A_560 : memref<10000x16xf32, #tpu.memory_space<hbm>>) dst(%dma_wait3A_555 : memref<128x16xf32, #tpu.memory_space<vmem>>)
      %dma_wait3A_561 = arith.constant 6 : i32
      %dma_wait3A_562 = arith.constant 0 : i32
      %dma_wait3A_563 = arith.constant 0 : i32
      %dma_wait3A_564 = tpu.memref_slice %arg10[%dma_wait3A_561, %dma_wait3A_562, %dma_wait3A_563] : memref<8x128x16xf32, #tpu.memory_space<vmem>> -> memref<1x128x16xf32, #tpu.memory_space<vmem>>
      %dma_wait3A_565 = tpu.memref_squeeze %dma_wait3A_564 : memref<1x128x16xf32, #tpu.memory_space<vmem>> -> memref<128x16xf32, #tpu.memory_space<vmem>>
      %dma_wait3A_566 = arith.constant 0 : i32
      %dma_wait3A_567 = tpu.memref_slice %arg7[%dma_wait3A_566] : memref<10240xi32, #tpu.memory_space<vmem>> -> memref<128xi32, #tpu.memory_space<vmem>>
      %dma_wait3A_568 = arith.constant 0 : i32
      %dma_wait3A_569 = arith.constant 0 : i32
      %dma_wait3A_570 = tpu.memref_slice %arg2[%dma_wait3A_568, %dma_wait3A_569] : memref<10000x16xf32, #tpu.memory_space<hbm>> -> memref<10000x16xf32, #tpu.memory_space<hbm>>
      tpu.wait_indirect_dma semaphore(%arg13 : memref<!tpu.dma_semaphore, #tpu.memory_space<semaphore_mem>>) src(%dma_wait3A_570 : memref<10000x16xf32, #tpu.memory_space<hbm>>) dst(%dma_wait3A_565 : memref<128x16xf32, #tpu.memory_space<vmem>>)
      %dma_wait3A_571 = arith.constant 7 : i32
      %dma_wait3A_572 = arith.constant 0 : i32
      %dma_wait3A_573 = arith.constant 0 : i32
      %dma_wait3A_574 = tpu.memref_slice %arg10[%dma_wait3A_571, %dma_wait3A_572, %dma_wait3A_573] : memref<8x128x16xf32, #tpu.memory_space<vmem>> -> memref<1x128x16xf32, #tpu.memory_space<vmem>>
      %dma_wait3A_575 = tpu.memref_squeeze %dma_wait3A_574 : memref<1x128x16xf32, #tpu.memory_space<vmem>> -> memref<128x16xf32, #tpu.memory_space<vmem>>
      %dma_wait3A_576 = arith.constant 0 : i32
      %dma_wait3A_577 = tpu.memref_slice %arg7[%dma_wait3A_576] : memref<10240xi32, #tpu.memory_space<vmem>> -> memref<128xi32, #tpu.memory_space<vmem>>
      %dma_wait3A_578 = arith.constant 0 : i32
      %dma_wait3A_579 = arith.constant 0 : i32
      %dma_wait3A_580 = tpu.memref_slice %arg2[%dma_wait3A_578, %dma_wait3A_579] : memref<10000x16xf32, #tpu.memory_space<hbm>> -> memref<10000x16xf32, #tpu.memory_space<hbm>>
      tpu.wait_indirect_dma semaphore(%arg13 : memref<!tpu.dma_semaphore, #tpu.memory_space<semaphore_mem>>) src(%dma_wait3A_580 : memref<10000x16xf32, #tpu.memory_space<hbm>>) dst(%dma_wait3A_575 : memref<128x16xf32, #tpu.memory_space<vmem>>)
      %dma_wait3A_581 = arith.constant 0 : i32
      %dma_wait3A_582 = arith.constant 0 : i32
      %dma_wait3A_583 = arith.constant 0 : i32
      %dma_wait3A_584 = arith.constant 0 : i32
      %dma_wait3A_585 = tpu.memref_slice %arg9[%dma_wait3A_581, %dma_wait3A_583, %dma_wait3A_584] : memref<8x128x16xf32, #tpu.memory_space<vmem>> -> memref<1x128x16xf32, #tpu.memory_space<vmem>>
      %dma_wait3A_586 = tpu.memref_squeeze %dma_wait3A_585 : memref<1x128x16xf32, #tpu.memory_space<vmem>> -> memref<128x16xf32, #tpu.memory_space<vmem>>
      %dma_wait3A_587 = arith.constant 0 : i32
      %dma_wait3A_588 = tpu.memref_slice %arg8[%dma_wait3A_582, %dma_wait3A_587] : memref<80x128xi32, #tpu.memory_space<vmem>> -> memref<1x128xi32, #tpu.memory_space<vmem>>
      %dma_wait3A_589 = tpu.memref_squeeze %dma_wait3A_588 : memref<1x128xi32, #tpu.memory_space<vmem>> -> memref<128xi32, #tpu.memory_space<vmem>>
      %dma_wait3A_590 = arith.constant 0 : i32
      %dma_wait3A_591 = arith.constant 0 : i32
      %dma_wait3A_592 = tpu.memref_slice %arg11[%dma_wait3A_590, %dma_wait3A_591] : memref<10112x16xf32, #tpu.memory_space<vmem_shared>> -> memref<10112x16xf32, #tpu.memory_space<vmem_shared>>
      tpu.wait_indirect_dma semaphore(%arg14 : memref<!tpu.dma_semaphore, #tpu.memory_space<semaphore_mem>>) src(%dma_wait3A_586 : memref<128x16xf32, #tpu.memory_space<vmem>>) dst(%dma_wait3A_592 : memref<10112x16xf32, #tpu.memory_space<vmem_shared>>)
      %dma_wait3A_593 = arith.constant 1 : i32
      %dma_wait3A_594 = arith.constant 0 : i32
      %dma_wait3A_595 = arith.constant 0 : i32
      %dma_wait3A_596 = arith.constant 0 : i32
      %dma_wait3A_597 = tpu.memref_slice %arg9[%dma_wait3A_593, %dma_wait3A_595, %dma_wait3A_596] : memref<8x128x16xf32, #tpu.memory_space<vmem>> -> memref<1x128x16xf32, #tpu.memory_space<vmem>>
      %dma_wait3A_598 = tpu.memref_squeeze %dma_wait3A_597 : memref<1x128x16xf32, #tpu.memory_space<vmem>> -> memref<128x16xf32, #tpu.memory_space<vmem>>
      %dma_wait3A_599 = arith.constant 0 : i32
      %dma_wait3A_600 = tpu.memref_slice %arg8[%dma_wait3A_594, %dma_wait3A_599] : memref<80x128xi32, #tpu.memory_space<vmem>> -> memref<1x128xi32, #tpu.memory_space<vmem>>
      %dma_wait3A_601 = tpu.memref_squeeze %dma_wait3A_600 : memref<1x128xi32, #tpu.memory_space<vmem>> -> memref<128xi32, #tpu.memory_space<vmem>>
      %dma_wait3A_602 = arith.constant 0 : i32
      %dma_wait3A_603 = arith.constant 0 : i32
      %dma_wait3A_604 = tpu.memref_slice %arg11[%dma_wait3A_602, %dma_wait3A_603] : memref<10112x16xf32, #tpu.memory_space<vmem_shared>> -> memref<10112x16xf32, #tpu.memory_space<vmem_shared>>
      tpu.wait_indirect_dma semaphore(%arg14 : memref<!tpu.dma_semaphore, #tpu.memory_space<semaphore_mem>>) src(%dma_wait3A_598 : memref<128x16xf32, #tpu.memory_space<vmem>>) dst(%dma_wait3A_604 : memref<10112x16xf32, #tpu.memory_space<vmem_shared>>)
      %dma_wait3A_605 = arith.constant 2 : i32
      %dma_wait3A_606 = arith.constant 0 : i32
      %dma_wait3A_607 = arith.constant 0 : i32
      %dma_wait3A_608 = arith.constant 0 : i32
      %dma_wait3A_609 = tpu.memref_slice %arg9[%dma_wait3A_605, %dma_wait3A_607, %dma_wait3A_608] : memref<8x128x16xf32, #tpu.memory_space<vmem>> -> memref<1x128x16xf32, #tpu.memory_space<vmem>>
      %dma_wait3A_610 = tpu.memref_squeeze %dma_wait3A_609 : memref<1x128x16xf32, #tpu.memory_space<vmem>> -> memref<128x16xf32, #tpu.memory_space<vmem>>
      %dma_wait3A_611 = arith.constant 0 : i32
      %dma_wait3A_612 = tpu.memref_slice %arg8[%dma_wait3A_606, %dma_wait3A_611] : memref<80x128xi32, #tpu.memory_space<vmem>> -> memref<1x128xi32, #tpu.memory_space<vmem>>
      %dma_wait3A_613 = tpu.memref_squeeze %dma_wait3A_612 : memref<1x128xi32, #tpu.memory_space<vmem>> -> memref<128xi32, #tpu.memory_space<vmem>>
      %dma_wait3A_614 = arith.constant 0 : i32
      %dma_wait3A_615 = arith.constant 0 : i32
      %dma_wait3A_616 = tpu.memref_slice %arg11[%dma_wait3A_614, %dma_wait3A_615] : memref<10112x16xf32, #tpu.memory_space<vmem_shared>> -> memref<10112x16xf32, #tpu.memory_space<vmem_shared>>
      tpu.wait_indirect_dma semaphore(%arg14 : memref<!tpu.dma_semaphore, #tpu.memory_space<semaphore_mem>>) src(%dma_wait3A_610 : memref<128x16xf32, #tpu.memory_space<vmem>>) dst(%dma_wait3A_616 : memref<10112x16xf32, #tpu.memory_space<vmem_shared>>)
      %dma_wait3A_617 = arith.constant 3 : i32
      %dma_wait3A_618 = arith.constant 0 : i32
      %dma_wait3A_619 = arith.constant 0 : i32
      %dma_wait3A_620 = arith.constant 0 : i32
      %dma_wait3A_621 = tpu.memref_slice %arg9[%dma_wait3A_617, %dma_wait3A_619, %dma_wait3A_620] : memref<8x128x16xf32, #tpu.memory_space<vmem>> -> memref<1x128x16xf32, #tpu.memory_space<vmem>>
      %dma_wait3A_622 = tpu.memref_squeeze %dma_wait3A_621 : memref<1x128x16xf32, #tpu.memory_space<vmem>> -> memref<128x16xf32, #tpu.memory_space<vmem>>
      %dma_wait3A_623 = arith.constant 0 : i32
      %dma_wait3A_624 = tpu.memref_slice %arg8[%dma_wait3A_618, %dma_wait3A_623] : memref<80x128xi32, #tpu.memory_space<vmem>> -> memref<1x128xi32, #tpu.memory_space<vmem>>
      %dma_wait3A_625 = tpu.memref_squeeze %dma_wait3A_624 : memref<1x128xi32, #tpu.memory_space<vmem>> -> memref<128xi32, #tpu.memory_space<vmem>>
      %dma_wait3A_626 = arith.constant 0 : i32
      %dma_wait3A_627 = arith.constant 0 : i32
      %dma_wait3A_628 = tpu.memref_slice %arg11[%dma_wait3A_626, %dma_wait3A_627] : memref<10112x16xf32, #tpu.memory_space<vmem_shared>> -> memref<10112x16xf32, #tpu.memory_space<vmem_shared>>
      tpu.wait_indirect_dma semaphore(%arg14 : memref<!tpu.dma_semaphore, #tpu.memory_space<semaphore_mem>>) src(%dma_wait3A_622 : memref<128x16xf32, #tpu.memory_space<vmem>>) dst(%dma_wait3A_628 : memref<10112x16xf32, #tpu.memory_space<vmem_shared>>)
      %dma_wait3A_629 = arith.constant 4 : i32
      %dma_wait3A_630 = arith.constant 0 : i32
      %dma_wait3A_631 = arith.constant 0 : i32
      %dma_wait3A_632 = arith.constant 0 : i32
      %dma_wait3A_633 = tpu.memref_slice %arg9[%dma_wait3A_629, %dma_wait3A_631, %dma_wait3A_632] : memref<8x128x16xf32, #tpu.memory_space<vmem>> -> memref<1x128x16xf32, #tpu.memory_space<vmem>>
      %dma_wait3A_634 = tpu.memref_squeeze %dma_wait3A_633 : memref<1x128x16xf32, #tpu.memory_space<vmem>> -> memref<128x16xf32, #tpu.memory_space<vmem>>
      %dma_wait3A_635 = arith.constant 0 : i32
      %dma_wait3A_636 = tpu.memref_slice %arg8[%dma_wait3A_630, %dma_wait3A_635] : memref<80x128xi32, #tpu.memory_space<vmem>> -> memref<1x128xi32, #tpu.memory_space<vmem>>
      %dma_wait3A_637 = tpu.memref_squeeze %dma_wait3A_636 : memref<1x128xi32, #tpu.memory_space<vmem>> -> memref<128xi32, #tpu.memory_space<vmem>>
      %dma_wait3A_638 = arith.constant 0 : i32
      %dma_wait3A_639 = arith.constant 0 : i32
      %dma_wait3A_640 = tpu.memref_slice %arg11[%dma_wait3A_638, %dma_wait3A_639] : memref<10112x16xf32, #tpu.memory_space<vmem_shared>> -> memref<10112x16xf32, #tpu.memory_space<vmem_shared>>
      tpu.wait_indirect_dma semaphore(%arg14 : memref<!tpu.dma_semaphore, #tpu.memory_space<semaphore_mem>>) src(%dma_wait3A_634 : memref<128x16xf32, #tpu.memory_space<vmem>>) dst(%dma_wait3A_640 : memref<10112x16xf32, #tpu.memory_space<vmem_shared>>)
      %dma_wait3A_641 = arith.constant 5 : i32
      %dma_wait3A_642 = arith.constant 0 : i32
      %dma_wait3A_643 = arith.constant 0 : i32
      %dma_wait3A_644 = arith.constant 0 : i32
      %dma_wait3A_645 = tpu.memref_slice %arg9[%dma_wait3A_641, %dma_wait3A_643, %dma_wait3A_644] : memref<8x128x16xf32, #tpu.memory_space<vmem>> -> memref<1x128x16xf32, #tpu.memory_space<vmem>>
      %dma_wait3A_646 = tpu.memref_squeeze %dma_wait3A_645 : memref<1x128x16xf32, #tpu.memory_space<vmem>> -> memref<128x16xf32, #tpu.memory_space<vmem>>
      %dma_wait3A_647 = arith.constant 0 : i32
      %dma_wait3A_648 = tpu.memref_slice %arg8[%dma_wait3A_642, %dma_wait3A_647] : memref<80x128xi32, #tpu.memory_space<vmem>> -> memref<1x128xi32, #tpu.memory_space<vmem>>
      %dma_wait3A_649 = tpu.memref_squeeze %dma_wait3A_648 : memref<1x128xi32, #tpu.memory_space<vmem>> -> memref<128xi32, #tpu.memory_space<vmem>>
      %dma_wait3A_650 = arith.constant 0 : i32
      %dma_wait3A_651 = arith.constant 0 : i32
      %dma_wait3A_652 = tpu.memref_slice %arg11[%dma_wait3A_650, %dma_wait3A_651] : memref<10112x16xf32, #tpu.memory_space<vmem_shared>> -> memref<10112x16xf32, #tpu.memory_space<vmem_shared>>
      tpu.wait_indirect_dma semaphore(%arg14 : memref<!tpu.dma_semaphore, #tpu.memory_space<semaphore_mem>>) src(%dma_wait3A_646 : memref<128x16xf32, #tpu.memory_space<vmem>>) dst(%dma_wait3A_652 : memref<10112x16xf32, #tpu.memory_space<vmem_shared>>)
      %dma_wait3A_653 = arith.constant 6 : i32
      %dma_wait3A_654 = arith.constant 0 : i32
      %dma_wait3A_655 = arith.constant 0 : i32
      %dma_wait3A_656 = arith.constant 0 : i32
      %dma_wait3A_657 = tpu.memref_slice %arg9[%dma_wait3A_653, %dma_wait3A_655, %dma_wait3A_656] : memref<8x128x16xf32, #tpu.memory_space<vmem>> -> memref<1x128x16xf32, #tpu.memory_space<vmem>>
      %dma_wait3A_658 = tpu.memref_squeeze %dma_wait3A_657 : memref<1x128x16xf32, #tpu.memory_space<vmem>> -> memref<128x16xf32, #tpu.memory_space<vmem>>
      %dma_wait3A_659 = arith.constant 0 : i32
      %dma_wait3A_660 = tpu.memref_slice %arg8[%dma_wait3A_654, %dma_wait3A_659] : memref<80x128xi32, #tpu.memory_space<vmem>> -> memref<1x128xi32, #tpu.memory_space<vmem>>
      %dma_wait3A_661 = tpu.memref_squeeze %dma_wait3A_660 : memref<1x128xi32, #tpu.memory_space<vmem>> -> memref<128xi32, #tpu.memory_space<vmem>>
      %dma_wait3A_662 = arith.constant 0 : i32
      %dma_wait3A_663 = arith.constant 0 : i32
      %dma_wait3A_664 = tpu.memref_slice %arg11[%dma_wait3A_662, %dma_wait3A_663] : memref<10112x16xf32, #tpu.memory_space<vmem_shared>> -> memref<10112x16xf32, #tpu.memory_space<vmem_shared>>
      tpu.wait_indirect_dma semaphore(%arg14 : memref<!tpu.dma_semaphore, #tpu.memory_space<semaphore_mem>>) src(%dma_wait3A_658 : memref<128x16xf32, #tpu.memory_space<vmem>>) dst(%dma_wait3A_664 : memref<10112x16xf32, #tpu.memory_space<vmem_shared>>)
      %dma_wait3A_665 = arith.constant 7 : i32
      %dma_wait3A_666 = arith.constant 0 : i32
      %dma_wait3A_667 = arith.constant 0 : i32
      %dma_wait3A_668 = arith.constant 0 : i32
      %dma_wait3A_669 = tpu.memref_slice %arg9[%dma_wait3A_665, %dma_wait3A_667, %dma_wait3A_668] : memref<8x128x16xf32, #tpu.memory_space<vmem>> -> memref<1x128x16xf32, #tpu.memory_space<vmem>>
      %dma_wait3A_670 = tpu.memref_squeeze %dma_wait3A_669 : memref<1x128x16xf32, #tpu.memory_space<vmem>> -> memref<128x16xf32, #tpu.memory_space<vmem>>
      %dma_wait3A_671 = arith.constant 0 : i32
      %dma_wait3A_672 = tpu.memref_slice %arg8[%dma_wait3A_666, %dma_wait3A_671] : memref<80x128xi32, #tpu.memory_space<vmem>> -> memref<1x128xi32, #tpu.memory_space<vmem>>
      %dma_wait3A_673 = tpu.memref_squeeze %dma_wait3A_672 : memref<1x128xi32, #tpu.memory_space<vmem>> -> memref<128xi32, #tpu.memory_space<vmem>>
      %dma_wait3A_674 = arith.constant 0 : i32
      %dma_wait3A_675 = arith.constant 0 : i32
      %dma_wait3A_676 = tpu.memref_slice %arg11[%dma_wait3A_674, %dma_wait3A_675] : memref<10112x16xf32, #tpu.memory_space<vmem_shared>> -> memref<10112x16xf32, #tpu.memory_space<vmem_shared>>
      tpu.wait_indirect_dma semaphore(%arg14 : memref<!tpu.dma_semaphore, #tpu.memory_space<semaphore_mem>>) src(%dma_wait3A_670 : memref<128x16xf32, #tpu.memory_space<vmem>>) dst(%dma_wait3A_676 : memref<10112x16xf32, #tpu.memory_space<vmem_shared>>)
      %lt3A = arith.constant 4 : i32
      %lt3A_677 = arith.cmpi slt, %scan3A_196, %lt3A : i32
      %convert_element_type3A_678 = arith.extui %lt3A_677 : i1 to i32
      %cond3A_679 = arith.constant 0 : i32
      %cond3A_680 = arith.cmpi ne, %convert_element_type3A_678, %cond3A_679 : i32
      scf.if %cond3A_680 {
        %add3A_787 = arith.constant 16 : i32
        %add3A_788 = arith.addi %mul3A_200, %add3A_787 : i32
        %add3A_789 = arith.constant 0 : i32
        %add3A_790 = arith.addi %add3A_788, %add3A_789 : i32
        %mul3A_791 = arith.constant 128 : i32
        %mul3A_792 = arith.muli %add3A_790, %mul3A_791 : i32
        %multiple_of3A_793 = tpu.assume_multiple %mul3A_792, 8 : i32
        %dma_start3A_794 = arith.constant 0 : i32
        %dma_start3A_795 = arith.constant 0 : i32
        %dma_start3A_796 = arith.constant 0 : i32
        %dma_start3A_797 = tpu.memref_slice %arg9[%dma_start3A_794, %dma_start3A_795, %dma_start3A_796] : memref<8x128x16xf32, #tpu.memory_space<vmem>> -> memref<1x128x16xf32, #tpu.memory_space<vmem>>
        %dma_start3A_798 = tpu.memref_squeeze %dma_start3A_797 : memref<1x128x16xf32, #tpu.memory_space<vmem>> -> memref<128x16xf32, #tpu.memory_space<vmem>>
        %dma_start3A_799 = tpu.memref_slice %arg7[%multiple_of3A_793] : memref<10240xi32, #tpu.memory_space<vmem>> -> memref<128xi32, #tpu.memory_space<vmem>>
        %dma_start3A_800 = arith.constant 0 : i32
        %dma_start3A_801 = arith.constant 0 : i32
        %dma_start3A_802 = tpu.memref_slice %arg2[%dma_start3A_800, %dma_start3A_801] : memref<10000x16xf32, #tpu.memory_space<hbm>> -> memref<10000x16xf32, #tpu.memory_space<hbm>>
        tpu.enqueue_indirect_dma source(%dma_start3A_802 : memref<10000x16xf32, #tpu.memory_space<hbm>>) target(%dma_start3A_798 : memref<128x16xf32, #tpu.memory_space<vmem>>) offsets(%dma_start3A_799 : memref<128xi32, #tpu.memory_space<vmem>>) semaphore(%arg12 : memref<!tpu.dma_semaphore, #tpu.memory_space<semaphore_mem>>)
        %add3A_803 = arith.constant 1 : i32
        %add3A_804 = arith.addi %add3A_788, %add3A_803 : i32
        %mul3A_805 = arith.constant 128 : i32
        %mul3A_806 = arith.muli %add3A_804, %mul3A_805 : i32
        %multiple_of3A_807 = tpu.assume_multiple %mul3A_806, 8 : i32
        %dma_start3A_808 = arith.constant 1 : i32
        %dma_start3A_809 = arith.constant 0 : i32
        %dma_start3A_810 = arith.constant 0 : i32
        %dma_start3A_811 = tpu.memref_slice %arg9[%dma_start3A_808, %dma_start3A_809, %dma_start3A_810] : memref<8x128x16xf32, #tpu.memory_space<vmem>> -> memref<1x128x16xf32, #tpu.memory_space<vmem>>
        %dma_start3A_812 = tpu.memref_squeeze %dma_start3A_811 : memref<1x128x16xf32, #tpu.memory_space<vmem>> -> memref<128x16xf32, #tpu.memory_space<vmem>>
        %dma_start3A_813 = tpu.memref_slice %arg7[%multiple_of3A_807] : memref<10240xi32, #tpu.memory_space<vmem>> -> memref<128xi32, #tpu.memory_space<vmem>>
        %dma_start3A_814 = arith.constant 0 : i32
        %dma_start3A_815 = arith.constant 0 : i32
        %dma_start3A_816 = tpu.memref_slice %arg2[%dma_start3A_814, %dma_start3A_815] : memref<10000x16xf32, #tpu.memory_space<hbm>> -> memref<10000x16xf32, #tpu.memory_space<hbm>>
        tpu.enqueue_indirect_dma source(%dma_start3A_816 : memref<10000x16xf32, #tpu.memory_space<hbm>>) target(%dma_start3A_812 : memref<128x16xf32, #tpu.memory_space<vmem>>) offsets(%dma_start3A_813 : memref<128xi32, #tpu.memory_space<vmem>>) semaphore(%arg12 : memref<!tpu.dma_semaphore, #tpu.memory_space<semaphore_mem>>)
        %add3A_817 = arith.constant 2 : i32
        %add3A_818 = arith.addi %add3A_788, %add3A_817 : i32
        %mul3A_819 = arith.constant 128 : i32
        %mul3A_820 = arith.muli %add3A_818, %mul3A_819 : i32
        %multiple_of3A_821 = tpu.assume_multiple %mul3A_820, 8 : i32
        %dma_start3A_822 = arith.constant 2 : i32
        %dma_start3A_823 = arith.constant 0 : i32
        %dma_start3A_824 = arith.constant 0 : i32
        %dma_start3A_825 = tpu.memref_slice %arg9[%dma_start3A_822, %dma_start3A_823, %dma_start3A_824] : memref<8x128x16xf32, #tpu.memory_space<vmem>> -> memref<1x128x16xf32, #tpu.memory_space<vmem>>
        %dma_start3A_826 = tpu.memref_squeeze %dma_start3A_825 : memref<1x128x16xf32, #tpu.memory_space<vmem>> -> memref<128x16xf32, #tpu.memory_space<vmem>>
        %dma_start3A_827 = tpu.memref_slice %arg7[%multiple_of3A_821] : memref<10240xi32, #tpu.memory_space<vmem>> -> memref<128xi32, #tpu.memory_space<vmem>>
        %dma_start3A_828 = arith.constant 0 : i32
        %dma_start3A_829 = arith.constant 0 : i32
        %dma_start3A_830 = tpu.memref_slice %arg2[%dma_start3A_828, %dma_start3A_829] : memref<10000x16xf32, #tpu.memory_space<hbm>> -> memref<10000x16xf32, #tpu.memory_space<hbm>>
        tpu.enqueue_indirect_dma source(%dma_start3A_830 : memref<10000x16xf32, #tpu.memory_space<hbm>>) target(%dma_start3A_826 : memref<128x16xf32, #tpu.memory_space<vmem>>) offsets(%dma_start3A_827 : memref<128xi32, #tpu.memory_space<vmem>>) semaphore(%arg12 : memref<!tpu.dma_semaphore, #tpu.memory_space<semaphore_mem>>)
        %add3A_831 = arith.constant 3 : i32
        %add3A_832 = arith.addi %add3A_788, %add3A_831 : i32
        %mul3A_833 = arith.constant 128 : i32
        %mul3A_834 = arith.muli %add3A_832, %mul3A_833 : i32
        %multiple_of3A_835 = tpu.assume_multiple %mul3A_834, 8 : i32
        %dma_start3A_836 = arith.constant 3 : i32
        %dma_start3A_837 = arith.constant 0 : i32
        %dma_start3A_838 = arith.constant 0 : i32
        %dma_start3A_839 = tpu.memref_slice %arg9[%dma_start3A_836, %dma_start3A_837, %dma_start3A_838] : memref<8x128x16xf32, #tpu.memory_space<vmem>> -> memref<1x128x16xf32, #tpu.memory_space<vmem>>
        %dma_start3A_840 = tpu.memref_squeeze %dma_start3A_839 : memref<1x128x16xf32, #tpu.memory_space<vmem>> -> memref<128x16xf32, #tpu.memory_space<vmem>>
        %dma_start3A_841 = tpu.memref_slice %arg7[%multiple_of3A_835] : memref<10240xi32, #tpu.memory_space<vmem>> -> memref<128xi32, #tpu.memory_space<vmem>>
        %dma_start3A_842 = arith.constant 0 : i32
        %dma_start3A_843 = arith.constant 0 : i32
        %dma_start3A_844 = tpu.memref_slice %arg2[%dma_start3A_842, %dma_start3A_843] : memref<10000x16xf32, #tpu.memory_space<hbm>> -> memref<10000x16xf32, #tpu.memory_space<hbm>>
        tpu.enqueue_indirect_dma source(%dma_start3A_844 : memref<10000x16xf32, #tpu.memory_space<hbm>>) target(%dma_start3A_840 : memref<128x16xf32, #tpu.memory_space<vmem>>) offsets(%dma_start3A_841 : memref<128xi32, #tpu.memory_space<vmem>>) semaphore(%arg12 : memref<!tpu.dma_semaphore, #tpu.memory_space<semaphore_mem>>)
        %add3A_845 = arith.constant 4 : i32
        %add3A_846 = arith.addi %add3A_788, %add3A_845 : i32
        %mul3A_847 = arith.constant 128 : i32
        %mul3A_848 = arith.muli %add3A_846, %mul3A_847 : i32
        %multiple_of3A_849 = tpu.assume_multiple %mul3A_848, 8 : i32
        %dma_start3A_850 = arith.constant 4 : i32
        %dma_start3A_851 = arith.constant 0 : i32
        %dma_start3A_852 = arith.constant 0 : i32
        %dma_start3A_853 = tpu.memref_slice %arg9[%dma_start3A_850, %dma_start3A_851, %dma_start3A_852] : memref<8x128x16xf32, #tpu.memory_space<vmem>> -> memref<1x128x16xf32, #tpu.memory_space<vmem>>
        %dma_start3A_854 = tpu.memref_squeeze %dma_start3A_853 : memref<1x128x16xf32, #tpu.memory_space<vmem>> -> memref<128x16xf32, #tpu.memory_space<vmem>>
        %dma_start3A_855 = tpu.memref_slice %arg7[%multiple_of3A_849] : memref<10240xi32, #tpu.memory_space<vmem>> -> memref<128xi32, #tpu.memory_space<vmem>>
        %dma_start3A_856 = arith.constant 0 : i32
        %dma_start3A_857 = arith.constant 0 : i32
        %dma_start3A_858 = tpu.memref_slice %arg2[%dma_start3A_856, %dma_start3A_857] : memref<10000x16xf32, #tpu.memory_space<hbm>> -> memref<10000x16xf32, #tpu.memory_space<hbm>>
        tpu.enqueue_indirect_dma source(%dma_start3A_858 : memref<10000x16xf32, #tpu.memory_space<hbm>>) target(%dma_start3A_854 : memref<128x16xf32, #tpu.memory_space<vmem>>) offsets(%dma_start3A_855 : memref<128xi32, #tpu.memory_space<vmem>>) semaphore(%arg12 : memref<!tpu.dma_semaphore, #tpu.memory_space<semaphore_mem>>)
        %add3A_859 = arith.constant 5 : i32
        %add3A_860 = arith.addi %add3A_788, %add3A_859 : i32
        %mul3A_861 = arith.constant 128 : i32
        %mul3A_862 = arith.muli %add3A_860, %mul3A_861 : i32
        %multiple_of3A_863 = tpu.assume_multiple %mul3A_862, 8 : i32
        %dma_start3A_864 = arith.constant 5 : i32
        %dma_start3A_865 = arith.constant 0 : i32
        %dma_start3A_866 = arith.constant 0 : i32
        %dma_start3A_867 = tpu.memref_slice %arg9[%dma_start3A_864, %dma_start3A_865, %dma_start3A_866] : memref<8x128x16xf32, #tpu.memory_space<vmem>> -> memref<1x128x16xf32, #tpu.memory_space<vmem>>
        %dma_start3A_868 = tpu.memref_squeeze %dma_start3A_867 : memref<1x128x16xf32, #tpu.memory_space<vmem>> -> memref<128x16xf32, #tpu.memory_space<vmem>>
        %dma_start3A_869 = tpu.memref_slice %arg7[%multiple_of3A_863] : memref<10240xi32, #tpu.memory_space<vmem>> -> memref<128xi32, #tpu.memory_space<vmem>>
        %dma_start3A_870 = arith.constant 0 : i32
        %dma_start3A_871 = arith.constant 0 : i32
        %dma_start3A_872 = tpu.memref_slice %arg2[%dma_start3A_870, %dma_start3A_871] : memref<10000x16xf32, #tpu.memory_space<hbm>> -> memref<10000x16xf32, #tpu.memory_space<hbm>>
        tpu.enqueue_indirect_dma source(%dma_start3A_872 : memref<10000x16xf32, #tpu.memory_space<hbm>>) target(%dma_start3A_868 : memref<128x16xf32, #tpu.memory_space<vmem>>) offsets(%dma_start3A_869 : memref<128xi32, #tpu.memory_space<vmem>>) semaphore(%arg12 : memref<!tpu.dma_semaphore, #tpu.memory_space<semaphore_mem>>)
        %add3A_873 = arith.constant 6 : i32
        %add3A_874 = arith.addi %add3A_788, %add3A_873 : i32
        %mul3A_875 = arith.constant 128 : i32
        %mul3A_876 = arith.muli %add3A_874, %mul3A_875 : i32
        %multiple_of3A_877 = tpu.assume_multiple %mul3A_876, 8 : i32
        %dma_start3A_878 = arith.constant 6 : i32
        %dma_start3A_879 = arith.constant 0 : i32
        %dma_start3A_880 = arith.constant 0 : i32
        %dma_start3A_881 = tpu.memref_slice %arg9[%dma_start3A_878, %dma_start3A_879, %dma_start3A_880] : memref<8x128x16xf32, #tpu.memory_space<vmem>> -> memref<1x128x16xf32, #tpu.memory_space<vmem>>
        %dma_start3A_882 = tpu.memref_squeeze %dma_start3A_881 : memref<1x128x16xf32, #tpu.memory_space<vmem>> -> memref<128x16xf32, #tpu.memory_space<vmem>>
        %dma_start3A_883 = tpu.memref_slice %arg7[%multiple_of3A_877] : memref<10240xi32, #tpu.memory_space<vmem>> -> memref<128xi32, #tpu.memory_space<vmem>>
        %dma_start3A_884 = arith.constant 0 : i32
        %dma_start3A_885 = arith.constant 0 : i32
        %dma_start3A_886 = tpu.memref_slice %arg2[%dma_start3A_884, %dma_start3A_885] : memref<10000x16xf32, #tpu.memory_space<hbm>> -> memref<10000x16xf32, #tpu.memory_space<hbm>>
        tpu.enqueue_indirect_dma source(%dma_start3A_886 : memref<10000x16xf32, #tpu.memory_space<hbm>>) target(%dma_start3A_882 : memref<128x16xf32, #tpu.memory_space<vmem>>) offsets(%dma_start3A_883 : memref<128xi32, #tpu.memory_space<vmem>>) semaphore(%arg12 : memref<!tpu.dma_semaphore, #tpu.memory_space<semaphore_mem>>)
        %add3A_887 = arith.constant 7 : i32
        %add3A_888 = arith.addi %add3A_788, %add3A_887 : i32
        %mul3A_889 = arith.constant 128 : i32
        %mul3A_890 = arith.muli %add3A_888, %mul3A_889 : i32
        %multiple_of3A_891 = tpu.assume_multiple %mul3A_890, 8 : i32
        %dma_start3A_892 = arith.constant 7 : i32
        %dma_start3A_893 = arith.constant 0 : i32
        %dma_start3A_894 = arith.constant 0 : i32
        %dma_start3A_895 = tpu.memref_slice %arg9[%dma_start3A_892, %dma_start3A_893, %dma_start3A_894] : memref<8x128x16xf32, #tpu.memory_space<vmem>> -> memref<1x128x16xf32, #tpu.memory_space<vmem>>
        %dma_start3A_896 = tpu.memref_squeeze %dma_start3A_895 : memref<1x128x16xf32, #tpu.memory_space<vmem>> -> memref<128x16xf32, #tpu.memory_space<vmem>>
        %dma_start3A_897 = tpu.memref_slice %arg7[%multiple_of3A_891] : memref<10240xi32, #tpu.memory_space<vmem>> -> memref<128xi32, #tpu.memory_space<vmem>>
        %dma_start3A_898 = arith.constant 0 : i32
        %dma_start3A_899 = arith.constant 0 : i32
        %dma_start3A_900 = tpu.memref_slice %arg2[%dma_start3A_898, %dma_start3A_899] : memref<10000x16xf32, #tpu.memory_space<hbm>> -> memref<10000x16xf32, #tpu.memory_space<hbm>>
        tpu.enqueue_indirect_dma source(%dma_start3A_900 : memref<10000x16xf32, #tpu.memory_space<hbm>>) target(%dma_start3A_896 : memref<128x16xf32, #tpu.memory_space<vmem>>) offsets(%dma_start3A_897 : memref<128xi32, #tpu.memory_space<vmem>>) semaphore(%arg12 : memref<!tpu.dma_semaphore, #tpu.memory_space<semaphore_mem>>)
      } else {
      }
      %add3A_681 = arith.constant 8 : i32
      %add3A_682 = arith.addi %mul3A_200, %add3A_681 : i32
      %add3A_683 = arith.constant 0 : i32
      %add3A_684 = arith.addi %add3A_682, %add3A_683 : i32
      %dma_start3A_685 = arith.constant 0 : i32
      %dma_start3A_686 = arith.constant 0 : i32
      %dma_start3A_687 = arith.constant 0 : i32
      %dma_start3A_688 = tpu.memref_slice %arg10[%dma_start3A_685, %dma_start3A_686, %dma_start3A_687] : memref<8x128x16xf32, #tpu.memory_space<vmem>> -> memref<1x128x16xf32, #tpu.memory_space<vmem>>
      %dma_start3A_689 = tpu.memref_squeeze %dma_start3A_688 : memref<1x128x16xf32, #tpu.memory_space<vmem>> -> memref<128x16xf32, #tpu.memory_space<vmem>>
      %dma_start3A_690 = arith.constant 0 : i32
      %dma_start3A_691 = tpu.memref_slice %arg8[%add3A_684, %dma_start3A_690] : memref<80x128xi32, #tpu.memory_space<vmem>> -> memref<1x128xi32, #tpu.memory_space<vmem>>
      %dma_start3A_692 = tpu.memref_squeeze %dma_start3A_691 : memref<1x128xi32, #tpu.memory_space<vmem>> -> memref<128xi32, #tpu.memory_space<vmem>>
      %dma_start3A_693 = arith.constant 0 : i32
      %dma_start3A_694 = arith.constant 0 : i32
      %dma_start3A_695 = tpu.memref_slice %arg11[%dma_start3A_693, %dma_start3A_694] : memref<10112x16xf32, #tpu.memory_space<vmem_shared>> -> memref<10112x16xf32, #tpu.memory_space<vmem_shared>>
      tpu.enqueue_indirect_dma source(%dma_start3A_689 : memref<128x16xf32, #tpu.memory_space<vmem>>) target(%dma_start3A_695 : memref<10112x16xf32, #tpu.memory_space<vmem_shared>>) offsets(%dma_start3A_692 : memref<128xi32, #tpu.memory_space<vmem>>) semaphore(%arg15 : memref<!tpu.dma_semaphore, #tpu.memory_space<semaphore_mem>>) {add = true}
      %add3A_696 = arith.constant 1 : i32
      %add3A_697 = arith.addi %add3A_682, %add3A_696 : i32
      %dma_start3A_698 = arith.constant 1 : i32
      %dma_start3A_699 = arith.constant 0 : i32
      %dma_start3A_700 = arith.constant 0 : i32
      %dma_start3A_701 = tpu.memref_slice %arg10[%dma_start3A_698, %dma_start3A_699, %dma_start3A_700] : memref<8x128x16xf32, #tpu.memory_space<vmem>> -> memref<1x128x16xf32, #tpu.memory_space<vmem>>
      %dma_start3A_702 = tpu.memref_squeeze %dma_start3A_701 : memref<1x128x16xf32, #tpu.memory_space<vmem>> -> memref<128x16xf32, #tpu.memory_space<vmem>>
      %dma_start3A_703 = arith.constant 0 : i32
      %dma_start3A_704 = tpu.memref_slice %arg8[%add3A_697, %dma_start3A_703] : memref<80x128xi32, #tpu.memory_space<vmem>> -> memref<1x128xi32, #tpu.memory_space<vmem>>
      %dma_start3A_705 = tpu.memref_squeeze %dma_start3A_704 : memref<1x128xi32, #tpu.memory_space<vmem>> -> memref<128xi32, #tpu.memory_space<vmem>>
      %dma_start3A_706 = arith.constant 0 : i32
      %dma_start3A_707 = arith.constant 0 : i32
      %dma_start3A_708 = tpu.memref_slice %arg11[%dma_start3A_706, %dma_start3A_707] : memref<10112x16xf32, #tpu.memory_space<vmem_shared>> -> memref<10112x16xf32, #tpu.memory_space<vmem_shared>>
      tpu.enqueue_indirect_dma source(%dma_start3A_702 : memref<128x16xf32, #tpu.memory_space<vmem>>) target(%dma_start3A_708 : memref<10112x16xf32, #tpu.memory_space<vmem_shared>>) offsets(%dma_start3A_705 : memref<128xi32, #tpu.memory_space<vmem>>) semaphore(%arg15 : memref<!tpu.dma_semaphore, #tpu.memory_space<semaphore_mem>>) {add = true}
      %add3A_709 = arith.constant 2 : i32
      %add3A_710 = arith.addi %add3A_682, %add3A_709 : i32
      %dma_start3A_711 = arith.constant 2 : i32
      %dma_start3A_712 = arith.constant 0 : i32
      %dma_start3A_713 = arith.constant 0 : i32
      %dma_start3A_714 = tpu.memref_slice %arg10[%dma_start3A_711, %dma_start3A_712, %dma_start3A_713] : memref<8x128x16xf32, #tpu.memory_space<vmem>> -> memref<1x128x16xf32, #tpu.memory_space<vmem>>
      %dma_start3A_715 = tpu.memref_squeeze %dma_start3A_714 : memref<1x128x16xf32, #tpu.memory_space<vmem>> -> memref<128x16xf32, #tpu.memory_space<vmem>>
      %dma_start3A_716 = arith.constant 0 : i32
      %dma_start3A_717 = tpu.memref_slice %arg8[%add3A_710, %dma_start3A_716] : memref<80x128xi32, #tpu.memory_space<vmem>> -> memref<1x128xi32, #tpu.memory_space<vmem>>
      %dma_start3A_718 = tpu.memref_squeeze %dma_start3A_717 : memref<1x128xi32, #tpu.memory_space<vmem>> -> memref<128xi32, #tpu.memory_space<vmem>>
      %dma_start3A_719 = arith.constant 0 : i32
      %dma_start3A_720 = arith.constant 0 : i32
      %dma_start3A_721 = tpu.memref_slice %arg11[%dma_start3A_719, %dma_start3A_720] : memref<10112x16xf32, #tpu.memory_space<vmem_shared>> -> memref<10112x16xf32, #tpu.memory_space<vmem_shared>>
      tpu.enqueue_indirect_dma source(%dma_start3A_715 : memref<128x16xf32, #tpu.memory_space<vmem>>) target(%dma_start3A_721 : memref<10112x16xf32, #tpu.memory_space<vmem_shared>>) offsets(%dma_start3A_718 : memref<128xi32, #tpu.memory_space<vmem>>) semaphore(%arg15 : memref<!tpu.dma_semaphore, #tpu.memory_space<semaphore_mem>>) {add = true}
      %add3A_722 = arith.constant 3 : i32
      %add3A_723 = arith.addi %add3A_682, %add3A_722 : i32
      %dma_start3A_724 = arith.constant 3 : i32
      %dma_start3A_725 = arith.constant 0 : i32
      %dma_start3A_726 = arith.constant 0 : i32
      %dma_start3A_727 = tpu.memref_slice %arg10[%dma_start3A_724, %dma_start3A_725, %dma_start3A_726] : memref<8x128x16xf32, #tpu.memory_space<vmem>> -> memref<1x128x16xf32, #tpu.memory_space<vmem>>
      %dma_start3A_728 = tpu.memref_squeeze %dma_start3A_727 : memref<1x128x16xf32, #tpu.memory_space<vmem>> -> memref<128x16xf32, #tpu.memory_space<vmem>>
      %dma_start3A_729 = arith.constant 0 : i32
      %dma_start3A_730 = tpu.memref_slice %arg8[%add3A_723, %dma_start3A_729] : memref<80x128xi32, #tpu.memory_space<vmem>> -> memref<1x128xi32, #tpu.memory_space<vmem>>
      %dma_start3A_731 = tpu.memref_squeeze %dma_start3A_730 : memref<1x128xi32, #tpu.memory_space<vmem>> -> memref<128xi32, #tpu.memory_space<vmem>>
      %dma_start3A_732 = arith.constant 0 : i32
      %dma_start3A_733 = arith.constant 0 : i32
      %dma_start3A_734 = tpu.memref_slice %arg11[%dma_start3A_732, %dma_start3A_733] : memref<10112x16xf32, #tpu.memory_space<vmem_shared>> -> memref<10112x16xf32, #tpu.memory_space<vmem_shared>>
      tpu.enqueue_indirect_dma source(%dma_start3A_728 : memref<128x16xf32, #tpu.memory_space<vmem>>) target(%dma_start3A_734 : memref<10112x16xf32, #tpu.memory_space<vmem_shared>>) offsets(%dma_start3A_731 : memref<128xi32, #tpu.memory_space<vmem>>) semaphore(%arg15 : memref<!tpu.dma_semaphore, #tpu.memory_space<semaphore_mem>>) {add = true}
      %add3A_735 = arith.constant 4 : i32
      %add3A_736 = arith.addi %add3A_682, %add3A_735 : i32
      %dma_start3A_737 = arith.constant 4 : i32
      %dma_start3A_738 = arith.constant 0 : i32
      %dma_start3A_739 = arith.constant 0 : i32
      %dma_start3A_740 = tpu.memref_slice %arg10[%dma_start3A_737, %dma_start3A_738, %dma_start3A_739] : memref<8x128x16xf32, #tpu.memory_space<vmem>> -> memref<1x128x16xf32, #tpu.memory_space<vmem>>
      %dma_start3A_741 = tpu.memref_squeeze %dma_start3A_740 : memref<1x128x16xf32, #tpu.memory_space<vmem>> -> memref<128x16xf32, #tpu.memory_space<vmem>>
      %dma_start3A_742 = arith.constant 0 : i32
      %dma_start3A_743 = tpu.memref_slice %arg8[%add3A_736, %dma_start3A_742] : memref<80x128xi32, #tpu.memory_space<vmem>> -> memref<1x128xi32, #tpu.memory_space<vmem>>
      %dma_start3A_744 = tpu.memref_squeeze %dma_start3A_743 : memref<1x128xi32, #tpu.memory_space<vmem>> -> memref<128xi32, #tpu.memory_space<vmem>>
      %dma_start3A_745 = arith.constant 0 : i32
      %dma_start3A_746 = arith.constant 0 : i32
      %dma_start3A_747 = tpu.memref_slice %arg11[%dma_start3A_745, %dma_start3A_746] : memref<10112x16xf32, #tpu.memory_space<vmem_shared>> -> memref<10112x16xf32, #tpu.memory_space<vmem_shared>>
      tpu.enqueue_indirect_dma source(%dma_start3A_741 : memref<128x16xf32, #tpu.memory_space<vmem>>) target(%dma_start3A_747 : memref<10112x16xf32, #tpu.memory_space<vmem_shared>>) offsets(%dma_start3A_744 : memref<128xi32, #tpu.memory_space<vmem>>) semaphore(%arg15 : memref<!tpu.dma_semaphore, #tpu.memory_space<semaphore_mem>>) {add = true}
      %add3A_748 = arith.constant 5 : i32
      %add3A_749 = arith.addi %add3A_682, %add3A_748 : i32
      %dma_start3A_750 = arith.constant 5 : i32
      %dma_start3A_751 = arith.constant 0 : i32
      %dma_start3A_752 = arith.constant 0 : i32
      %dma_start3A_753 = tpu.memref_slice %arg10[%dma_start3A_750, %dma_start3A_751, %dma_start3A_752] : memref<8x128x16xf32, #tpu.memory_space<vmem>> -> memref<1x128x16xf32, #tpu.memory_space<vmem>>
      %dma_start3A_754 = tpu.memref_squeeze %dma_start3A_753 : memref<1x128x16xf32, #tpu.memory_space<vmem>> -> memref<128x16xf32, #tpu.memory_space<vmem>>
      %dma_start3A_755 = arith.constant 0 : i32
      %dma_start3A_756 = tpu.memref_slice %arg8[%add3A_749, %dma_start3A_755] : memref<80x128xi32, #tpu.memory_space<vmem>> -> memref<1x128xi32, #tpu.memory_space<vmem>>
      %dma_start3A_757 = tpu.memref_squeeze %dma_start3A_756 : memref<1x128xi32, #tpu.memory_space<vmem>> -> memref<128xi32, #tpu.memory_space<vmem>>
      %dma_start3A_758 = arith.constant 0 : i32
      %dma_start3A_759 = arith.constant 0 : i32
      %dma_start3A_760 = tpu.memref_slice %arg11[%dma_start3A_758, %dma_start3A_759] : memref<10112x16xf32, #tpu.memory_space<vmem_shared>> -> memref<10112x16xf32, #tpu.memory_space<vmem_shared>>
      tpu.enqueue_indirect_dma source(%dma_start3A_754 : memref<128x16xf32, #tpu.memory_space<vmem>>) target(%dma_start3A_760 : memref<10112x16xf32, #tpu.memory_space<vmem_shared>>) offsets(%dma_start3A_757 : memref<128xi32, #tpu.memory_space<vmem>>) semaphore(%arg15 : memref<!tpu.dma_semaphore, #tpu.memory_space<semaphore_mem>>) {add = true}
      %add3A_761 = arith.constant 6 : i32
      %add3A_762 = arith.addi %add3A_682, %add3A_761 : i32
      %dma_start3A_763 = arith.constant 6 : i32
      %dma_start3A_764 = arith.constant 0 : i32
      %dma_start3A_765 = arith.constant 0 : i32
      %dma_start3A_766 = tpu.memref_slice %arg10[%dma_start3A_763, %dma_start3A_764, %dma_start3A_765] : memref<8x128x16xf32, #tpu.memory_space<vmem>> -> memref<1x128x16xf32, #tpu.memory_space<vmem>>
      %dma_start3A_767 = tpu.memref_squeeze %dma_start3A_766 : memref<1x128x16xf32, #tpu.memory_space<vmem>> -> memref<128x16xf32, #tpu.memory_space<vmem>>
      %dma_start3A_768 = arith.constant 0 : i32
      %dma_start3A_769 = tpu.memref_slice %arg8[%add3A_762, %dma_start3A_768] : memref<80x128xi32, #tpu.memory_space<vmem>> -> memref<1x128xi32, #tpu.memory_space<vmem>>
      %dma_start3A_770 = tpu.memref_squeeze %dma_start3A_769 : memref<1x128xi32, #tpu.memory_space<vmem>> -> memref<128xi32, #tpu.memory_space<vmem>>
      %dma_start3A_771 = arith.constant 0 : i32
      %dma_start3A_772 = arith.constant 0 : i32
      %dma_start3A_773 = tpu.memref_slice %arg11[%dma_start3A_771, %dma_start3A_772] : memref<10112x16xf32, #tpu.memory_space<vmem_shared>> -> memref<10112x16xf32, #tpu.memory_space<vmem_shared>>
      tpu.enqueue_indirect_dma source(%dma_start3A_767 : memref<128x16xf32, #tpu.memory_space<vmem>>) target(%dma_start3A_773 : memref<10112x16xf32, #tpu.memory_space<vmem_shared>>) offsets(%dma_start3A_770 : memref<128xi32, #tpu.memory_space<vmem>>) semaphore(%arg15 : memref<!tpu.dma_semaphore, #tpu.memory_space<semaphore_mem>>) {add = true}
      %add3A_774 = arith.constant 7 : i32
      %add3A_775 = arith.addi %add3A_682, %add3A_774 : i32
      %dma_start3A_776 = arith.constant 7 : i32
      %dma_start3A_777 = arith.constant 0 : i32
      %dma_start3A_778 = arith.constant 0 : i32
      %dma_start3A_779 = tpu.memref_slice %arg10[%dma_start3A_776, %dma_start3A_777, %dma_start3A_778] : memref<8x128x16xf32, #tpu.memory_space<vmem>> -> memref<1x128x16xf32, #tpu.memory_space<vmem>>
      %dma_start3A_780 = tpu.memref_squeeze %dma_start3A_779 : memref<1x128x16xf32, #tpu.memory_space<vmem>> -> memref<128x16xf32, #tpu.memory_space<vmem>>
      %dma_start3A_781 = arith.constant 0 : i32
      %dma_start3A_782 = tpu.memref_slice %arg8[%add3A_775, %dma_start3A_781] : memref<80x128xi32, #tpu.memory_space<vmem>> -> memref<1x128xi32, #tpu.memory_space<vmem>>
      %dma_start3A_783 = tpu.memref_squeeze %dma_start3A_782 : memref<1x128xi32, #tpu.memory_space<vmem>> -> memref<128xi32, #tpu.memory_space<vmem>>
      %dma_start3A_784 = arith.constant 0 : i32
      %dma_start3A_785 = arith.constant 0 : i32
      %dma_start3A_786 = tpu.memref_slice %arg11[%dma_start3A_784, %dma_start3A_785] : memref<10112x16xf32, #tpu.memory_space<vmem_shared>> -> memref<10112x16xf32, #tpu.memory_space<vmem_shared>>
      tpu.enqueue_indirect_dma source(%dma_start3A_780 : memref<128x16xf32, #tpu.memory_space<vmem>>) target(%dma_start3A_786 : memref<10112x16xf32, #tpu.memory_space<vmem_shared>>) offsets(%dma_start3A_783 : memref<128xi32, #tpu.memory_space<vmem>>) semaphore(%arg15 : memref<!tpu.dma_semaphore, #tpu.memory_space<semaphore_mem>>) {add = true}
    }
    %scan3A_95 = arith.constant 5 : i32
    %dma_wait3A = arith.constant 0 : i32
    %dma_wait3A_96 = arith.constant 0 : i32
    %dma_wait3A_97 = arith.constant 0 : i32
    %dma_wait3A_98 = arith.constant 0 : i32
    %dma_wait3A_99 = tpu.memref_slice %arg10[%dma_wait3A, %dma_wait3A_97, %dma_wait3A_98] : memref<8x128x16xf32, #tpu.memory_space<vmem>> -> memref<1x128x16xf32, #tpu.memory_space<vmem>>
    %dma_wait3A_100 = tpu.memref_squeeze %dma_wait3A_99 : memref<1x128x16xf32, #tpu.memory_space<vmem>> -> memref<128x16xf32, #tpu.memory_space<vmem>>
    %dma_wait3A_101 = arith.constant 0 : i32
    %dma_wait3A_102 = tpu.memref_slice %arg8[%dma_wait3A_96, %dma_wait3A_101] : memref<80x128xi32, #tpu.memory_space<vmem>> -> memref<1x128xi32, #tpu.memory_space<vmem>>
    %dma_wait3A_103 = tpu.memref_squeeze %dma_wait3A_102 : memref<1x128xi32, #tpu.memory_space<vmem>> -> memref<128xi32, #tpu.memory_space<vmem>>
    %dma_wait3A_104 = arith.constant 0 : i32
    %dma_wait3A_105 = arith.constant 0 : i32
    %dma_wait3A_106 = tpu.memref_slice %arg11[%dma_wait3A_104, %dma_wait3A_105] : memref<10112x16xf32, #tpu.memory_space<vmem_shared>> -> memref<10112x16xf32, #tpu.memory_space<vmem_shared>>
    tpu.wait_indirect_dma semaphore(%arg15 : memref<!tpu.dma_semaphore, #tpu.memory_space<semaphore_mem>>) src(%dma_wait3A_100 : memref<128x16xf32, #tpu.memory_space<vmem>>) dst(%dma_wait3A_106 : memref<10112x16xf32, #tpu.memory_space<vmem_shared>>)
    %dma_wait3A_107 = arith.constant 1 : i32
    %dma_wait3A_108 = arith.constant 0 : i32
    %dma_wait3A_109 = arith.constant 0 : i32
    %dma_wait3A_110 = arith.constant 0 : i32
    %dma_wait3A_111 = tpu.memref_slice %arg10[%dma_wait3A_107, %dma_wait3A_109, %dma_wait3A_110] : memref<8x128x16xf32, #tpu.memory_space<vmem>> -> memref<1x128x16xf32, #tpu.memory_space<vmem>>
    %dma_wait3A_112 = tpu.memref_squeeze %dma_wait3A_111 : memref<1x128x16xf32, #tpu.memory_space<vmem>> -> memref<128x16xf32, #tpu.memory_space<vmem>>
    %dma_wait3A_113 = arith.constant 0 : i32
    %dma_wait3A_114 = tpu.memref_slice %arg8[%dma_wait3A_108, %dma_wait3A_113] : memref<80x128xi32, #tpu.memory_space<vmem>> -> memref<1x128xi32, #tpu.memory_space<vmem>>
    %dma_wait3A_115 = tpu.memref_squeeze %dma_wait3A_114 : memref<1x128xi32, #tpu.memory_space<vmem>> -> memref<128xi32, #tpu.memory_space<vmem>>
    %dma_wait3A_116 = arith.constant 0 : i32
    %dma_wait3A_117 = arith.constant 0 : i32
    %dma_wait3A_118 = tpu.memref_slice %arg11[%dma_wait3A_116, %dma_wait3A_117] : memref<10112x16xf32, #tpu.memory_space<vmem_shared>> -> memref<10112x16xf32, #tpu.memory_space<vmem_shared>>
    tpu.wait_indirect_dma semaphore(%arg15 : memref<!tpu.dma_semaphore, #tpu.memory_space<semaphore_mem>>) src(%dma_wait3A_112 : memref<128x16xf32, #tpu.memory_space<vmem>>) dst(%dma_wait3A_118 : memref<10112x16xf32, #tpu.memory_space<vmem_shared>>)
    %dma_wait3A_119 = arith.constant 2 : i32
    %dma_wait3A_120 = arith.constant 0 : i32
    %dma_wait3A_121 = arith.constant 0 : i32
    %dma_wait3A_122 = arith.constant 0 : i32
    %dma_wait3A_123 = tpu.memref_slice %arg10[%dma_wait3A_119, %dma_wait3A_121, %dma_wait3A_122] : memref<8x128x16xf32, #tpu.memory_space<vmem>> -> memref<1x128x16xf32, #tpu.memory_space<vmem>>
    %dma_wait3A_124 = tpu.memref_squeeze %dma_wait3A_123 : memref<1x128x16xf32, #tpu.memory_space<vmem>> -> memref<128x16xf32, #tpu.memory_space<vmem>>
    %dma_wait3A_125 = arith.constant 0 : i32
    %dma_wait3A_126 = tpu.memref_slice %arg8[%dma_wait3A_120, %dma_wait3A_125] : memref<80x128xi32, #tpu.memory_space<vmem>> -> memref<1x128xi32, #tpu.memory_space<vmem>>
    %dma_wait3A_127 = tpu.memref_squeeze %dma_wait3A_126 : memref<1x128xi32, #tpu.memory_space<vmem>> -> memref<128xi32, #tpu.memory_space<vmem>>
    %dma_wait3A_128 = arith.constant 0 : i32
    %dma_wait3A_129 = arith.constant 0 : i32
    %dma_wait3A_130 = tpu.memref_slice %arg11[%dma_wait3A_128, %dma_wait3A_129] : memref<10112x16xf32, #tpu.memory_space<vmem_shared>> -> memref<10112x16xf32, #tpu.memory_space<vmem_shared>>
    tpu.wait_indirect_dma semaphore(%arg15 : memref<!tpu.dma_semaphore, #tpu.memory_space<semaphore_mem>>) src(%dma_wait3A_124 : memref<128x16xf32, #tpu.memory_space<vmem>>) dst(%dma_wait3A_130 : memref<10112x16xf32, #tpu.memory_space<vmem_shared>>)
    %dma_wait3A_131 = arith.constant 3 : i32
    %dma_wait3A_132 = arith.constant 0 : i32
    %dma_wait3A_133 = arith.constant 0 : i32
    %dma_wait3A_134 = arith.constant 0 : i32
    %dma_wait3A_135 = tpu.memref_slice %arg10[%dma_wait3A_131, %dma_wait3A_133, %dma_wait3A_134] : memref<8x128x16xf32, #tpu.memory_space<vmem>> -> memref<1x128x16xf32, #tpu.memory_space<vmem>>
    %dma_wait3A_136 = tpu.memref_squeeze %dma_wait3A_135 : memref<1x128x16xf32, #tpu.memory_space<vmem>> -> memref<128x16xf32, #tpu.memory_space<vmem>>
    %dma_wait3A_137 = arith.constant 0 : i32
    %dma_wait3A_138 = tpu.memref_slice %arg8[%dma_wait3A_132, %dma_wait3A_137] : memref<80x128xi32, #tpu.memory_space<vmem>> -> memref<1x128xi32, #tpu.memory_space<vmem>>
    %dma_wait3A_139 = tpu.memref_squeeze %dma_wait3A_138 : memref<1x128xi32, #tpu.memory_space<vmem>> -> memref<128xi32, #tpu.memory_space<vmem>>
    %dma_wait3A_140 = arith.constant 0 : i32
    %dma_wait3A_141 = arith.constant 0 : i32
    %dma_wait3A_142 = tpu.memref_slice %arg11[%dma_wait3A_140, %dma_wait3A_141] : memref<10112x16xf32, #tpu.memory_space<vmem_shared>> -> memref<10112x16xf32, #tpu.memory_space<vmem_shared>>
    tpu.wait_indirect_dma semaphore(%arg15 : memref<!tpu.dma_semaphore, #tpu.memory_space<semaphore_mem>>) src(%dma_wait3A_136 : memref<128x16xf32, #tpu.memory_space<vmem>>) dst(%dma_wait3A_142 : memref<10112x16xf32, #tpu.memory_space<vmem_shared>>)
    %dma_wait3A_143 = arith.constant 4 : i32
    %dma_wait3A_144 = arith.constant 0 : i32
    %dma_wait3A_145 = arith.constant 0 : i32
    %dma_wait3A_146 = arith.constant 0 : i32
    %dma_wait3A_147 = tpu.memref_slice %arg10[%dma_wait3A_143, %dma_wait3A_145, %dma_wait3A_146] : memref<8x128x16xf32, #tpu.memory_space<vmem>> -> memref<1x128x16xf32, #tpu.memory_space<vmem>>
    %dma_wait3A_148 = tpu.memref_squeeze %dma_wait3A_147 : memref<1x128x16xf32, #tpu.memory_space<vmem>> -> memref<128x16xf32, #tpu.memory_space<vmem>>
    %dma_wait3A_149 = arith.constant 0 : i32
    %dma_wait3A_150 = tpu.memref_slice %arg8[%dma_wait3A_144, %dma_wait3A_149] : memref<80x128xi32, #tpu.memory_space<vmem>> -> memref<1x128xi32, #tpu.memory_space<vmem>>
    %dma_wait3A_151 = tpu.memref_squeeze %dma_wait3A_150 : memref<1x128xi32, #tpu.memory_space<vmem>> -> memref<128xi32, #tpu.memory_space<vmem>>
    %dma_wait3A_152 = arith.constant 0 : i32
    %dma_wait3A_153 = arith.constant 0 : i32
    %dma_wait3A_154 = tpu.memref_slice %arg11[%dma_wait3A_152, %dma_wait3A_153] : memref<10112x16xf32, #tpu.memory_space<vmem_shared>> -> memref<10112x16xf32, #tpu.memory_space<vmem_shared>>
    tpu.wait_indirect_dma semaphore(%arg15 : memref<!tpu.dma_semaphore, #tpu.memory_space<semaphore_mem>>) src(%dma_wait3A_148 : memref<128x16xf32, #tpu.memory_space<vmem>>) dst(%dma_wait3A_154 : memref<10112x16xf32, #tpu.memory_space<vmem_shared>>)
    %dma_wait3A_155 = arith.constant 5 : i32
    %dma_wait3A_156 = arith.constant 0 : i32
    %dma_wait3A_157 = arith.constant 0 : i32
    %dma_wait3A_158 = arith.constant 0 : i32
    %dma_wait3A_159 = tpu.memref_slice %arg10[%dma_wait3A_155, %dma_wait3A_157, %dma_wait3A_158] : memref<8x128x16xf32, #tpu.memory_space<vmem>> -> memref<1x128x16xf32, #tpu.memory_space<vmem>>
    %dma_wait3A_160 = tpu.memref_squeeze %dma_wait3A_159 : memref<1x128x16xf32, #tpu.memory_space<vmem>> -> memref<128x16xf32, #tpu.memory_space<vmem>>
    %dma_wait3A_161 = arith.constant 0 : i32
    %dma_wait3A_162 = tpu.memref_slice %arg8[%dma_wait3A_156, %dma_wait3A_161] : memref<80x128xi32, #tpu.memory_space<vmem>> -> memref<1x128xi32, #tpu.memory_space<vmem>>
    %dma_wait3A_163 = tpu.memref_squeeze %dma_wait3A_162 : memref<1x128xi32, #tpu.memory_space<vmem>> -> memref<128xi32, #tpu.memory_space<vmem>>
    %dma_wait3A_164 = arith.constant 0 : i32
    %dma_wait3A_165 = arith.constant 0 : i32
    %dma_wait3A_166 = tpu.memref_slice %arg11[%dma_wait3A_164, %dma_wait3A_165] : memref<10112x16xf32, #tpu.memory_space<vmem_shared>> -> memref<10112x16xf32, #tpu.memory_space<vmem_shared>>
    tpu.wait_indirect_dma semaphore(%arg15 : memref<!tpu.dma_semaphore, #tpu.memory_space<semaphore_mem>>) src(%dma_wait3A_160 : memref<128x16xf32, #tpu.memory_space<vmem>>) dst(%dma_wait3A_166 : memref<10112x16xf32, #tpu.memory_space<vmem_shared>>)
    %dma_wait3A_167 = arith.constant 6 : i32
    %dma_wait3A_168 = arith.constant 0 : i32
    %dma_wait3A_169 = arith.constant 0 : i32
    %dma_wait3A_170 = arith.constant 0 : i32
    %dma_wait3A_171 = tpu.memref_slice %arg10[%dma_wait3A_167, %dma_wait3A_169, %dma_wait3A_170] : memref<8x128x16xf32, #tpu.memory_space<vmem>> -> memref<1x128x16xf32, #tpu.memory_space<vmem>>
    %dma_wait3A_172 = tpu.memref_squeeze %dma_wait3A_171 : memref<1x128x16xf32, #tpu.memory_space<vmem>> -> memref<128x16xf32, #tpu.memory_space<vmem>>
    %dma_wait3A_173 = arith.constant 0 : i32
    %dma_wait3A_174 = tpu.memref_slice %arg8[%dma_wait3A_168, %dma_wait3A_173] : memref<80x128xi32, #tpu.memory_space<vmem>> -> memref<1x128xi32, #tpu.memory_space<vmem>>
    %dma_wait3A_175 = tpu.memref_squeeze %dma_wait3A_174 : memref<1x128xi32, #tpu.memory_space<vmem>> -> memref<128xi32, #tpu.memory_space<vmem>>
    %dma_wait3A_176 = arith.constant 0 : i32
    %dma_wait3A_177 = arith.constant 0 : i32
    %dma_wait3A_178 = tpu.memref_slice %arg11[%dma_wait3A_176, %dma_wait3A_177] : memref<10112x16xf32, #tpu.memory_space<vmem_shared>> -> memref<10112x16xf32, #tpu.memory_space<vmem_shared>>
    tpu.wait_indirect_dma semaphore(%arg15 : memref<!tpu.dma_semaphore, #tpu.memory_space<semaphore_mem>>) src(%dma_wait3A_172 : memref<128x16xf32, #tpu.memory_space<vmem>>) dst(%dma_wait3A_178 : memref<10112x16xf32, #tpu.memory_space<vmem_shared>>)
    %dma_wait3A_179 = arith.constant 7 : i32
    %dma_wait3A_180 = arith.constant 0 : i32
    %dma_wait3A_181 = arith.constant 0 : i32
    %dma_wait3A_182 = arith.constant 0 : i32
    %dma_wait3A_183 = tpu.memref_slice %arg10[%dma_wait3A_179, %dma_wait3A_181, %dma_wait3A_182] : memref<8x128x16xf32, #tpu.memory_space<vmem>> -> memref<1x128x16xf32, #tpu.memory_space<vmem>>
    %dma_wait3A_184 = tpu.memref_squeeze %dma_wait3A_183 : memref<1x128x16xf32, #tpu.memory_space<vmem>> -> memref<128x16xf32, #tpu.memory_space<vmem>>
    %dma_wait3A_185 = arith.constant 0 : i32
    %dma_wait3A_186 = tpu.memref_slice %arg8[%dma_wait3A_180, %dma_wait3A_185] : memref<80x128xi32, #tpu.memory_space<vmem>> -> memref<1x128xi32, #tpu.memory_space<vmem>>
    %dma_wait3A_187 = tpu.memref_squeeze %dma_wait3A_186 : memref<1x128xi32, #tpu.memory_space<vmem>> -> memref<128xi32, #tpu.memory_space<vmem>>
    %dma_wait3A_188 = arith.constant 0 : i32
    %dma_wait3A_189 = arith.constant 0 : i32
    %dma_wait3A_190 = tpu.memref_slice %arg11[%dma_wait3A_188, %dma_wait3A_189] : memref<10112x16xf32, #tpu.memory_space<vmem_shared>> -> memref<10112x16xf32, #tpu.memory_space<vmem_shared>>
    tpu.wait_indirect_dma semaphore(%arg15 : memref<!tpu.dma_semaphore, #tpu.memory_space<semaphore_mem>>) src(%dma_wait3A_184 : memref<128x16xf32, #tpu.memory_space<vmem>>) dst(%dma_wait3A_190 : memref<10112x16xf32, #tpu.memory_space<vmem_shared>>)
    %barrier3A_191 = arith.constant 0 : index
    tpu.barrier barrier_id(%barrier3A_191)
    %mul3A_192 = arith.constant 632 : i32
    %mul3A_193 = arith.muli %arg1, %mul3A_192 : i32
    %mul3A_194 = arith.constant 632 : i32
    %mul3A_195 = arith.muli %arg1, %mul3A_194 : i32
    "tpu.region"() ({
      %run_scoped3A = tpu.sem_alloc : memref<!tpu.dma_semaphore, #tpu.memory_space<semaphore_mem>>
      %dma_start3A_196 = arith.constant 0 : i32
      %dma_start3A_197 = tpu.memref_slice %arg6[%arg0, %mul3A_195, %dma_start3A_196] : memref<2x10112x16xf32, #tpu.memory_space<hbm>> -> memref<1x632x16xf32, #tpu.memory_space<hbm>>
      %dma_start3A_198 = tpu.memref_squeeze %dma_start3A_197 : memref<1x632x16xf32, #tpu.memory_space<hbm>> -> memref<632x16xf32, #tpu.memory_space<hbm>>
      %dma_start3A_199 = arith.constant 0 : i32
      %dma_start3A_200 = tpu.memref_slice %arg11[%mul3A_193, %dma_start3A_199] : memref<10112x16xf32, #tpu.memory_space<vmem_shared>> -> memref<632x16xf32, #tpu.memory_space<vmem_shared>>
      tpu.enqueue_dma source(%dma_start3A_200 : memref<632x16xf32, #tpu.memory_space<vmem_shared>>) target(%dma_start3A_198 : memref<632x16xf32, #tpu.memory_space<hbm>>) target_semaphore(%run_scoped3A : memref<!tpu.dma_semaphore, #tpu.memory_space<semaphore_mem>>)
      %dma_wait3A_201 = arith.constant 0 : i32
      %dma_wait3A_202 = tpu.memref_slice %arg6[%arg0, %mul3A_195, %dma_wait3A_201] : memref<2x10112x16xf32, #tpu.memory_space<hbm>> -> memref<1x632x16xf32, #tpu.memory_space<hbm>>
      %dma_wait3A_203 = tpu.memref_squeeze %dma_wait3A_202 : memref<1x632x16xf32, #tpu.memory_space<hbm>> -> memref<632x16xf32, #tpu.memory_space<hbm>>
      %dma_wait3A_204 = arith.constant 0 : i32
      %dma_wait3A_205 = tpu.memref_slice %arg11[%mul3A_193, %dma_wait3A_204] : memref<10112x16xf32, #tpu.memory_space<vmem_shared>> -> memref<632x16xf32, #tpu.memory_space<vmem_shared>>
      tpu.wait_dma2 semaphore(%run_scoped3A : memref<!tpu.dma_semaphore, #tpu.memory_space<semaphore_mem>>) src(%dma_wait3A_205 : memref<632x16xf32, #tpu.memory_space<vmem_shared>>) dst(%dma_wait3A_203 : memref<632x16xf32, #tpu.memory_space<hbm>>)
      tpu.yield
    }) : () -> ()
    return
  }
}

module attributes {stable_mosaic.version = 14 : i64} {
  func.func @_tc1_body(%arg0: i32, %arg1: memref<1000x128xf32, #tpu.memory_space<vmem>>, %arg2: memref<128x128xf32, #tpu.memory_space<vmem>>, %arg3: memref<1000x32xf32, #tpu.memory_space<vmem>>, %arg4: memref<1000x128xf32, #tpu.memory_space<vmem>>) attributes {dimension_semantics = [#tpu.dimension_semantics<arbitrary>], iteration_bounds = array<i64: 10>, scalar_prefetch = 0 : i64, scratch_operands = 0 : i64, tpu.core_type = #tpu.core_type<tc>, window_params = [{transform_indices = @transform_0, window_bounds = array<i64: 1000, 128>}, {pipeline_mode = #tpu.pipeline_mode<synchronous>, transform_indices = @transform_1, window_bounds = array<i64: 128, 128>}, {transform_indices = @transform_2, window_bounds = array<i64: 1000, 32>}, {transform_indices = @transform_3, window_bounds = array<i64: 1000, 128>}]} {
    %get3A = arith.constant 0 : index
    %get3A_0 = arith.constant 0 : index
    %get3A_1 = vector.load %arg1[%get3A, %get3A_0] : memref<1000x128xf32, #tpu.memory_space<vmem>>, vector<1000x128xf32>
    %get3A_2 = arith.constant 0 : index
    %get3A_3 = arith.constant 0 : index
    %get3A_4 = vector.load %arg2[%get3A_2, %get3A_3] : memref<128x128xf32, #tpu.memory_space<vmem>>, vector<128x128xf32>
    %dot_general3A = arith.constant dense<0.000000e+00> : vector<1000x128xf32>
    %dot_general3A_5 = tpu.matmul %get3A_1, %get3A_4, %dot_general3A {dimension_numbers = #tpu.dot_dimension_numbers<[1], [0], [0], [1], [0, 0, 1, 1], [], []>, transpose_lhs_hint = false} : vector<1000x128xf32>, vector<128x128xf32>, vector<1000x128xf32> -> vector<1000x128xf32>
    %get3A_6 = arith.constant 0 : index
    %get3A_7 = arith.constant 0 : index
    %get3A_8 = vector.load %arg3[%get3A_6, %get3A_7] : memref<1000x32xf32, #tpu.memory_space<vmem>>, vector<1000x32xf32>
    %reduce_sum3A = arith.constant dense<0.000000e+00> : vector<1000xf32>
    %reduce_sum3A_9 = vector.multi_reduction <add>, %get3A_8, %reduce_sum3A [1] : vector<1000x32xf32> to vector<1000xf32>
    %broadcast_in_dim3A = vector.shape_cast %reduce_sum3A_9 : vector<1000xf32> to vector<1000x1xf32>
    %add3A = arith.constant 1.000000e+00 : f32
    %add3A_10 = vector.broadcast %add3A : f32 to vector<1000x1xf32>
    %add3A_11 = arith.addf %add3A_10, %broadcast_in_dim3A : vector<1000x1xf32>
    %rsqrt3A = math.rsqrt %add3A_11 : vector<1000x1xf32>
    %mul3A = vector.broadcast %rsqrt3A : vector<1000x1xf32> to vector<1000x128xf32>
    %mul3A_12 = arith.mulf %dot_general3A_5, %mul3A : vector<1000x128xf32>
    %swap3A = arith.constant 0 : index
    %swap3A_13 = arith.constant 0 : index
    %swap3A_14 = vector.load %arg4[%swap3A, %swap3A_13] : memref<1000x128xf32, #tpu.memory_space<vmem>>, vector<1000x128xf32>
    tpu.vector_store %arg4[%swap3A, %swap3A_13], %mul3A_12 {strides = array<i32>} : memref<1000x128xf32, #tpu.memory_space<vmem>>, vector<1000x128xf32>,
    return
  }
  func.func @transform_0(%arg0: i32) -> (i32, i32) {
    %c0_i32 = arith.constant 0 : i32
    %c0_i32_0 = arith.constant 0 : i32
    return %arg0, %c0_i32 : i32, i32
  }
  func.func @transform_1(%arg0: i32) -> (i32, i32) {
    %c0_i32 = arith.constant 0 : i32
    %c0_i32_0 = arith.constant 0 : i32
    %c0_i32_1 = arith.constant 0 : i32
    return %c0_i32, %c0_i32_0 : i32, i32
  }
  func.func @transform_2(%arg0: i32) -> (i32, i32) {
    %c0_i32 = arith.constant 0 : i32
    %c0_i32_0 = arith.constant 0 : i32
    return %arg0, %c0_i32 : i32, i32
  }
  func.func @transform_3(%arg0: i32) -> (i32, i32) {
    %c0_i32 = arith.constant 0 : i32
    %c0_i32_0 = arith.constant 0 : i32
    return %arg0, %c0_i32 : i32, i32
  }
}

module attributes {stable_mosaic.version = 14 : i64} {
  func.func @_tc2_body(%arg0: i32, %arg1: memref<2x1000x128xf32, #tpu.memory_space<vmem>>, %arg2: memref<1000x128xf32, #tpu.memory_space<vmem>>, %arg3: memref<1000x32xf32, #tpu.memory_space<vmem>>, %arg4: memref<1x128xf32, #tpu.memory_space<vmem>>, %arg5: memref<128x16xf32, #tpu.memory_space<vmem>>, %arg6: memref<1000x16xf32, #tpu.memory_space<vmem>>) attributes {dimension_semantics = [#tpu.dimension_semantics<arbitrary>], iteration_bounds = array<i64: 10>, scalar_prefetch = 0 : i64, scratch_operands = 0 : i64, tpu.core_type = #tpu.core_type<tc>, window_params = [{transform_indices = @transform_0, window_bounds = array<i64: 2, 1000, 128>}, {transform_indices = @transform_1, window_bounds = array<i64: 1000, 128>}, {transform_indices = @transform_2, window_bounds = array<i64: 1000, 32>}, {pipeline_mode = #tpu.pipeline_mode<synchronous>, transform_indices = @transform_3, window_bounds = array<i64: 1, 128>}, {pipeline_mode = #tpu.pipeline_mode<synchronous>, transform_indices = @transform_4, window_bounds = array<i64: 128, 16>}, {transform_indices = @transform_5, window_bounds = array<i64: 1000, 16>}]} {
    %get3A = arith.constant 0 : index
    %get3A_0 = arith.constant 0 : index
    %get3A_1 = vector.load %arg3[%get3A, %get3A_0] : memref<1000x32xf32, #tpu.memory_space<vmem>>, vector<1000x32xf32>
    %reduce_sum3A = arith.constant dense<0.000000e+00> : vector<1000xf32>
    %reduce_sum3A_2 = vector.multi_reduction <add>, %get3A_1, %reduce_sum3A [1] : vector<1000x32xf32> to vector<1000xf32>
    %broadcast_in_dim3A = vector.shape_cast %reduce_sum3A_2 : vector<1000xf32> to vector<1000x1xf32>
    %add3A = arith.constant 1.000000e+00 : f32
    %add3A_3 = vector.broadcast %add3A : f32 to vector<1000x1xf32>
    %add3A_4 = arith.addf %add3A_3, %broadcast_in_dim3A : vector<1000x1xf32>
    %rsqrt3A = math.rsqrt %add3A_4 : vector<1000x1xf32>
    %get3A_5 = arith.constant 0 : index
    %get3A_6 = arith.constant 0 : index
    %get3A_7 = arith.constant 0 : index
    %get3A_8 = vector.load %arg1[%get3A_5, %get3A_6, %get3A_7] : memref<2x1000x128xf32, #tpu.memory_space<vmem>>, vector<2x1000x128xf32>
    %slice3A = vector.extract_strided_slice %get3A_8 {offsets = [0, 0, 0], sizes = [1, 1000, 128], strides = [1, 1, 1]} : vector<2x1000x128xf32> to vector<1x1000x128xf32>
    %squeeze3A = vector.shape_cast %slice3A : vector<1x1000x128xf32> to vector<1000x128xf32>
    %slice3A_9 = vector.extract_strided_slice %get3A_8 {offsets = [1, 0, 0], sizes = [1, 1000, 128], strides = [1, 1, 1]} : vector<2x1000x128xf32> to vector<1x1000x128xf32>
    %squeeze3A_10 = vector.shape_cast %slice3A_9 : vector<1x1000x128xf32> to vector<1000x128xf32>
    %add3A_11 = arith.addf %squeeze3A, %squeeze3A_10 : vector<1000x128xf32>
    %get3A_12 = arith.constant 0 : index
    %get3A_13 = arith.constant 0 : index
    %get3A_14 = vector.load %arg2[%get3A_12, %get3A_13] : memref<1000x128xf32, #tpu.memory_space<vmem>>, vector<1000x128xf32>
    %add3A_15 = arith.addf %add3A_11, %get3A_14 : vector<1000x128xf32>
    %mul3A = vector.broadcast %rsqrt3A : vector<1000x1xf32> to vector<1000x128xf32>
    %mul3A_16 = arith.mulf %mul3A, %add3A_15 : vector<1000x128xf32>
    %get3A_17 = arith.constant 0 : index
    %get3A_18 = arith.constant 0 : index
    %get3A_19 = vector.load %arg4[%get3A_17, %get3A_18] : memref<1x128xf32, #tpu.memory_space<vmem>>, vector<1x128xf32>
    %add3A_20 = vector.broadcast %get3A_19 : vector<1x128xf32> to vector<1000x128xf32>
    %add3A_21 = arith.addf %mul3A_16, %add3A_20 : vector<1000x128xf32>
    %max3A = arith.constant 0.000000e+00 : f32
    %max3A_22 = vector.broadcast %max3A : f32 to vector<1000x128xf32>
    %max3A_23 = arith.maximumf %add3A_21, %max3A_22 : vector<1000x128xf32>
    %get3A_24 = arith.constant 0 : index
    %get3A_25 = arith.constant 0 : index
    %get3A_26 = vector.load %arg5[%get3A_24, %get3A_25] : memref<128x16xf32, #tpu.memory_space<vmem>>, vector<128x16xf32>
    %dot_general3A = arith.constant dense<0.000000e+00> : vector<1000x16xf32>
    %dot_general3A_27 = tpu.matmul %max3A_23, %get3A_26, %dot_general3A {dimension_numbers = #tpu.dot_dimension_numbers<[1], [0], [0], [1], [0, 0, 1, 1], [], []>, transpose_lhs_hint = false} : vector<1000x128xf32>, vector<128x16xf32>, vector<1000x16xf32> -> vector<1000x16xf32>
    %mul3A_28 = vector.broadcast %rsqrt3A : vector<1000x1xf32> to vector<1000x16xf32>
    %mul3A_29 = arith.mulf %dot_general3A_27, %mul3A_28 : vector<1000x16xf32>
    %swap3A = arith.constant 0 : index
    %swap3A_30 = arith.constant 0 : index
    %swap3A_31 = vector.load %arg6[%swap3A, %swap3A_30] : memref<1000x16xf32, #tpu.memory_space<vmem>>, vector<1000x16xf32>
    tpu.vector_store %arg6[%swap3A, %swap3A_30], %mul3A_29 {strides = array<i32>} : memref<1000x16xf32, #tpu.memory_space<vmem>>, vector<1000x16xf32>,
    return
  }
  func.func @transform_0(%arg0: i32) -> (i32, i32, i32) {
    %c0_i32 = arith.constant 0 : i32
    %c0_i32_0 = arith.constant 0 : i32
    %c0_i32_1 = arith.constant 0 : i32
    return %c0_i32, %arg0, %c0_i32_0 : i32, i32, i32
  }
  func.func @transform_1(%arg0: i32) -> (i32, i32) {
    %c0_i32 = arith.constant 0 : i32
    %c0_i32_0 = arith.constant 0 : i32
    return %arg0, %c0_i32 : i32, i32
  }
  func.func @transform_2(%arg0: i32) -> (i32, i32) {
    %c0_i32 = arith.constant 0 : i32
    %c0_i32_0 = arith.constant 0 : i32
    return %arg0, %c0_i32 : i32, i32
  }
  func.func @transform_3(%arg0: i32) -> (i32, i32) {
    %c0_i32 = arith.constant 0 : i32
    %c0_i32_0 = arith.constant 0 : i32
    %c0_i32_1 = arith.constant 0 : i32
    return %c0_i32, %c0_i32_0 : i32, i32
  }
  func.func @transform_4(%arg0: i32) -> (i32, i32) {
    %c0_i32 = arith.constant 0 : i32
    %c0_i32_0 = arith.constant 0 : i32
    %c0_i32_1 = arith.constant 0 : i32
    return %c0_i32, %c0_i32_0 : i32, i32
  }
  func.func @transform_5(%arg0: i32) -> (i32, i32) {
    %c0_i32 = arith.constant 0 : i32
    %c0_i32_0 = arith.constant 0 : i32
    return %arg0, %c0_i32 : i32, i32
  }
}

module attributes {stable_mosaic.version = 14 : i64} {
  func.func @_tc3_body(%arg0: i32, %arg1: memref<2x1000x16xf32, #tpu.memory_space<vmem>>, %arg2: memref<1000x16xf32, #tpu.memory_space<vmem>>, %arg3: memref<1000x32xf32, #tpu.memory_space<vmem>>, %arg4: memref<1x16xf32, #tpu.memory_space<vmem>>, %arg5: memref<1000x16xf32, #tpu.memory_space<vmem>>) attributes {dimension_semantics = [#tpu.dimension_semantics<arbitrary>], iteration_bounds = array<i64: 10>, scalar_prefetch = 0 : i64, scratch_operands = 0 : i64, tpu.core_type = #tpu.core_type<tc>, window_params = [{transform_indices = @transform_0, window_bounds = array<i64: 2, 1000, 16>}, {transform_indices = @transform_1, window_bounds = array<i64: 1000, 16>}, {transform_indices = @transform_2, window_bounds = array<i64: 1000, 32>}, {pipeline_mode = #tpu.pipeline_mode<synchronous>, transform_indices = @transform_3, window_bounds = array<i64: 1, 16>}, {transform_indices = @transform_4, window_bounds = array<i64: 1000, 16>}]} {
    %get3A = arith.constant 0 : index
    %get3A_0 = arith.constant 0 : index
    %get3A_1 = vector.load %arg3[%get3A, %get3A_0] : memref<1000x32xf32, #tpu.memory_space<vmem>>, vector<1000x32xf32>
    %reduce_sum3A = arith.constant dense<0.000000e+00> : vector<1000xf32>
    %reduce_sum3A_2 = vector.multi_reduction <add>, %get3A_1, %reduce_sum3A [1] : vector<1000x32xf32> to vector<1000xf32>
    %broadcast_in_dim3A = vector.shape_cast %reduce_sum3A_2 : vector<1000xf32> to vector<1000x1xf32>
    %add3A = arith.constant 1.000000e+00 : f32
    %add3A_3 = vector.broadcast %add3A : f32 to vector<1000x1xf32>
    %add3A_4 = arith.addf %add3A_3, %broadcast_in_dim3A : vector<1000x1xf32>
    %rsqrt3A = math.rsqrt %add3A_4 : vector<1000x1xf32>
    %get3A_5 = arith.constant 0 : index
    %get3A_6 = arith.constant 0 : index
    %get3A_7 = arith.constant 0 : index
    %get3A_8 = vector.load %arg1[%get3A_5, %get3A_6, %get3A_7] : memref<2x1000x16xf32, #tpu.memory_space<vmem>>, vector<2x1000x16xf32>
    %slice3A = vector.extract_strided_slice %get3A_8 {offsets = [0, 0, 0], sizes = [1, 1000, 16], strides = [1, 1, 1]} : vector<2x1000x16xf32> to vector<1x1000x16xf32>
    %squeeze3A = vector.shape_cast %slice3A : vector<1x1000x16xf32> to vector<1000x16xf32>
    %slice3A_9 = vector.extract_strided_slice %get3A_8 {offsets = [1, 0, 0], sizes = [1, 1000, 16], strides = [1, 1, 1]} : vector<2x1000x16xf32> to vector<1x1000x16xf32>
    %squeeze3A_10 = vector.shape_cast %slice3A_9 : vector<1x1000x16xf32> to vector<1000x16xf32>
    %add3A_11 = arith.addf %squeeze3A, %squeeze3A_10 : vector<1000x16xf32>
    %get3A_12 = arith.constant 0 : index
    %get3A_13 = arith.constant 0 : index
    %get3A_14 = vector.load %arg2[%get3A_12, %get3A_13] : memref<1000x16xf32, #tpu.memory_space<vmem>>, vector<1000x16xf32>
    %add3A_15 = arith.addf %add3A_11, %get3A_14 : vector<1000x16xf32>
    %mul3A = vector.broadcast %rsqrt3A : vector<1000x1xf32> to vector<1000x16xf32>
    %mul3A_16 = arith.mulf %mul3A, %add3A_15 : vector<1000x16xf32>
    %get3A_17 = arith.constant 0 : index
    %get3A_18 = arith.constant 0 : index
    %get3A_19 = vector.load %arg4[%get3A_17, %get3A_18] : memref<1x16xf32, #tpu.memory_space<vmem>>, vector<1x16xf32>
    %add3A_20 = vector.broadcast %get3A_19 : vector<1x16xf32> to vector<1000x16xf32>
    %add3A_21 = arith.addf %mul3A_16, %add3A_20 : vector<1000x16xf32>
    %swap3A = arith.constant 0 : index
    %swap3A_22 = arith.constant 0 : index
    %swap3A_23 = vector.load %arg5[%swap3A, %swap3A_22] : memref<1000x16xf32, #tpu.memory_space<vmem>>, vector<1000x16xf32>
    tpu.vector_store %arg5[%swap3A, %swap3A_22], %add3A_21 {strides = array<i32>} : memref<1000x16xf32, #tpu.memory_space<vmem>>, vector<1000x16xf32>,
    return
  }
  func.func @transform_0(%arg0: i32) -> (i32, i32, i32) {
    %c0_i32 = arith.constant 0 : i32
    %c0_i32_0 = arith.constant 0 : i32
    %c0_i32_1 = arith.constant 0 : i32
    return %c0_i32, %arg0, %c0_i32_0 : i32, i32, i32
  }
  func.func @transform_1(%arg0: i32) -> (i32, i32) {
    %c0_i32 = arith.constant 0 : i32
    %c0_i32_0 = arith.constant 0 : i32
    return %arg0, %c0_i32 : i32, i32
  }
  func.func @transform_2(%arg0: i32) -> (i32, i32) {
    %c0_i32 = arith.constant 0 : i32
    %c0_i32_0 = arith.constant 0 : i32
    return %arg0, %c0_i32 : i32, i32
  }
  func.func @transform_3(%arg0: i32) -> (i32, i32) {
    %c0_i32 = arith.constant 0 : i32
    %c0_i32_0 = arith.constant 0 : i32
    %c0_i32_1 = arith.constant 0 : i32
    return %c0_i32, %c0_i32_0 : i32, i32
  }
  func.func @transform_4(%arg0: i32) -> (i32, i32) {
    %c0_i32 = arith.constant 0 : i32
    %c0_i32_0 = arith.constant 0 : i32
    return %arg0, %c0_i32 : i32, i32
  }
}

</mosaic_0001>

<sc_bundles>
// kernel: kernel.11.cloned.1.call-start
scs
__scs_entry_jumppad:
0x0: {  	(pc) =	sbr.rel $0x88, $3  }
0x1: {  	(tag) =	ssettag $0x0;
	lr =	simm.s32 $0x1  }
0x2: {  	[smem:$0x3F9B] =	sst lr;
	_ =	strace $0xD0000000  }
0x3: {  	_ = 	snop  }
0x4: {  	_ = 	snop  }
0x5: {  	_ = 	snop  }
0x6: {  	_ = 	snop  }
0x7: {  	_ = 	snop  }
__scs_overlays_trampoline_lowered:
0x8: {  	[smem:$0x3FAA] =	sst s0  }
0x9: {  	[smem:$0x3FAB] =	sst s1  }
0xa: {  	[smem:$0x3FAC] =	sst s2  }
0xb: {  	[smem:$0x3FAD] =	sst s3  }
0xc: {  	[smem:$0x3FAE] =	sst s4  }
0xd: {  	[smem:$0x3FAF] =	sst s5  }
0xe: {  	[smem:$0x3FB0] =	sst s6  }
0xf: {  	[smem:$0x3FB1] =	sst s7  }
0x10: {  	[smem:$0x3FB2] =	sst s8  }
0x11: {  	[smem:$0x3FB3] =	sst s9;
	s0 =	simm.s32 @!p0 $0x0  }
0x12: {  	s1 =	sld [smem:$0x3F99];
	s0 =	simm.s32 @p0 $0x1  }
0x13: {  	[smem:$0x3FB4] =	sst s0;
	s0 =	simm.s32 @!p1 $0x0  }
0x14: {  	s2 =	sld [smem:$0x3F98];
	s0 =	simm.s32 @p1 $0x1  }
0x15: {  	[smem:$0x3FB5] =	sst s0;
	s0 =	simm.s32 @!p2 $0x0  }
0x16: {  	s3 =	sld [smem:$0x3FDB];
	s0 =	simm.s32 @p2 $0x1  }
0x17: {  	s4 =	simm.s32 $0x1BF5;
	[smem:$0x3FB7] =	sst s0  }
0x18: {  	s0 =	sld [smem:$0x3F9A];
	_ =	swait.ge [sflag:s4], $0x0  }
0x19: {  	s7 =	sld [smem:$0x3F9B]  }
0x1a: {  	s8 =	sadd.s32 $0xFFFFE003, lr  }
0x1b: {  	s9 =	sadd.s32 $0xFFFFFEF7, lr;
	s5 =	simm.s32 $0xFFFFFFFF;
	p2 =	slt.u32 s8, $0xFFFFF086  }
0x1c: {  	p1 =	slt.u32 s9, $0xF7A;
	s5 =	simm.s32 @!p2 $0x0  }
0x1d: {  	s5 =	simm.s32 @p1 $0x1;
	p0 =	seq.s32 s7, s2  }
0x1e: {  	s7 =	smul.u32 @!p0 $0xF7A, s2;
	p2 =	seq.s32 @!p0 s5, $0x0  }
0x1f: {  	s9 =	smul.u32 $0xF7A, s1;
	s8 =	simm.s32 @!p0 $0x1BF5;
	p2 =	por !p2, p0  }
0x20: {  	[sflag:s8] =	ssyncset.s32 @!p0 $0xFFFFF086;
	s6 =	sadd.s32 @!p0 s3, s7;
	s7 =	simm.s32 @!p0 $0x108  }
0x21: {  	s3 =	sadd.s32 s3, s9;
	s6 =	sadd.s32 @!p0 $0x88, s6;
	s7 =	simm.s32 @p2 $0x1082  }
0x22: {  	[simem:s7], [sflag:s8] =	dma.local @!p0 [hbm:s6], $0xF7A  }
0x23: {  	s9 =	sor.u32 $0xD0000000, s2;
	s6 =	simm.s32 $0x108;
	_ =	swait.ge @!p0 [sflag:s8], $0x0  }
0x24: {  	s3 =	sadd.s32 $0x88, s3;
	s6 =	simm.s32 @!p1 $0x1082;
	[sflag:s4] =	ssyncset.s32 $0xFFFFF086  }
0x25: {  	[simem:s6], [sflag:s4] =	dma.local [hbm:s3], $0xF7A  }
0x26: {  	[smem:$0x3F9B] =	sst s1;
	(tag) =	ssettag s2;
	_ =	strace s9  }
0x27: {  	s1 =	sld [smem:$0x3FAB]  }
0x28: {  	s2 =	sld [smem:$0x3FAC]  }
0x29: {  	s4 =	sld [smem:$0x3FAE]  }
0x2a: {  	p0 =	seq.s32 s5, $0x0;
	s5 =	sld [smem:$0x3FAF]  }
0x2b: {  	s6 =	sld [smem:$0x3FB0]  }
0x2c: {  	s7 =	sld [smem:$0x3FB1]  }
0x2d: {  	s3 =	simm.s32 $0x108;
	s8 =	sld [smem:$0x3FB2]  }
0x2e: {  	s3 =	simm.s32 @!p0 $0x1082;
	s9 =	sld [smem:$0x3FB3]  }
0x2f: {  	lr =	sadd.s32 s0, s3;
	s0 =	sld [smem:$0x3FAA]  }
0x30: {  	s3 =	sld [smem:$0x3FAD]  }
0x31: {  	[smem:$0x3FB6] =	sst s10  }
0x32: {  	s10 =	sld [smem:$0x3FB4];
	_ =	sdelay $0x3  }
0x33: {  	p0 =	seq.s32 s10, $0x1;
	s10 =	sld [smem:$0x3FB6];
	_ =	sdelay $0x3  }
0x34: {  	[smem:$0x3FB6] =	sst s10  }
0x35: {  	s10 =	sld [smem:$0x3FB5];
	_ =	sdelay $0x3  }
0x36: {  	p1 =	seq.s32 s10, $0x1;
	s10 =	sld [smem:$0x3FB6];
	_ =	sdelay $0x3  }
0x37: {  	[smem:$0x3FB6] =	sst s10  }
0x38: {  	s10 =	sld [smem:$0x3FB7]  }
0x39: {  	_ = 	snop;
	(pc) =	sbr.ind lr, $3  }
0x3a: {  	_ = 	snop  }
0x3b: {  	_ = 	snop  }
0x3c: {  	p2 =	seq.s32 s10, $0x1;
	s10 =	sld [smem:$0x3FB6]  }
0x3d: {  	_ =	shalt  }
0x3e: {  	_ =	shalt  }
0x3f: {  	_ =	shalt  }
0x40: {  	_ =	shalt  }
0x41: {  	_ =	shalt  }
0x42: {  	_ =	shalt  }
0x43: {  	_ =	shalt  }
0x44: {  	_ =	shalt  }
0x45: {  	_ =	shalt  }
0x46: {  	_ =	shalt  }
0x47: {  	_ =	shalt  }
0x48: {  	_ =	shalt  }
0x49: {  	_ =	shalt  }
0x4a: {  	_ =	shalt  }
0x4b: {  	_ =	shalt  }
0x4c: {  	_ =	shalt  }
0x4d: {  	_ =	shalt  }
0x4e: {  	_ =	shalt  }
0x4f: {  	_ =	shalt  }
0x50: {  	_ =	shalt  }
0x51: {  	_ =	shalt  }
0x52: {  	_ =	shalt  }
0x53: {  	_ =	shalt  }
0x54: {  	_ =	shalt  }
0x55: {  	_ =	shalt  }
0x56: {  	_ =	shalt  }
0x57: {  	_ =	shalt  }
0x58: {  	_ =	shalt  }
0x59: {  	_ =	shalt  }
0x5a: {  	_ =	shalt  }
0x5b: {  	_ =	shalt  }
0x5c: {  	_ =	shalt  }
0x5d: {  	_ =	shalt  }
0x5e: {  	_ =	shalt  }
0x5f: {  	_ =	shalt  }
0x60: {  	_ =	shalt  }
0x61: {  	_ =	shalt  }
0x62: {  	_ =	shalt  }
0x63: {  	_ =	shalt  }
0x64: {  	_ =	shalt  }
0x65: {  	_ =	shalt  }
0x66: {  	_ =	shalt  }
0x67: {  	_ =	shalt  }
0x68: {  	_ =	shalt  }
0x69: {  	_ =	shalt  }
0x6a: {  	_ =	shalt  }
0x6b: {  	_ =	shalt  }
0x6c: {  	_ =	shalt  }
0x6d: {  	_ =	shalt  }
0x6e: {  	_ =	shalt  }
0x6f: {  	_ =	shalt  }
0x70: {  	_ =	shalt  }
0x71: {  	_ =	shalt  }
0x72: {  	_ =	shalt  }
0x73: {  	_ =	shalt  }
0x74: {  	_ =	shalt  }
0x75: {  	_ =	shalt  }
0x76: {  	_ =	shalt  }
0x77: {  	_ =	shalt  }
0x78: {  	_ =	shalt  }
0x79: {  	_ =	shalt  }
0x7a: {  	_ =	shalt  }
0x7b: {  	_ =	shalt  }
0x7c: {  	_ =	shalt  }
0x7d: {  	_ =	shalt  }
0x7e: {  	_ =	shalt  }
0x7f: {  	_ =	shalt  }
0x80: {  	_ =	shalt  }
0x81: {  	_ =	shalt  }
0x82: {  	_ =	shalt  }
0x83: {  	_ =	shalt  }
0x84: {  	_ =	shalt  }
0x85: {  	_ =	shalt  }
0x86: {  	_ =	shalt  }
0x87: {  	_ =	shalt  }
.Lfunc_end0:
.L_simem_size_0:
called_computation.1_lowered:
.L_overlay_start_0:
0x88: {  	s2 =	sld [smem:$0x3FD9]  }
0x89: {  	s3 =	sld [smem:$0x3FFE];
	_ =	sdelay $0x1  }
0x8a: {  	s1 =	srdreg.scid  }
0x8b: {  	s0 =	sand.u32 $0x1, s1  }
0x8c: {  	s16 =	sshll.u32 s0, $0xA;
	s2 =	sadd.s32 s3, s2  }
0x8d: {  	s2 =	sadd.s32 s2, s16  }
0x8e: {  	[smem:$0x3FC2] =	sst s2  }
0x8f: {  	_ = 	snop  }
0x90: {  	(tm) =	ssettm $0x1  }
0x91: {  	s17 =	sld [smem:$0x3FFB];
	_ =	sdelay $0x3  }
0x92: {  	_ =	strace s17  }
0x93: {  	s2 =	sld [smem:$0x3FFC];
	_ =	sdelay $0x3  }
0x94: {  	_ =	strace s2  }
0x95: {  	s2 =	sld [smem:$0x3FFD];
	_ =	sdelay $0x3  }
0x96: {  	_ =	strace s2  }
0x97: {  	_ =	strace $0x8FFFFFFF  }
0x98: {  	s18 =	sld [smem:$0x3FDB];
	_ =	sdelay $0x1  }
0x99: {  	s19 =	simm.s32 $_scs_section_size  }
0x9a: {  	s4 =	simm.s32 $_size__tile_overlayer_lowered;
	s5 =	simm.s32 $_tile_overlayer_lowered  }
0x9b: {  	s22 =	simm.s32 $0x1BFF;
	s21 =	sshll.u32 s5, $0x1;
	s2 =	sadd.s32 s19, s18  }
0x9c: {  	s6 =	simm.s32 $0x0;
	s20 =	sshll.u32 s4, $0x1;
	s4 =	sadd.s32 s21, s2  }
0x9d: {  	[timem:s6], [sflag:s22] =	dma.local [hbm:s4], s20  }
0x9e: {  	_ =	swait.ge [sflag:s22], s20  }
0x9f: {  	s3 =	ssub.s32 $0x0, s20;
	[sflag:s22] =	ssyncset.done $0x0  }
0xa0: {  	[sflag:s22] =	ssyncadd.s32 s3;
	_ =	sdelay $0x1  }
0xa1: {  	s23 =	simm.s32 $0x1B8B  }
0xa2: {  	_ =	swait.ge [sflag:s23], $0x1  }
0xa3: {  	[sflag:s23] =	ssyncset.done $0x0  }
0xa4: {  	s25 =	simm.s32 $0x1B8E;
	s24 =	sld [smem:$0x3FFE];
	[sflag:s23] =	ssyncadd.s32 $0xFFFFFFFF  }
0xa5: {  	s26 =	simm.s32 $execute0_lowered;
	[smem:$0x3FD2] =	sst s25  }
0xa6: {  	s4 =	sshll.u32 s26, $0x1;
	_ =	strace $0x80000049;
	[dreg:$0x1] =	wrdreg $0xFFFFFFFF  }
0xa7: {  	s28 =	simm.s32 $_size_execute0_lowered;
	s2 =	sadd.s32 s2, s4;
	[dreg:$0x0] =	wrdreg $0x0  }
0xa8: {  	s4 =	sshll.u32 s28, $0x1;
	[dreg:$0x2] =	wrdreg s2  }
0xa9: {  	[dreg:$0x3] =	wrdreg s4  }
0xaa: {  	[dreg:$0x4] =	wrdreg $0xC0  }
0xab: {  	_ =	task [dreg:s6], $0x5FFFF  }
0xac: {  	[dreg:$0x1] =	wrdreg $0xFFFFFFFF  }
0xad: {  	[dreg:$0x0] =	wrdreg $0x60  }
0xae: {  	[dreg:$0x2] =	wrdreg s24  }
0xaf: {  	[dreg:$0x3] =	wrdreg $0x76200  }
0xb0: {  	[dreg:$0x4] =	wrdreg $0x9  }
0xb1: {  	_ =	task.clear_ibuf [dreg:s6], $0x5FFFF;
	_ =	strace $0x90000049  }
0xb2: {  	s29 =	simm.s32 $0x9;
	_ =	strace $0x8000004B  }
0xb3: {  	_ =	swait.ge [sflag:s29], $0x1  }
0xb4: {  	[sflag:s29] =	ssyncadd.s32 $0xFFFFFFFF  }
0xb5: {  	_ =	strace $0x9000004B  }
0xb6: {  	_ =	sfence  }
0xb7: {  	s30 =	sld [smem:$0x0];
	_ =	sdelay $0x2  }
0xb8: {  	s31 =	sshll.u32 s1, $0xD;
	s1 =	sshrl.u32 s1, $0x2  }
0xb9: {  	s3 =	sand.u32 $0x4000, s31;
	s1 =	sadd.s32 s1, s30  }
0xba: {  	s0 =	sor.u32 s3, s0;
	s1 =	sshll.u32 s1, $0x11  }
0xbb: {  	s0 =	sor.u32 s1, s0  }
0xbc: {  	s0 =	sadd.s32 $0x8F2B, s0  }
0xbd: {  	[sflag:s0] =	ssyncadd.remote.s32 $0x1  }
0xbe: {  	_ =	sfence.sel $0xFFFF  }
0xbf: {  	[dreg:$0x0] =	wrdreg $0xFFFFFFFF;
	(pc) =	sbr.abs _section_cstart, $3  }
0xc0: {  	[dreg:$0x1] =	wrdreg $0xFFFFFFFF  }
0xc1: {  	_ =	task.clear_ibuf [dreg:s6], $0x2FFFF;
	_ =	strace $0x9FFFFFFF  }
0xc2: {  	(tm) =	ssettm $0x7FFFFFFF  }
0xc3: {  	_ =	shalt  }
tec
execute0_lowered:
.L_overlay_start_1:
0x0: {  	(tag) =	ssettag $0x1  }
0x1: {  	s0 =	srdreg.scid;
	s6 =	rddreg [dreg:$0x0]  }
0x2: {  	s2 =	rddreg [dreg:$0x1];
	s3 =	simm.s32 $0x0;
	s14 =	simm.s32 $0x50  }
0x3: {  	s15 =	simm.s32 $0x4E20;
	s5 =	sand.u32 $0x1, s0;
	s0 =	stileid.u32  }
0x4: {  	s16 =	simm.s32 $0x0;
	[smem:$0x7FF] =	sst s3;
	s8 =	smul.u32 $0x13C00, s0  }
0x5: {  	s4 =	sadd.s32 $0x15E00, s6;
	s1 =	sshll.u32 s5, $0x4;
	s9 =	smul.u32 $0x13C000, s5  }
0x6: {  	s5 =	ssub.s32 $0x2, s5;
	s31 =	sshll.u32 s0, $0x6;
	s1 =	sor.u32 s0, s1  }
0x7: {  	s30 =	sshrl.u32 s5, $0x1;
	s7 =	smul.u32 $0x4E2, s1;
	s1 =	rddreg [dreg:$0x2]  }
0x8: {  	_ =	strace $0x8000004A;
	s28 =	sadd.s32 s8, s9;
	s29 =	sshrl.u32 s8, $0x3  }
0x9: {  	s12 =	ssub.s32 s5, s30;
	s13 =	sadd.s32 s8, s2;
	s9 =	sadd.s32 s29, s6  }
0xa: {  	s10 =	sadd.s32 s7, s6;
	s7 =	sshrl.u32 s28, $0x3;
	s5 =	sadd.s32 $0x3D000, s9  }
0xb: {  	s11 =	sadd.s32 s7, s6;
	s6 =	sor.u32 $0x1C01, s31;
	s7 =	sadd.s32 $0x2200, s10  }
0xc: {  	s8 =	sadd.s32 $0xC000, s10;
	s10 =	smax.u32 s12, $0x1;
	s12 =	simm.s32 $0x1  }
0xd: {  	s9 =	sadd.s32 $0x64800, s11;
	s11 =	sshrl.u32 s13, $0x3;
	s13 =	simm.s32 $0x2710  }
.LBB2_1:
0xe: {  	[spmem:s11], [sflag:s6] =	dma.local [hbm:s5], $0x2780  }
0xf: {  	_ =	swait.ge [sflag:s12], $0x2780  }
0x10: {  	[sflag:s12] =	ssyncset.done $0x0  }
0x11: {  	[sflag:s12] =	ssyncadd.s32 $0xFFFFD880  }
0x12: {  	[tilespmem:s3], [sflag:$0x1] =	stream.linear.gather [hbm4b:s7+s3], $0x2710, $0x38;
	[tilespmem:$0x1B220] =	vst v63  }
0x13: {  	_ =	swait.ge [sflag:s12], $0x2710  }
0x14: {  	[sflag:s12] =	ssyncset.done $0x0  }
0x15: {  	[sflag:s12] =	ssyncadd.s32 $0xFFFFD8F0  }
0x16: {  	[tilespmem:s13], [sflag:$0x1] =	stream.linear.gather [hbm4b:s8+s3], $0x2710, $0x38;
	[tilespmem:$0x1B220] =	vst v63  }
0x17: {  	_ =	swait.ge [sflag:s12], $0x2710  }
0x18: {  	[sflag:s12] =	ssyncset.done $0x0  }
0x19: {  	[sflag:s12] =	ssyncadd.s32 $0xFFFFD8F0  }
0x1a: {  	s17 =	simm.s32 $0x0;
	[bflag:$0x0] =	sbarrier.arrive $0xFFFF  }
0x1b: {  	[tilespmem:s15], [sflag:$0x1] =	stream.indirect.gather [hbm4b:s4+s14], $0x80, s17, s14, $0xb8;
	[tilespmem:$0x1B220] =	vst v63  }
0x1c: {  	_ =	swait.ge [sflag:s12], $0x2800  }
0x1d: {  	[sflag:s12] =	ssyncset.done $0x0  }
0x1e: {  	s31 =	simm.s32 $0x2710;
	[sflag:s12] =	ssyncadd.s32 $0xFFFFD800  }
0x1f: {  	[spmem:s2] =	stream.indirect.scatter.add.f32 [tilespmem:s15], [sflag:$0x1], $0x80, s31, s14, $0xb8;
	[tilespmem:$0x1B220] =	vst v63  }
0x20: {  	_ =	swait.ge [sflag:s12], $0x2800  }
0x21: {  	s18 =	simm.s32 $0x280;
	s17 =	simm.s32 $0x140;
	[sflag:s12] =	ssyncset.done $0x0  }
.LBB2_2:
0x22: {  	s19 =	sshra.s32 s17, $0x2  }
0x23: {  	[sflag:s12] =	ssyncadd.s32 $0xFFFFD800;
	s17 =	smov.u32 s18;
	s20 =	sadd.s32 $0x140, s18  }
0x24: {  	[tilespmem:s15], [sflag:$0x1] =	stream.indirect.gather [hbm4b:s4+s14], $0x80, s19, s14, $0xb8;
	[tilespmem:$0x1B220] =	vst v63  }
0x25: {  	p0 =	sne.s32 s18, $0x9B00;
	_ =	swait.ge [sflag:s12], $0x2800  }
.Ltmp0:
0x26: {  	[sflag:s12] =	ssyncset.done $0x0;
	(pc) =	sbr.rel @p0 .LBB2_2-.Ltmp0, $4  }
0x27: {  	s18 =	sadd.s32 $0x2710, s19;
	[sflag:s12] =	ssyncadd.s32 $0xFFFFD800  }
0x28: {  	[spmem:s2] =	stream.indirect.scatter.add.f32 [tilespmem:s15], [sflag:$0x1], $0x80, s18, s14, $0xb8;
	[tilespmem:$0x1B220] =	vst v63  }
0x29: {  	_ =	swait.ge [sflag:s12], $0x2800  }
0x2a: {  	s18 =	smov.u32 s20;
	[sflag:s12] =	ssyncset.done $0x0  }
0x2b: {  	s17 =	sshra.s32 s17, $0x2;
	[sflag:s12] =	ssyncadd.s32 $0xFFFFD800  }
0x2c: {  	[tilespmem:s15], [sflag:$0x1] =	stream.indirect.gather [hbm4b:s4+s14], $0x80, s17, s14, $0xb8;
	[tilespmem:$0x1B220] =	vst v63  }
0x2d: {  	_ =	swait.ge [sflag:s12], $0x2800  }
0x2e: {  	[sflag:s12] =	ssyncset.done $0x0  }
0x2f: {  	s17 =	sadd.s32 $0x2710, s17;
	[sflag:s12] =	ssyncadd.s32 $0xFFFFD800  }
0x30: {  	[spmem:s2] =	stream.indirect.scatter.add.f32 [tilespmem:s15], [sflag:$0x1], $0x80, s17, s14, $0xb8;
	[tilespmem:$0x1B220] =	vst v63  }
0x31: {  	_ =	swait.ge [sflag:s12], $0x2800  }
0x32: {  	s16 =	sadd.s32 $0x1, s16;
	[sflag:s12] =	ssyncset.done $0x0  }
0x33: {  	p0 =	sne.s32 s16, s10;
	[sflag:s12] =	ssyncadd.s32 $0xFFFFD800  }
.Ltmp1:
0x34: {  	[bflag:$0x0] =	sbarrier.arrive $0xFFFF;
	(pc) =	sbr.rel @p0 .LBB2_1-.Ltmp1, $4  }
0x35: {  	[hbm:s9], [sflag:s6] =	dma.local [spmem:s11], $0x2780  }
0x36: {  	_ =	swait.ge [sflag:s12], $0x2780  }
0x37: {  	[sflag:s12] =	ssyncset.done $0x0  }
0x38: {  	[sflag:s12] =	ssyncadd.s32 $0xFFFFD880  }
0x39: {  	_ =	sfence.sel $0x180000  }
0x3a: {  	[bflag:$0x0] =	sbarrier.arrive $0xFFFF  }
0x3b: {  	p0 =	sne.s32 s0, $0x0;
	_ =	strace $0x9000004A  }
0x3c: {  	s0 =	sadd.s32 @!p0 $0x100000, s1;
	[bflag:$0x2] =	sbarrier.arrive $0xFFFF  }
0x3d: {  	[sflag:s0] =	ssyncadd.tile.s32 @!p0 $0x1;
	_ =	shalt  }
.Lfunc_end2:
_tile_overlayer_lowered:
.L_overlay_start_2:
0x3e: {  	(tag) =	ssettag $0x2  }
0x3f: {  	s0 =	rddreg [dreg:$0x0];
	s2 =	stileid.u32  }
0x40: {  	s1 =	rddreg [dreg:$0x1];
	p0 =	sne.s32 s2, $0x0  }
0x41: {  	s3 =	rddreg [dreg:$0x2];
	[bflag:$0x3] =	sbarrier.arrive $0xFFFF;
	s2 =	simm.s32 @!p0 $0x1C01  }
0x42: {  	[timem:s3], [sflag:s2] =	dma.local @!p0 [hbm:s0], s1  }
0x43: {  	s0 =	simm.s32 @!p0 $0x1  }
0x44: {  	_ =	swait.ge @!p0 [sflag:s0], s1  }
0x45: {  	s1 =	ssub.s32 @!p0 $0x0, s1;
	[sflag:s0] =	ssyncset.done @!p0 $0x0  }
0x46: {  	[sflag:s0] =	ssyncadd.s32 @!p0 s1  }
0x47: {  	[bflag:$0x3] =	sbarrier.arrive $0xFFFF  }
0x48: {  	_ =	shalt  }

// kernel: kernel.14.cloned.1.call-start
scs
__scs_entry_jumppad:
0x0: {  	(pc) =	sbr.rel $0x88, $3  }
0x1: {  	(tag) =	ssettag $0x0;
	lr =	simm.s32 $0x1  }
0x2: {  	[smem:$0x3F9B] =	sst lr;
	_ =	strace $0xD0000000  }
0x3: {  	_ = 	snop  }
0x4: {  	_ = 	snop  }
0x5: {  	_ = 	snop  }
0x6: {  	_ = 	snop  }
0x7: {  	_ = 	snop  }
__scs_overlays_trampoline_lowered:
0x8: {  	[smem:$0x3FAA] =	sst s0  }
0x9: {  	[smem:$0x3FAB] =	sst s1  }
0xa: {  	[smem:$0x3FAC] =	sst s2  }
0xb: {  	[smem:$0x3FAD] =	sst s3  }
0xc: {  	[smem:$0x3FAE] =	sst s4  }
0xd: {  	[smem:$0x3FAF] =	sst s5  }
0xe: {  	[smem:$0x3FB0] =	sst s6  }
0xf: {  	[smem:$0x3FB1] =	sst s7  }
0x10: {  	[smem:$0x3FB2] =	sst s8  }
0x11: {  	[smem:$0x3FB3] =	sst s9;
	s0 =	simm.s32 @!p0 $0x0  }
0x12: {  	s1 =	sld [smem:$0x3F99];
	s0 =	simm.s32 @p0 $0x1  }
0x13: {  	[smem:$0x3FB4] =	sst s0;
	s0 =	simm.s32 @!p1 $0x0  }
0x14: {  	s2 =	sld [smem:$0x3F98];
	s0 =	simm.s32 @p1 $0x1  }
0x15: {  	[smem:$0x3FB5] =	sst s0;
	s0 =	simm.s32 @!p2 $0x0  }
0x16: {  	s3 =	sld [smem:$0x3FDB];
	s0 =	simm.s32 @p2 $0x1  }
0x17: {  	s4 =	simm.s32 $0x1BF5;
	[smem:$0x3FB7] =	sst s0  }
0x18: {  	s0 =	sld [smem:$0x3F9A];
	_ =	swait.ge [sflag:s4], $0x0  }
0x19: {  	s7 =	sld [smem:$0x3F9B]  }
0x1a: {  	s8 =	sadd.s32 $0xFFFFE003, lr  }
0x1b: {  	s9 =	sadd.s32 $0xFFFFFEF7, lr;
	s5 =	simm.s32 $0xFFFFFFFF;
	p2 =	slt.u32 s8, $0xFFFFF086  }
0x1c: {  	p1 =	slt.u32 s9, $0xF7A;
	s5 =	simm.s32 @!p2 $0x0  }
0x1d: {  	s5 =	simm.s32 @p1 $0x1;
	p0 =	seq.s32 s7, s2  }
0x1e: {  	s7 =	smul.u32 @!p0 $0xF7A, s2;
	p2 =	seq.s32 @!p0 s5, $0x0  }
0x1f: {  	s9 =	smul.u32 $0xF7A, s1;
	s8 =	simm.s32 @!p0 $0x1BF5;
	p2 =	por !p2, p0  }
0x20: {  	[sflag:s8] =	ssyncset.s32 @!p0 $0xFFFFF086;
	s6 =	sadd.s32 @!p0 s3, s7;
	s7 =	simm.s32 @!p0 $0x108  }
0x21: {  	s3 =	sadd.s32 s3, s9;
	s6 =	sadd.s32 @!p0 $0x88, s6;
	s7 =	simm.s32 @p2 $0x1082  }
0x22: {  	[simem:s7], [sflag:s8] =	dma.local @!p0 [hbm:s6], $0xF7A  }
0x23: {  	s9 =	sor.u32 $0xD0000000, s2;
	s6 =	simm.s32 $0x108;
	_ =	swait.ge @!p0 [sflag:s8], $0x0  }
0x24: {  	s3 =	sadd.s32 $0x88, s3;
	s6 =	simm.s32 @!p1 $0x1082;
	[sflag:s4] =	ssyncset.s32 $0xFFFFF086  }
0x25: {  	[simem:s6], [sflag:s4] =	dma.local [hbm:s3], $0xF7A  }
0x26: {  	[smem:$0x3F9B] =	sst s1;
	(tag) =	ssettag s2;
	_ =	strace s9  }
0x27: {  	s1 =	sld [smem:$0x3FAB]  }
0x28: {  	s2 =	sld [smem:$0x3FAC]  }
0x29: {  	s4 =	sld [smem:$0x3FAE]  }
0x2a: {  	p0 =	seq.s32 s5, $0x0;
	s5 =	sld [smem:$0x3FAF]  }
0x2b: {  	s6 =	sld [smem:$0x3FB0]  }
0x2c: {  	s7 =	sld [smem:$0x3FB1]  }
0x2d: {  	s3 =	simm.s32 $0x108;
	s8 =	sld [smem:$0x3FB2]  }
0x2e: {  	s3 =	simm.s32 @!p0 $0x1082;
	s9 =	sld [smem:$0x3FB3]  }
0x2f: {  	lr =	sadd.s32 s0, s3;
	s0 =	sld [smem:$0x3FAA]  }
0x30: {  	s3 =	sld [smem:$0x3FAD]  }
0x31: {  	[smem:$0x3FB6] =	sst s10  }
0x32: {  	s10 =	sld [smem:$0x3FB4];
	_ =	sdelay $0x3  }
0x33: {  	p0 =	seq.s32 s10, $0x1;
	s10 =	sld [smem:$0x3FB6];
	_ =	sdelay $0x3  }
0x34: {  	[smem:$0x3FB6] =	sst s10  }
0x35: {  	s10 =	sld [smem:$0x3FB5];
	_ =	sdelay $0x3  }
0x36: {  	p1 =	seq.s32 s10, $0x1;
	s10 =	sld [smem:$0x3FB6];
	_ =	sdelay $0x3  }
0x37: {  	[smem:$0x3FB6] =	sst s10  }
0x38: {  	s10 =	sld [smem:$0x3FB7]  }
0x39: {  	_ = 	snop;
	(pc) =	sbr.ind lr, $3  }
0x3a: {  	_ = 	snop  }
0x3b: {  	_ = 	snop  }
0x3c: {  	p2 =	seq.s32 s10, $0x1;
	s10 =	sld [smem:$0x3FB6]  }
0x3d: {  	_ =	shalt  }
0x3e: {  	_ =	shalt  }
0x3f: {  	_ =	shalt  }
0x40: {  	_ =	shalt  }
0x41: {  	_ =	shalt  }
0x42: {  	_ =	shalt  }
0x43: {  	_ =	shalt  }
0x44: {  	_ =	shalt  }
0x45: {  	_ =	shalt  }
0x46: {  	_ =	shalt  }
0x47: {  	_ =	shalt  }
0x48: {  	_ =	shalt  }
0x49: {  	_ =	shalt  }
0x4a: {  	_ =	shalt  }
0x4b: {  	_ =	shalt  }
0x4c: {  	_ =	shalt  }
0x4d: {  	_ =	shalt  }
0x4e: {  	_ =	shalt  }
0x4f: {  	_ =	shalt  }
0x50: {  	_ =	shalt  }
0x51: {  	_ =	shalt  }
0x52: {  	_ =	shalt  }
0x53: {  	_ =	shalt  }
0x54: {  	_ =	shalt  }
0x55: {  	_ =	shalt  }
0x56: {  	_ =	shalt  }
0x57: {  	_ =	shalt  }
0x58: {  	_ =	shalt  }
0x59: {  	_ =	shalt  }
0x5a: {  	_ =	shalt  }
0x5b: {  	_ =	shalt  }
0x5c: {  	_ =	shalt  }
0x5d: {  	_ =	shalt  }
0x5e: {  	_ =	shalt  }
0x5f: {  	_ =	shalt  }
0x60: {  	_ =	shalt  }
0x61: {  	_ =	shalt  }
0x62: {  	_ =	shalt  }
0x63: {  	_ =	shalt  }
0x64: {  	_ =	shalt  }
0x65: {  	_ =	shalt  }
0x66: {  	_ =	shalt  }
0x67: {  	_ =	shalt  }
0x68: {  	_ =	shalt  }
0x69: {  	_ =	shalt  }
0x6a: {  	_ =	shalt  }
0x6b: {  	_ =	shalt  }
0x6c: {  	_ =	shalt  }
0x6d: {  	_ =	shalt  }
0x6e: {  	_ =	shalt  }
0x6f: {  	_ =	shalt  }
0x70: {  	_ =	shalt  }
0x71: {  	_ =	shalt  }
0x72: {  	_ =	shalt  }
0x73: {  	_ =	shalt  }
0x74: {  	_ =	shalt  }
0x75: {  	_ =	shalt  }
0x76: {  	_ =	shalt  }
0x77: {  	_ =	shalt  }
0x78: {  	_ =	shalt  }
0x79: {  	_ =	shalt  }
0x7a: {  	_ =	shalt  }
0x7b: {  	_ =	shalt  }
0x7c: {  	_ =	shalt  }
0x7d: {  	_ =	shalt  }
0x7e: {  	_ =	shalt  }
0x7f: {  	_ =	shalt  }
0x80: {  	_ =	shalt  }
0x81: {  	_ =	shalt  }
0x82: {  	_ =	shalt  }
0x83: {  	_ =	shalt  }
0x84: {  	_ =	shalt  }
0x85: {  	_ =	shalt  }
0x86: {  	_ =	shalt  }
0x87: {  	_ =	shalt  }
.Lfunc_end0:
.L_simem_size_0:
called_computation.2_lowered:
.L_overlay_start_0:
0x88: {  	s2 =	sld [smem:$0x3FD9]  }
0x89: {  	s3 =	sld [smem:$0x3FFE];
	_ =	sdelay $0x1  }
0x8a: {  	s1 =	srdreg.scid  }
0x8b: {  	s0 =	sand.u32 $0x1, s1  }
0x8c: {  	s17 =	sshll.u32 s0, $0xA;
	s2 =	sadd.s32 s3, s2  }
0x8d: {  	s2 =	sadd.s32 s2, s17  }
0x8e: {  	[smem:$0x3FC2] =	sst s2  }
0x8f: {  	_ = 	snop  }
0x90: {  	s2 =	sld [smem:$0x3FD0];
	(tm) =	ssettm $0x1  }
0x91: {  	s18 =	sld [smem:$0x3FFB];
	_ =	sdelay $0x3  }
0x92: {  	_ =	strace s18  }
0x93: {  	s3 =	sld [smem:$0x3FFC];
	_ =	sdelay $0x3  }
0x94: {  	_ =	strace s3  }
0x95: {  	s3 =	sld [smem:$0x3FFD];
	_ =	sdelay $0x3  }
0x96: {  	_ =	strace s3  }
0x97: {  	_ =	strace $0x8FFFFFFF  }
0x98: {  	s19 =	sld [smem:$0x3FDB];
	_ =	sdelay $0x1  }
0x99: {  	s4 =	simm.s32 $_scs_section_size  }
0x9a: {  	s5 =	simm.s32 $_size__tile_overlayer_lowered;
	s6 =	simm.s32 $_tile_overlayer_lowered  }
0x9b: {  	s22 =	simm.s32 $0x1BFF;
	s21 =	sshll.u32 s6, $0x1;
	s3 =	sadd.s32 s4, s19  }
0x9c: {  	s7 =	simm.s32 $0x0;
	s20 =	sshll.u32 s5, $0x1;
	s5 =	sadd.s32 s21, s3  }
0x9d: {  	[timem:s7], [sflag:s22] =	dma.local [hbm:s5], s20  }
0x9e: {  	_ =	swait.ge [sflag:s22], s20  }
0x9f: {  	s4 =	ssub.s32 $0x0, s20;
	[sflag:s22] =	ssyncset.done $0x0  }
0xa0: {  	[sflag:s22] =	ssyncadd.s32 s4;
	_ =	sdelay $0x1  }
0xa1: {  	s23 =	simm.s32 $0x1B8B  }
0xa2: {  	_ =	swait.ge [sflag:s23], $0x1  }
0xa3: {  	[sflag:s23] =	ssyncset.done $0x0  }
0xa4: {  	s25 =	simm.s32 $0x1B8E;
	s24 =	sld [smem:$0x3FFE];
	[sflag:s23] =	ssyncadd.s32 $0xFFFFFFFF  }
0xa5: {  	s26 =	simm.s32 $execute0_lowered;
	[smem:$0x3FD2] =	sst s25  }
0xa6: {  	s5 =	sshll.u32 s26, $0x1;
	_ =	strace $0x8000004C;
	[dreg:$0x1] =	wrdreg $0xFFFFFFFF  }
0xa7: {  	s28 =	simm.s32 $_size_execute0_lowered;
	s3 =	sadd.s32 s3, s5;
	[dreg:$0x0] =	wrdreg $0x0  }
0xa8: {  	s5 =	sshll.u32 s28, $0x1;
	[dreg:$0x2] =	wrdreg s3  }
0xa9: {  	[dreg:$0x3] =	wrdreg s5  }
0xaa: {  	[dreg:$0x4] =	wrdreg $0xC0  }
0xab: {  	_ =	task [dreg:s7], $0x5FFFF  }
0xac: {  	[dreg:$0x1] =	wrdreg $0xFFFFFFFF  }
0xad: {  	[dreg:$0x0] =	wrdreg $0x60  }
0xae: {  	[dreg:$0x2] =	wrdreg s24  }
0xaf: {  	[dreg:$0x3] =	wrdreg s2  }
0xb0: {  	[dreg:$0x4] =	wrdreg $0xD0000  }
0xb1: {  	[dreg:$0x5] =	wrdreg $0x9  }
0xb2: {  	_ =	task.clear_ibuf [dreg:s7], $0x6FFFF;
	_ =	strace $0x9000004C  }
0xb3: {  	s29 =	simm.s32 $0x9;
	_ =	strace $0x8000004E  }
0xb4: {  	_ =	swait.ge [sflag:s29], $0x1  }
0xb5: {  	[sflag:s29] =	ssyncadd.s32 $0xFFFFFFFF  }
0xb6: {  	_ =	strace $0x9000004E  }
0xb7: {  	_ =	sfence  }
0xb8: {  	s30 =	sld [smem:$0x0];
	_ =	sdelay $0x2  }
0xb9: {  	s31 =	sshll.u32 s1, $0xD;
	s1 =	sshrl.u32 s1, $0x2  }
0xba: {  	s3 =	sand.u32 $0x4000, s31;
	s1 =	sadd.s32 s1, s30  }
0xbb: {  	s0 =	sor.u32 s3, s0;
	s1 =	sshll.u32 s1, $0x11  }
0xbc: {  	s0 =	sor.u32 s1, s0  }
0xbd: {  	s0 =	sadd.s32 $0x8F2B, s0  }
0xbe: {  	[sflag:s0] =	ssyncadd.remote.s32 $0x1  }
0xbf: {  	_ =	sfence.sel $0xFFFF  }
0xc0: {  	[dreg:$0x0] =	wrdreg $0xFFFFFFFF;
	(pc) =	sbr.abs _section_cstart, $3  }
0xc1: {  	[dreg:$0x1] =	wrdreg $0xFFFFFFFF  }
0xc2: {  	_ =	task.clear_ibuf [dreg:s7], $0x2FFFF;
	_ =	strace $0x9FFFFFFF  }
0xc3: {  	(tm) =	ssettm $0x7FFFFFFF  }
tec
execute0_lowered:
.L_overlay_start_1:
0x0: {  	(tag) =	ssettag $0x1  }
0x1: {  	s0 =	rddreg [dreg:$0x0]  }
0x2: {  	s1 =	rddreg [dreg:$0x1]  }
0x3: {  	s2 =	rddreg [dreg:$0x2];
	s3 =	srdreg.scid  }
0x4: {  	s10 =	stileid.u32;
	s20 =	simm.s32 $0x0;
	s14 =	simm.s32 $0x80  }
0x5: {  	s15 =	simm.s32 $0x5000;
	s16 =	simm.s32 $0x5800;
	s18 =	simm.s32 $0x6000  }
0x6: {  	s29 =	simm.s32 $0x8800;
	s30 =	simm.s32 $0x1;
	s31 =	simm.s32 $0x9000  }
0x7: {  	s13 =	simm.s32 $0xA800;
	s17 =	simm.s32 $0xB000;
	s19 =	simm.s32 $0xB800  }
0x8: {  	s28 =	simm.s32 $0x3;
	s5 =	sand.u32 $0x1, s3;
	s6 =	smul.u32 $0x2780, s10  }
0x9: {  	[smem:$0x7FF] =	sst s20;
	s23 =	sshll.u32 s10, $0x6;
	s20 =	simm.s32 $0x6800  }
0xa: {  	s4 =	sshll.u32 s5, $0x4;
	s7 =	smul.u32 $0x27800, s5;
	s5 =	ssub.s32 $0x2, s5  }
0xb: {  	_ =	strace $0x8000004D;
	s4 =	sor.u32 s10, s4;
	s9 =	sshrl.u32 s5, $0x1  }
0xc: {  	s21 =	sshrl.u32 s6, $0x3;
	s22 =	sadd.s32 s6, s2;
	s8 =	smul.u32 $0x500, s4  }
0xd: {  	s4 =	sadd.s32 $0x2200, s0;
	s7 =	sadd.s32 s6, s7;
	s5 =	ssub.s32 s5, s9  }
0xe: {  	s1 =	sadd.s32 s1, s21;
	s6 =	sor.u32 $0x1C05, s23;
	s21 =	simm.s32 $0xC000  }
0xf: {  	s23 =	simm.s32 $0xC800;
	s7 =	sshrl.u32 s7, $0x3;
	[dreg:$0x4] =	wrdreg s1  }
0x10: {  	s26 =	smax.u32 s5, $0x1;
	s5 =	sshrl.u32 s22, $0x3;
	[dreg:$0x5] =	wrdreg s6  }
0x11: {  	s22 =	simm.s32 $0x7000;
	s8 =	sadd.s32 s8, s0;
	[dreg:$0x9] =	wrdreg s26  }
0x12: {  	s1 =	simm.s32 $0xA000;
	[dreg:$0xa] =	wrdreg s5;
	s24 =	sadd.s32 $0xBD800, s8  }
0x13: {  	s0 =	sadd.s32 s7, s0;
	s25 =	sadd.s32 $0xB3800, s8;
	[dreg:$0x6] =	wrdreg s24  }
0x14: {  	s7 =	simm.s32 $0x5;
	s0 =	sadd.s32 $0x7200, s0;
	[dreg:$0x7] =	wrdreg s25  }
0x15: {  	s26 =	simm.s32 $0x8000;
	s8 =	simm.s32 $0x0;
	[dreg:$0x8] =	wrdreg s0  }
0x16: {  	s24 =	simm.s32 $0x7800;
	s0 =	simm.s32 $0x9800;
	s25 =	simm.s32 $0x2  }
.LBB2_1:
0x17: {  	[dreg:$0xb] =	wrdreg s8  }
0x18: {  	s3 =	rddreg [dreg:$0x4]  }
0x19: {  	[spmem:s5], [sflag:s6] =	dma.local [hbm:s3], $0x4F0  }
0x1a: {  	_ =	swait.ge [sflag:s7], $0x4F0  }
0x1b: {  	[sflag:s7] =	ssyncset.done $0x0  }
0x1c: {  	s9 =	simm.s32 $0x0;
	s10 =	rddreg [dreg:$0x6];
	[sflag:s7] =	ssyncadd.s32 $0xFFFFFB10  }
0x1d: {  	[tilespmem:s9], [sflag:$0x5] =	stream.linear.gather [hbm4b:s10+s9], $0x2800, $0x38;
	[tilespmem:$0xF780] =	vst v63  }
0x1e: {  	_ =	swait.ge [sflag:s7], $0x2800  }
0x1f: {  	[sflag:s7] =	ssyncset.done $0x0  }
0x20: {  	s12 =	simm.s32 $0x2800;
	s11 =	rddreg [dreg:$0x7];
	[sflag:s7] =	ssyncadd.s32 $0xFFFFD800  }
0x21: {  	[tilespmem:s12], [sflag:$0x5] =	stream.linear.gather [hbm4b:s11+s9], $0x2800, $0x38;
	[tilespmem:$0xF780] =	vst v63  }
0x22: {  	_ =	swait.ge [sflag:s7], $0x2800  }
0x23: {  	[sflag:s7] =	ssyncset.done $0x0  }
0x24: {  	[sflag:s7] =	ssyncadd.s32 $0xFFFFD800  }
0x25: {  	[bflag:$0x0] =	sbarrier.arrive $0xFFFF  }
0x26: {  	[tilespmem:s15], [sflag:$0x1] =	stream.indirect.gather [hbm4b:s4+s14], $0x10, s9, s14, $0xb8;
	[tilespmem:$0xF780] =	vst v63  }
0x27: {  	_ = 	snop  }
0x28: {  	[tilespmem:s16], [sflag:$0x1] =	stream.indirect.gather [hbm4b:s4+s14], $0x10, s14, s14, $0xb8;
	[tilespmem:$0xF780] =	vst v63  }
0x29: {  	s7 =	simm.s32 $0x100  }
0x2a: {  	[tilespmem:s18], [sflag:$0x1] =	stream.indirect.gather [hbm4b:s4+s14], $0x10, s7, s14, $0xb8;
	[tilespmem:$0xF780] =	vst v63  }
0x2b: {  	s8 =	simm.s32 $0x180  }
0x2c: {  	[tilespmem:s20], [sflag:$0x1] =	stream.indirect.gather [hbm4b:s4+s14], $0x10, s8, s14, $0xb8;
	[tilespmem:$0xF780] =	vst v63  }
0x2d: {  	s9 =	simm.s32 $0x200  }
0x2e: {  	[tilespmem:s22], [sflag:$0x1] =	stream.indirect.gather [hbm4b:s4+s14], $0x10, s9, s14, $0xb8;
	[tilespmem:$0xF780] =	vst v63  }
0x2f: {  	s10 =	simm.s32 $0x280  }
0x30: {  	[tilespmem:s24], [sflag:$0x1] =	stream.indirect.gather [hbm4b:s4+s14], $0x10, s10, s14, $0xb8;
	[tilespmem:$0xF780] =	vst v63  }
0x31: {  	s11 =	simm.s32 $0x300  }
0x32: {  	[tilespmem:s26], [sflag:$0x1] =	stream.indirect.gather [hbm4b:s4+s14], $0x10, s11, s14, $0xb8;
	[tilespmem:$0xF780] =	vst v63  }
0x33: {  	s12 =	simm.s32 $0x380  }
0x34: {  	[tilespmem:s29], [sflag:$0x1] =	stream.indirect.gather [hbm4b:s4+s14], $0x10, s12, s14, $0xb8;
	[tilespmem:$0xF780] =	vst v63  }
0x35: {  	_ =	swait.ge [sflag:s30], $0x800  }
0x36: {  	[sflag:s30] =	ssyncset.done $0x0  }
0x37: {  	[sflag:s30] =	ssyncadd.s32 $0xFFFFF800  }
0x38: {  	_ =	swait.ge [sflag:s30], $0x800  }
0x39: {  	[sflag:s30] =	ssyncset.done $0x0  }
0x3a: {  	[sflag:s30] =	ssyncadd.s32 $0xFFFFF800  }
0x3b: {  	_ =	swait.ge [sflag:s30], $0x800  }
0x3c: {  	[sflag:s30] =	ssyncset.done $0x0  }
0x3d: {  	[sflag:s30] =	ssyncadd.s32 $0xFFFFF800  }
0x3e: {  	_ =	swait.ge [sflag:s30], $0x800  }
0x3f: {  	[sflag:s30] =	ssyncset.done $0x0  }
0x40: {  	[sflag:s30] =	ssyncadd.s32 $0xFFFFF800  }
0x41: {  	_ =	swait.ge [sflag:s30], $0x800  }
0x42: {  	[sflag:s30] =	ssyncset.done $0x0  }
0x43: {  	[sflag:s30] =	ssyncadd.s32 $0xFFFFF800  }
0x44: {  	_ =	swait.ge [sflag:s30], $0x800  }
0x45: {  	[sflag:s30] =	ssyncset.done $0x0  }
0x46: {  	[sflag:s30] =	ssyncadd.s32 $0xFFFFF800  }
0x47: {  	_ =	swait.ge [sflag:s30], $0x800  }
0x48: {  	[sflag:s30] =	ssyncset.done $0x0  }
0x49: {  	[sflag:s30] =	ssyncadd.s32 $0xFFFFF800  }
0x4a: {  	_ =	swait.ge [sflag:s30], $0x800  }
0x4b: {  	p0 =	por $0x1, $0x1;
	[sflag:s30] =	ssyncset.done $0x0  }
0x4c: {  	s8 =	simm.s32 @!p0 $0x4;
	[sflag:s30] =	ssyncadd.s32 $0xFFFFF800  }
0x4d: {  	_ =	swait.ge @!p0 [sflag:s8], $0x800  }
0x4e: {  	[sflag:s8] =	ssyncset.done @!p0 $0x0  }
0x4f: {  	[sflag:s8] =	ssyncadd.s32 @!p0 $0xFFFFF800  }
0x50: {  	_ =	swait.ge @!p0 [sflag:s8], $0x800  }
0x51: {  	[sflag:s8] =	ssyncset.done @!p0 $0x0  }
0x52: {  	[sflag:s8] =	ssyncadd.s32 @!p0 $0xFFFFF800  }
0x53: {  	_ =	swait.ge @!p0 [sflag:s8], $0x800  }
0x54: {  	[sflag:s8] =	ssyncset.done @!p0 $0x0  }
0x55: {  	[sflag:s8] =	ssyncadd.s32 @!p0 $0xFFFFF800  }
0x56: {  	_ =	swait.ge @!p0 [sflag:s8], $0x800  }
0x57: {  	[sflag:s8] =	ssyncset.done @!p0 $0x0  }
0x58: {  	[sflag:s8] =	ssyncadd.s32 @!p0 $0xFFFFF800  }
0x59: {  	_ =	swait.ge @!p0 [sflag:s8], $0x800  }
0x5a: {  	[sflag:s8] =	ssyncset.done @!p0 $0x0  }
0x5b: {  	[sflag:s8] =	ssyncadd.s32 @!p0 $0xFFFFF800  }
0x5c: {  	_ =	swait.ge @!p0 [sflag:s8], $0x800  }
0x5d: {  	[sflag:s8] =	ssyncset.done @!p0 $0x0  }
0x5e: {  	[sflag:s8] =	ssyncadd.s32 @!p0 $0xFFFFF800  }
0x5f: {  	_ =	swait.ge @!p0 [sflag:s8], $0x800  }
0x60: {  	[sflag:s8] =	ssyncset.done @!p0 $0x0  }
0x61: {  	[sflag:s8] =	ssyncadd.s32 @!p0 $0xFFFFF800  }
0x62: {  	_ =	swait.ge @!p0 [sflag:s8], $0x800  }
0x63: {  	[sflag:s8] =	ssyncset.done @!p0 $0x0  }
0x64: {  	s5 =	simm.s32 $0x400;
	[sflag:s8] =	ssyncadd.s32 @!p0 $0xFFFFF800  }
0x65: {  	[tilespmem:s31], [sflag:$0x2] =	stream.indirect.gather [hbm4b:s4+s14], $0x10, s5, s14, $0xb8;
	[tilespmem:$0xF780] =	vst v63  }
0x66: {  	s6 =	simm.s32 $0x480  }
0x67: {  	[tilespmem:s0], [sflag:$0x2] =	stream.indirect.gather [hbm4b:s4+s14], $0x10, s6, s14, $0xb8;
	[tilespmem:$0xF780] =	vst v63  }
0x68: {  	s7 =	simm.s32 $0x500  }
0x69: {  	[tilespmem:s1], [sflag:$0x2] =	stream.indirect.gather [hbm4b:s4+s14], $0x10, s7, s14, $0xb8;
	[tilespmem:$0xF780] =	vst v63  }
0x6a: {  	s9 =	simm.s32 $0x580  }
0x6b: {  	[tilespmem:s13], [sflag:$0x2] =	stream.indirect.gather [hbm4b:s4+s14], $0x10, s9, s14, $0xb8;
	[tilespmem:$0xF780] =	vst v63  }
0x6c: {  	s10 =	simm.s32 $0x600  }
0x6d: {  	[tilespmem:s17], [sflag:$0x2] =	stream.indirect.gather [hbm4b:s4+s14], $0x10, s10, s14, $0xb8;
	[tilespmem:$0xF780] =	vst v63  }
0x6e: {  	s11 =	simm.s32 $0x680  }
0x6f: {  	[tilespmem:s19], [sflag:$0x2] =	stream.indirect.gather [hbm4b:s4+s14], $0x10, s11, s14, $0xb8;
	[tilespmem:$0xF780] =	vst v63  }
0x70: {  	s12 =	simm.s32 $0x700  }
0x71: {  	[tilespmem:s21], [sflag:$0x2] =	stream.indirect.gather [hbm4b:s4+s14], $0x10, s12, s14, $0xb8;
	[tilespmem:$0xF780] =	vst v63  }
0x72: {  	s3 =	simm.s32 $0x780  }
0x73: {  	[tilespmem:s23], [sflag:$0x2] =	stream.indirect.gather [hbm4b:s4+s14], $0x10, s3, s14, $0xb8;
	[tilespmem:$0xF780] =	vst v63  }
0x74: {  	s5 =	simm.s32 $0x2800  }
0x75: {  	[spmem:s2] =	stream.indirect.scatter.add.f32 [tilespmem:s15], [sflag:$0x3], $0x10, s5, s14, $0xb8;
	[tilespmem:$0xF780] =	vst v63  }
0x76: {  	s6 =	simm.s32 $0x2880  }
0x77: {  	[spmem:s2] =	stream.indirect.scatter.add.f32 [tilespmem:s16], [sflag:$0x3], $0x10, s6, s14, $0xb8;
	[tilespmem:$0xF780] =	vst v63  }
0x78: {  	s7 =	simm.s32 $0x2900  }
0x79: {  	[spmem:s2] =	stream.indirect.scatter.add.f32 [tilespmem:s18], [sflag:$0x3], $0x10, s7, s14, $0xb8;
	[tilespmem:$0xF780] =	vst v63  }
0x7a: {  	s9 =	simm.s32 $0x2980  }
0x7b: {  	[spmem:s2] =	stream.indirect.scatter.add.f32 [tilespmem:s20], [sflag:$0x3], $0x10, s9, s14, $0xb8;
	[tilespmem:$0xF780] =	vst v63  }
0x7c: {  	s10 =	simm.s32 $0x2A00  }
0x7d: {  	[spmem:s2] =	stream.indirect.scatter.add.f32 [tilespmem:s22], [sflag:$0x3], $0x10, s10, s14, $0xb8;
	[tilespmem:$0xF780] =	vst v63  }
0x7e: {  	s11 =	simm.s32 $0x2A80  }
0x7f: {  	[spmem:s2] =	stream.indirect.scatter.add.f32 [tilespmem:s24], [sflag:$0x3], $0x10, s11, s14, $0xb8;
	[tilespmem:$0xF780] =	vst v63  }
0x80: {  	s12 =	simm.s32 $0x2B00  }
0x81: {  	[spmem:s2] =	stream.indirect.scatter.add.f32 [tilespmem:s26], [sflag:$0x3], $0x10, s12, s14, $0xb8;
	[tilespmem:$0xF780] =	vst v63  }
0x82: {  	s3 =	simm.s32 $0x2B80  }
0x83: {  	[spmem:s2] =	stream.indirect.scatter.add.f32 [tilespmem:s29], [sflag:$0x3], $0x10, s3, s14, $0xb8;
	[tilespmem:$0xF780] =	vst v63  }
0x84: {  	_ =	swait.ge [sflag:s25], $0x800  }
0x85: {  	[sflag:s25] =	ssyncset.done $0x0  }
0x86: {  	[sflag:s25] =	ssyncadd.s32 $0xFFFFF800  }
0x87: {  	_ =	swait.ge [sflag:s25], $0x800  }
0x88: {  	[sflag:s25] =	ssyncset.done $0x0  }
0x89: {  	[sflag:s25] =	ssyncadd.s32 $0xFFFFF800  }
0x8a: {  	_ =	swait.ge [sflag:s25], $0x800  }
0x8b: {  	[sflag:s25] =	ssyncset.done $0x0  }
0x8c: {  	[sflag:s25] =	ssyncadd.s32 $0xFFFFF800  }
0x8d: {  	_ =	swait.ge [sflag:s25], $0x800  }
0x8e: {  	[sflag:s25] =	ssyncset.done $0x0  }
0x8f: {  	[sflag:s25] =	ssyncadd.s32 $0xFFFFF800  }
0x90: {  	_ =	swait.ge [sflag:s25], $0x800  }
0x91: {  	[sflag:s25] =	ssyncset.done $0x0  }
0x92: {  	[sflag:s25] =	ssyncadd.s32 $0xFFFFF800  }
0x93: {  	_ =	swait.ge [sflag:s25], $0x800  }
0x94: {  	[sflag:s25] =	ssyncset.done $0x0  }
0x95: {  	[sflag:s25] =	ssyncadd.s32 $0xFFFFF800  }
0x96: {  	_ =	swait.ge [sflag:s25], $0x800  }
0x97: {  	[sflag:s25] =	ssyncset.done $0x0  }
0x98: {  	[sflag:s25] =	ssyncadd.s32 $0xFFFFF800  }
0x99: {  	_ =	swait.ge [sflag:s25], $0x800  }
0x9a: {  	[sflag:s25] =	ssyncset.done $0x0  }
0x9b: {  	[sflag:s25] =	ssyncadd.s32 $0xFFFFF800  }
0x9c: {  	_ =	swait.ge [sflag:s28], $0x800  }
0x9d: {  	[sflag:s28] =	ssyncset.done $0x0  }
0x9e: {  	[sflag:s28] =	ssyncadd.s32 $0xFFFFF800  }
0x9f: {  	_ =	swait.ge [sflag:s28], $0x800  }
0xa0: {  	[sflag:s28] =	ssyncset.done $0x0  }
0xa1: {  	[sflag:s28] =	ssyncadd.s32 $0xFFFFF800  }
0xa2: {  	_ =	swait.ge [sflag:s28], $0x800  }
0xa3: {  	[sflag:s28] =	ssyncset.done $0x0  }
0xa4: {  	[sflag:s28] =	ssyncadd.s32 $0xFFFFF800  }
0xa5: {  	_ =	swait.ge [sflag:s28], $0x800  }
0xa6: {  	[sflag:s28] =	ssyncset.done $0x0  }
0xa7: {  	[sflag:s28] =	ssyncadd.s32 $0xFFFFF800  }
0xa8: {  	_ =	swait.ge [sflag:s28], $0x800  }
0xa9: {  	[sflag:s28] =	ssyncset.done $0x0  }
0xaa: {  	[sflag:s28] =	ssyncadd.s32 $0xFFFFF800  }
0xab: {  	_ =	swait.ge [sflag:s28], $0x800  }
0xac: {  	[sflag:s28] =	ssyncset.done $0x0  }
0xad: {  	[sflag:s28] =	ssyncadd.s32 $0xFFFFF800  }
0xae: {  	_ =	swait.ge [sflag:s28], $0x800  }
0xaf: {  	[sflag:s28] =	ssyncset.done $0x0  }
0xb0: {  	[sflag:s28] =	ssyncadd.s32 $0xFFFFF800  }
0xb1: {  	p0 =	por $0x0, $0x0;
	_ =	swait.ge [sflag:s28], $0x800  }
0xb2: {  	s8 =	simm.s32 @!p0 $0x5000;
	[sflag:s28] =	ssyncset.done $0x0  }
0xb3: {  	s9 =	simm.s32 @!p0 $0x800;
	s10 =	simm.s32 @!p0 $0x80;
	[sflag:s28] =	ssyncadd.s32 $0xFFFFF800  }
0xb4: {  	[tilespmem:s8], [sflag:$0x1] =	stream.indirect.gather @!p0 [hbm4b:s4+s10], $0x10, s9, s10, $0xb8;
	[tilespmem:$0xF780] =	vst v63  }
0xb5: {  	s8 =	simm.s32 @!p0 $0x880;
	s9 =	simm.s32 @!p0 $0x5800  }
0xb6: {  	[tilespmem:s9], [sflag:$0x1] =	stream.indirect.gather @!p0 [hbm4b:s4+s10], $0x10, s8, s10, $0xb8;
	[tilespmem:$0xF780] =	vst v63  }
0xb7: {  	s8 =	simm.s32 @!p0 $0x900;
	s9 =	simm.s32 @!p0 $0x6000  }
0xb8: {  	[tilespmem:s9], [sflag:$0x1] =	stream.indirect.gather @!p0 [hbm4b:s4+s10], $0x10, s8, s10, $0xb8;
	[tilespmem:$0xF780] =	vst v63  }
0xb9: {  	s8 =	simm.s32 @!p0 $0x980;
	s9 =	simm.s32 @!p0 $0x6800  }
0xba: {  	[tilespmem:s9], [sflag:$0x1] =	stream.indirect.gather @!p0 [hbm4b:s4+s10], $0x10, s8, s10, $0xb8;
	[tilespmem:$0xF780] =	vst v63  }
0xbb: {  	s8 =	simm.s32 @!p0 $0xA00;
	s9 =	simm.s32 @!p0 $0x7000  }
0xbc: {  	[tilespmem:s9], [sflag:$0x1] =	stream.indirect.gather @!p0 [hbm4b:s4+s10], $0x10, s8, s10, $0xb8;
	[tilespmem:$0xF780] =	vst v63  }
0xbd: {  	s8 =	simm.s32 @!p0 $0xA80;
	s9 =	simm.s32 @!p0 $0x7800  }
0xbe: {  	[tilespmem:s9], [sflag:$0x1] =	stream.indirect.gather @!p0 [hbm4b:s4+s10], $0x10, s8, s10, $0xb8;
	[tilespmem:$0xF780] =	vst v63  }
0xbf: {  	s8 =	simm.s32 @!p0 $0xB00;
	s9 =	simm.s32 @!p0 $0x8000  }
0xc0: {  	[tilespmem:s9], [sflag:$0x1] =	stream.indirect.gather @!p0 [hbm4b:s4+s10], $0x10, s8, s10, $0xb8;
	[tilespmem:$0xF780] =	vst v63  }
0xc1: {  	s8 =	simm.s32 @!p0 $0xB80;
	s9 =	simm.s32 @!p0 $0x8800  }
0xc2: {  	[tilespmem:s9], [sflag:$0x1] =	stream.indirect.gather @!p0 [hbm4b:s4+s10], $0x10, s8, s10, $0xb8;
	[tilespmem:$0xF780] =	vst v63  }
0xc3: {  	s5 =	simm.s32 $0x2C00  }
0xc4: {  	[spmem:s2] =	stream.indirect.scatter.add.f32 [tilespmem:s31], [sflag:$0x4], $0x10, s5, s14, $0xb8;
	[tilespmem:$0xF780] =	vst v63  }
0xc5: {  	s6 =	simm.s32 $0x2C80  }
0xc6: {  	[spmem:s2] =	stream.indirect.scatter.add.f32 [tilespmem:s0], [sflag:$0x4], $0x10, s6, s14, $0xb8;
	[tilespmem:$0xF780] =	vst v63  }
0xc7: {  	s7 =	simm.s32 $0x2D00  }
0xc8: {  	[spmem:s2] =	stream.indirect.scatter.add.f32 [tilespmem:s1], [sflag:$0x4], $0x10, s7, s14, $0xb8;
	[tilespmem:$0xF780] =	vst v63  }
0xc9: {  	s9 =	simm.s32 $0x2D80  }
0xca: {  	[spmem:s2] =	stream.indirect.scatter.add.f32 [tilespmem:s13], [sflag:$0x4], $0x10, s9, s14, $0xb8;
	[tilespmem:$0xF780] =	vst v63  }
0xcb: {  	s10 =	simm.s32 $0x2E00  }
0xcc: {  	[spmem:s2] =	stream.indirect.scatter.add.f32 [tilespmem:s17], [sflag:$0x4], $0x10, s10, s14, $0xb8;
	[tilespmem:$0xF780] =	vst v63  }
0xcd: {  	s11 =	simm.s32 $0x2E80  }
0xce: {  	[spmem:s2] =	stream.indirect.scatter.add.f32 [tilespmem:s19], [sflag:$0x4], $0x10, s11, s14, $0xb8;
	[tilespmem:$0xF780] =	vst v63  }
0xcf: {  	s12 =	simm.s32 $0x2F00;
	s8 =	simm.s32 $0x2000;
	s9 =	simm.s32 $0x2F80  }
0xd0: {  	[spmem:s2] =	stream.indirect.scatter.add.f32 [tilespmem:s21], [sflag:$0x4], $0x10, s12, s14, $0xb8;
	[tilespmem:$0xF780] =	vst v63  }
.LBB2_2:
0xd1: {  	[spmem:s2] =	stream.indirect.scatter.add.f32 [tilespmem:s23], [sflag:$0x4], $0x10, s9, s14, $0xb8;
	[tilespmem:$0xF780] =	vst v63  }
0xd2: {  	s9 =	smov.u32 s8;
	s8 =	sadd.s32 $0x2000, s8;
	_ =	swait.ge [sflag:s30], $0x800  }
0xd3: {  	p0 =	sne.s32 s8, $0xA000;
	[sflag:s30] =	ssyncset.done $0x0  }
0xd4: {  	[sflag:s30] =	ssyncadd.s32 $0xFFFFF800  }
0xd5: {  	_ =	swait.ge [sflag:s30], $0x800  }
0xd6: {  	[sflag:s30] =	ssyncset.done $0x0  }
0xd7: {  	[sflag:s30] =	ssyncadd.s32 $0xFFFFF800  }
0xd8: {  	_ =	swait.ge [sflag:s30], $0x800  }
0xd9: {  	[sflag:s30] =	ssyncset.done $0x0  }
0xda: {  	[sflag:s30] =	ssyncadd.s32 $0xFFFFF800  }
0xdb: {  	_ =	swait.ge [sflag:s30], $0x800  }
0xdc: {  	[sflag:s30] =	ssyncset.done $0x0  }
0xdd: {  	[sflag:s30] =	ssyncadd.s32 $0xFFFFF800  }
0xde: {  	_ =	swait.ge [sflag:s30], $0x800  }
0xdf: {  	[sflag:s30] =	ssyncset.done $0x0  }
0xe0: {  	[sflag:s30] =	ssyncadd.s32 $0xFFFFF800  }
0xe1: {  	_ =	swait.ge [sflag:s30], $0x800  }
0xe2: {  	[sflag:s30] =	ssyncset.done $0x0  }
0xe3: {  	[sflag:s30] =	ssyncadd.s32 $0xFFFFF800  }
0xe4: {  	_ =	swait.ge [sflag:s30], $0x800  }
0xe5: {  	[sflag:s30] =	ssyncset.done $0x0  }
0xe6: {  	[sflag:s30] =	ssyncadd.s32 $0xFFFFF800  }
0xe7: {  	_ =	swait.ge [sflag:s30], $0x800  }
0xe8: {  	p1 =	seq.s32 s9, $0x0;
	[sflag:s30] =	ssyncset.done $0x0  }
0xe9: {  	s3 =	simm.s32 @!p1 $0x4;
	[sflag:s30] =	ssyncadd.s32 $0xFFFFF800  }
0xea: {  	_ =	swait.ge @!p1 [sflag:s3], $0x800  }
0xeb: {  	[sflag:s3] =	ssyncset.done @!p1 $0x0  }
0xec: {  	[sflag:s3] =	ssyncadd.s32 @!p1 $0xFFFFF800  }
0xed: {  	_ =	swait.ge @!p1 [sflag:s3], $0x800  }
0xee: {  	[sflag:s3] =	ssyncset.done @!p1 $0x0  }
0xef: {  	[sflag:s3] =	ssyncadd.s32 @!p1 $0xFFFFF800  }
0xf0: {  	_ =	swait.ge @!p1 [sflag:s3], $0x800  }
0xf1: {  	[sflag:s3] =	ssyncset.done @!p1 $0x0  }
0xf2: {  	[sflag:s3] =	ssyncadd.s32 @!p1 $0xFFFFF800  }
0xf3: {  	_ =	swait.ge @!p1 [sflag:s3], $0x800  }
0xf4: {  	[sflag:s3] =	ssyncset.done @!p1 $0x0  }
0xf5: {  	[sflag:s3] =	ssyncadd.s32 @!p1 $0xFFFFF800  }
0xf6: {  	_ =	swait.ge @!p1 [sflag:s3], $0x800  }
0xf7: {  	[sflag:s3] =	ssyncset.done @!p1 $0x0  }
0xf8: {  	[sflag:s3] =	ssyncadd.s32 @!p1 $0xFFFFF800  }
0xf9: {  	_ =	swait.ge @!p1 [sflag:s3], $0x800  }
0xfa: {  	[sflag:s3] =	ssyncset.done @!p1 $0x0  }
0xfb: {  	[sflag:s3] =	ssyncadd.s32 @!p1 $0xFFFFF800  }
0xfc: {  	_ =	swait.ge @!p1 [sflag:s3], $0x800  }
0xfd: {  	[sflag:s3] =	ssyncset.done @!p1 $0x0  }
0xfe: {  	[sflag:s3] =	ssyncadd.s32 @!p1 $0xFFFFF800  }
0xff: {  	_ =	swait.ge @!p1 [sflag:s3], $0x800  }
0x100: {  	s10 =	sshra.s32 s9, $0x2;
	[sflag:s3] =	ssyncset.done @!p1 $0x0  }
0x101: {  	[sflag:s3] =	ssyncadd.s32 @!p1 $0xFFFFF800;
	s3 =	sadd.s32 $0x400, s10  }
0x102: {  	[tilespmem:s31], [sflag:$0x2] =	stream.indirect.gather [hbm4b:s4+s14], $0x10, s3, s14, $0xb8;
	[tilespmem:$0xF780] =	vst v63  }
0x103: {  	s3 =	sadd.s32 $0x480, s10  }
0x104: {  	[tilespmem:s0], [sflag:$0x2] =	stream.indirect.gather [hbm4b:s4+s14], $0x10, s3, s14, $0xb8;
	[tilespmem:$0xF780] =	vst v63  }
0x105: {  	s3 =	sadd.s32 $0x500, s10  }
0x106: {  	[tilespmem:s1], [sflag:$0x2] =	stream.indirect.gather [hbm4b:s4+s14], $0x10, s3, s14, $0xb8;
	[tilespmem:$0xF780] =	vst v63  }
0x107: {  	s3 =	sadd.s32 $0x580, s10  }
0x108: {  	[tilespmem:s13], [sflag:$0x2] =	stream.indirect.gather [hbm4b:s4+s14], $0x10, s3, s14, $0xb8;
	[tilespmem:$0xF780] =	vst v63  }
0x109: {  	s3 =	sadd.s32 $0x600, s10  }
0x10a: {  	[tilespmem:s17], [sflag:$0x2] =	stream.indirect.gather [hbm4b:s4+s14], $0x10, s3, s14, $0xb8;
	[tilespmem:$0xF780] =	vst v63  }
0x10b: {  	s3 =	sadd.s32 $0x680, s10  }
0x10c: {  	[tilespmem:s19], [sflag:$0x2] =	stream.indirect.gather [hbm4b:s4+s14], $0x10, s3, s14, $0xb8;
	[tilespmem:$0xF780] =	vst v63  }
0x10d: {  	s3 =	sadd.s32 $0x700, s10  }
0x10e: {  	[tilespmem:s21], [sflag:$0x2] =	stream.indirect.gather [hbm4b:s4+s14], $0x10, s3, s14, $0xb8;
	[tilespmem:$0xF780] =	vst v63  }
0x10f: {  	s3 =	sadd.s32 $0x780, s10  }
0x110: {  	[tilespmem:s23], [sflag:$0x2] =	stream.indirect.gather [hbm4b:s4+s14], $0x10, s3, s14, $0xb8;
	[tilespmem:$0xF780] =	vst v63  }
0x111: {  	s3 =	sadd.s32 $0x2800, s10  }
0x112: {  	[spmem:s2] =	stream.indirect.scatter.add.f32 [tilespmem:s15], [sflag:$0x3], $0x10, s3, s14, $0xb8;
	[tilespmem:$0xF780] =	vst v63  }
0x113: {  	s3 =	sadd.s32 $0x2880, s10  }
0x114: {  	[spmem:s2] =	stream.indirect.scatter.add.f32 [tilespmem:s16], [sflag:$0x3], $0x10, s3, s14, $0xb8;
	[tilespmem:$0xF780] =	vst v63  }
0x115: {  	s3 =	sadd.s32 $0x2900, s10  }
0x116: {  	[spmem:s2] =	stream.indirect.scatter.add.f32 [tilespmem:s18], [sflag:$0x3], $0x10, s3, s14, $0xb8;
	[tilespmem:$0xF780] =	vst v63  }
0x117: {  	s3 =	sadd.s32 $0x2980, s10  }
0x118: {  	[spmem:s2] =	stream.indirect.scatter.add.f32 [tilespmem:s20], [sflag:$0x3], $0x10, s3, s14, $0xb8;
	[tilespmem:$0xF780] =	vst v63  }
0x119: {  	s3 =	sadd.s32 $0x2A00, s10  }
0x11a: {  	[spmem:s2] =	stream.indirect.scatter.add.f32 [tilespmem:s22], [sflag:$0x3], $0x10, s3, s14, $0xb8;
	[tilespmem:$0xF780] =	vst v63  }
0x11b: {  	s3 =	sadd.s32 $0x2A80, s10  }
0x11c: {  	[spmem:s2] =	stream.indirect.scatter.add.f32 [tilespmem:s24], [sflag:$0x3], $0x10, s3, s14, $0xb8;
	[tilespmem:$0xF780] =	vst v63  }
0x11d: {  	s3 =	sadd.s32 $0x2B00, s10  }
0x11e: {  	[spmem:s2] =	stream.indirect.scatter.add.f32 [tilespmem:s26], [sflag:$0x3], $0x10, s3, s14, $0xb8;
	[tilespmem:$0xF780] =	vst v63  }
0x11f: {  	s3 =	sadd.s32 $0x2B80, s10  }
0x120: {  	[spmem:s2] =	stream.indirect.scatter.add.f32 [tilespmem:s29], [sflag:$0x3], $0x10, s3, s14, $0xb8;
	[tilespmem:$0xF780] =	vst v63  }
0x121: {  	_ =	swait.ge [sflag:s25], $0x800  }
0x122: {  	[sflag:s25] =	ssyncset.done $0x0  }
0x123: {  	[sflag:s25] =	ssyncadd.s32 $0xFFFFF800  }
0x124: {  	_ =	swait.ge [sflag:s25], $0x800  }
0x125: {  	[sflag:s25] =	ssyncset.done $0x0  }
0x126: {  	[sflag:s25] =	ssyncadd.s32 $0xFFFFF800  }
0x127: {  	_ =	swait.ge [sflag:s25], $0x800  }
0x128: {  	[sflag:s25] =	ssyncset.done $0x0  }
0x129: {  	[sflag:s25] =	ssyncadd.s32 $0xFFFFF800  }
0x12a: {  	_ =	swait.ge [sflag:s25], $0x800  }
0x12b: {  	[sflag:s25] =	ssyncset.done $0x0  }
0x12c: {  	[sflag:s25] =	ssyncadd.s32 $0xFFFFF800  }
0x12d: {  	_ =	swait.ge [sflag:s25], $0x800  }
0x12e: {  	[sflag:s25] =	ssyncset.done $0x0  }
0x12f: {  	[sflag:s25] =	ssyncadd.s32 $0xFFFFF800  }
0x130: {  	_ =	swait.ge [sflag:s25], $0x800  }
0x131: {  	[sflag:s25] =	ssyncset.done $0x0  }
0x132: {  	[sflag:s25] =	ssyncadd.s32 $0xFFFFF800  }
0x133: {  	_ =	swait.ge [sflag:s25], $0x800  }
0x134: {  	[sflag:s25] =	ssyncset.done $0x0  }
0x135: {  	[sflag:s25] =	ssyncadd.s32 $0xFFFFF800  }
0x136: {  	_ =	swait.ge [sflag:s25], $0x800  }
0x137: {  	[sflag:s25] =	ssyncset.done $0x0  }
0x138: {  	[sflag:s25] =	ssyncadd.s32 $0xFFFFF800  }
0x139: {  	_ =	swait.ge [sflag:s28], $0x800  }
0x13a: {  	[sflag:s28] =	ssyncset.done $0x0  }
0x13b: {  	[sflag:s28] =	ssyncadd.s32 $0xFFFFF800  }
0x13c: {  	_ =	swait.ge [sflag:s28], $0x800  }
0x13d: {  	[sflag:s28] =	ssyncset.done $0x0  }
0x13e: {  	[sflag:s28] =	ssyncadd.s32 $0xFFFFF800  }
0x13f: {  	_ =	swait.ge [sflag:s28], $0x800  }
0x140: {  	[sflag:s28] =	ssyncset.done $0x0  }
0x141: {  	[sflag:s28] =	ssyncadd.s32 $0xFFFFF800  }
0x142: {  	_ =	swait.ge [sflag:s28], $0x800  }
0x143: {  	[sflag:s28] =	ssyncset.done $0x0  }
0x144: {  	[sflag:s28] =	ssyncadd.s32 $0xFFFFF800  }
0x145: {  	_ =	swait.ge [sflag:s28], $0x800  }
0x146: {  	[sflag:s28] =	ssyncset.done $0x0  }
0x147: {  	[sflag:s28] =	ssyncadd.s32 $0xFFFFF800  }
0x148: {  	_ =	swait.ge [sflag:s28], $0x800  }
0x149: {  	[sflag:s28] =	ssyncset.done $0x0  }
0x14a: {  	[sflag:s28] =	ssyncadd.s32 $0xFFFFF800  }
0x14b: {  	_ =	swait.ge [sflag:s28], $0x800  }
0x14c: {  	[sflag:s28] =	ssyncset.done $0x0  }
0x14d: {  	[sflag:s28] =	ssyncadd.s32 $0xFFFFF800  }
0x14e: {  	p1 =	seq.s32 s9, $0x8000;
	_ =	swait.ge [sflag:s28], $0x800  }
0x14f: {  	s3 =	sshra.s32 @!p1 s9, $0x2;
	s9 =	simm.s32 @!p1 $0x5000;
	[sflag:s28] =	ssyncset.done $0x0  }
0x150: {  	s11 =	simm.s32 @!p1 $0x80;
	s6 =	sadd.s32 @!p1 $0x800, s3;
	[sflag:s28] =	ssyncadd.s32 $0xFFFFF800  }
0x151: {  	[tilespmem:s9], [sflag:$0x1] =	stream.indirect.gather @!p1 [hbm4b:s4+s11], $0x10, s6, s11, $0xb8;
	[tilespmem:$0xF780] =	vst v63  }
0x152: {  	s12 =	sadd.s32 @!p1 $0x900, s3;
	s6 =	sadd.s32 @!p1 $0x880, s3;
	s9 =	simm.s32 @!p1 $0x5800  }
0x153: {  	[tilespmem:s9], [sflag:$0x1] =	stream.indirect.gather @!p1 [hbm4b:s4+s11], $0x10, s6, s11, $0xb8;
	[tilespmem:$0xF780] =	vst v63  }
0x154: {  	s7 =	sadd.s32 @!p1 $0xA00, s3;
	s6 =	simm.s32 @!p1 $0x6000;
	s9 =	sadd.s32 @!p1 $0x980, s3  }
0x155: {  	[tilespmem:s6], [sflag:$0x1] =	stream.indirect.gather @!p1 [hbm4b:s4+s11], $0x10, s12, s11, $0xb8;
	[tilespmem:$0xF780] =	vst v63  }
0x156: {  	s5 =	sadd.s32 @!p1 $0xB00, s3;
	s6 =	simm.s32 @!p1 $0x6800;
	s12 =	sadd.s32 @!p1 $0xA80, s3  }
0x157: {  	[tilespmem:s6], [sflag:$0x1] =	stream.indirect.gather @!p1 [hbm4b:s4+s11], $0x10, s9, s11, $0xb8;
	[tilespmem:$0xF780] =	vst v63  }
0x158: {  	s3 =	sadd.s32 @!p1 $0xB80, s3;
	s6 =	simm.s32 @!p1 $0x7000  }
0x159: {  	[tilespmem:s6], [sflag:$0x1] =	stream.indirect.gather @!p1 [hbm4b:s4+s11], $0x10, s7, s11, $0xb8;
	[tilespmem:$0xF780] =	vst v63  }
0x15a: {  	s6 =	simm.s32 @!p1 $0x7800  }
0x15b: {  	[tilespmem:s6], [sflag:$0x1] =	stream.indirect.gather @!p1 [hbm4b:s4+s11], $0x10, s12, s11, $0xb8;
	[tilespmem:$0xF780] =	vst v63  }
0x15c: {  	s6 =	simm.s32 @!p1 $0x8000  }
0x15d: {  	[tilespmem:s6], [sflag:$0x1] =	stream.indirect.gather @!p1 [hbm4b:s4+s11], $0x10, s5, s11, $0xb8;
	[tilespmem:$0xF780] =	vst v63  }
0x15e: {  	s5 =	simm.s32 @!p1 $0x8800  }
0x15f: {  	[tilespmem:s5], [sflag:$0x1] =	stream.indirect.gather @!p1 [hbm4b:s4+s11], $0x10, s3, s11, $0xb8;
	[tilespmem:$0xF780] =	vst v63  }
0x160: {  	s3 =	sadd.s32 $0x2C00, s10  }
0x161: {  	[spmem:s2] =	stream.indirect.scatter.add.f32 [tilespmem:s31], [sflag:$0x4], $0x10, s3, s14, $0xb8;
	[tilespmem:$0xF780] =	vst v63  }
0x162: {  	s3 =	sadd.s32 $0x2C80, s10  }
0x163: {  	[spmem:s2] =	stream.indirect.scatter.add.f32 [tilespmem:s0], [sflag:$0x4], $0x10, s3, s14, $0xb8;
	[tilespmem:$0xF780] =	vst v63  }
0x164: {  	s3 =	sadd.s32 $0x2D00, s10  }
0x165: {  	[spmem:s2] =	stream.indirect.scatter.add.f32 [tilespmem:s1], [sflag:$0x4], $0x10, s3, s14, $0xb8;
	[tilespmem:$0xF780] =	vst v63  }
0x166: {  	s3 =	sadd.s32 $0x2D80, s10  }
0x167: {  	[spmem:s2] =	stream.indirect.scatter.add.f32 [tilespmem:s13], [sflag:$0x4], $0x10, s3, s14, $0xb8;
	[tilespmem:$0xF780] =	vst v63  }
0x168: {  	s3 =	sadd.s32 $0x2E00, s10  }
0x169: {  	[spmem:s2] =	stream.indirect.scatter.add.f32 [tilespmem:s17], [sflag:$0x4], $0x10, s3, s14, $0xb8;
	[tilespmem:$0xF780] =	vst v63  }
.Ltmp0:
0x16a: {  	s3 =	sadd.s32 $0x2E80, s10;
	(pc) =	sbr.rel @p0 .LBB2_2-.Ltmp0, $4  }
0x16b: {  	[spmem:s2] =	stream.indirect.scatter.add.f32 [tilespmem:s19], [sflag:$0x4], $0x10, s3, s14, $0xb8;
	[tilespmem:$0xF780] =	vst v63  }
0x16c: {  	s3 =	sadd.s32 $0x2F00, s10  }
0x16d: {  	[spmem:s2] =	stream.indirect.scatter.add.f32 [tilespmem:s21], [sflag:$0x4], $0x10, s3, s14, $0xb8;
	[tilespmem:$0xF780] =	vst v63  }
0x16e: {  	s9 =	sadd.s32 $0x2F80, s10  }
0x16f: {  	[spmem:s2] =	stream.indirect.scatter.add.f32 [tilespmem:s23], [sflag:$0x4], $0x10, s9, s14, $0xb8;
	[tilespmem:$0xF780] =	vst v63  }
0x170: {  	s3 =	simm.s32 $0x4  }
0x171: {  	_ =	swait.ge [sflag:s3], $0x800  }
0x172: {  	[sflag:s3] =	ssyncset.done $0x0  }
0x173: {  	[sflag:s3] =	ssyncadd.s32 $0xFFFFF800  }
0x174: {  	_ =	swait.ge [sflag:s3], $0x800  }
0x175: {  	[sflag:s3] =	ssyncset.done $0x0  }
0x176: {  	[sflag:s3] =	ssyncadd.s32 $0xFFFFF800  }
0x177: {  	_ =	swait.ge [sflag:s3], $0x800  }
0x178: {  	[sflag:s3] =	ssyncset.done $0x0  }
0x179: {  	[sflag:s3] =	ssyncadd.s32 $0xFFFFF800  }
0x17a: {  	_ =	swait.ge [sflag:s3], $0x800  }
0x17b: {  	[sflag:s3] =	ssyncset.done $0x0  }
0x17c: {  	[sflag:s3] =	ssyncadd.s32 $0xFFFFF800  }
0x17d: {  	_ =	swait.ge [sflag:s3], $0x800  }
0x17e: {  	[sflag:s3] =	ssyncset.done $0x0  }
0x17f: {  	[sflag:s3] =	ssyncadd.s32 $0xFFFFF800  }
0x180: {  	_ =	swait.ge [sflag:s3], $0x800  }
0x181: {  	[sflag:s3] =	ssyncset.done $0x0  }
0x182: {  	[sflag:s3] =	ssyncadd.s32 $0xFFFFF800  }
0x183: {  	_ =	swait.ge [sflag:s3], $0x800  }
0x184: {  	[sflag:s3] =	ssyncset.done $0x0  }
0x185: {  	[sflag:s3] =	ssyncadd.s32 $0xFFFFF800  }
0x186: {  	_ =	swait.ge [sflag:s3], $0x800  }
0x187: {  	[sflag:s3] =	ssyncset.done $0x0  }
0x188: {  	[sflag:s3] =	ssyncadd.s32 $0xFFFFF800  }
0x189: {  	[bflag:$0x0] =	sbarrier.arrive $0xFFFF  }
0x18a: {  	s6 =	rddreg [dreg:$0x5]  }
0x18b: {  	s11 =	rddreg [dreg:$0x8]  }
0x18c: {  	s7 =	simm.s32 $0x5;
	s5 =	rddreg [dreg:$0xa]  }
0x18d: {  	[hbm:s11], [sflag:s6] =	dma.local [spmem:s5], $0x4F0  }
0x18e: {  	_ =	swait.ge [sflag:s7], $0x4F0  }
0x18f: {  	s8 =	rddreg [dreg:$0xb]  }
0x190: {  	s12 =	rddreg [dreg:$0x9];
	s8 =	sadd.s32 $0x1, s8  }
0x191: {  	p0 =	sne.s32 s8, s12  }
.Ltmp1:
0x192: {  	_ = 	snop;
	(pc) =	sbr.rel @p0 .LBB2_1-.Ltmp1, $3  }
0x193: {  	_ =	sdelay $0x1  }
0x194: {  	[sflag:s7] =	ssyncset.done $0x0  }
0x195: {  	[sflag:s7] =	ssyncadd.s32 $0xFFFFFB10  }
0x196: {  	_ =	sfence.sel $0x180000  }
0x197: {  	[bflag:$0x0] =	sbarrier.arrive $0xFFFF  }
0x198: {  	_ =	strace $0x9000004D  }
0x199: {  	s0 =	stileid.u32;
	[bflag:$0x2] =	sbarrier.arrive $0xFFFF  }
0x19a: {  	p0 =	sne.s32 s0, $0x0;
	s0 =	rddreg [dreg:$0x3]  }
0x19b: {  	s0 =	sadd.s32 @!p0 $0x100000, s0  }
0x19c: {  	[sflag:s0] =	ssyncadd.tile.s32 @!p0 $0x1;
	_ =	shalt  }
.Lfunc_end2:
_tile_overlayer_lowered:
.L_overlay_start_2:
0x19d: {  	(tag) =	ssettag $0x2  }
0x19e: {  	s0 =	rddreg [dreg:$0x0];
	s2 =	stileid.u32  }
0x19f: {  	s1 =	rddreg [dreg:$0x1];
	p0 =	sne.s32 s2, $0x0  }
0x1a0: {  	s3 =	rddreg [dreg:$0x2];
	[bflag:$0x3] =	sbarrier.arrive $0xFFFF;
	s2 =	simm.s32 @!p0 $0x1C05  }
0x1a1: {  	[timem:s3], [sflag:s2] =	dma.local @!p0 [hbm:s0], s1  }
0x1a2: {  	s0 =	simm.s32 @!p0 $0x5  }
0x1a3: {  	_ =	swait.ge @!p0 [sflag:s0], s1  }
0x1a4: {  	s1 =	ssub.s32 @!p0 $0x0, s1;
	[sflag:s0] =	ssyncset.done @!p0 $0x0  }
0x1a5: {  	[sflag:s0] =	ssyncadd.s32 @!p0 s1  }
0x1a6: {  	[bflag:$0x3] =	sbarrier.arrive $0xFFFF  }
0x1a7: {  	_ =	shalt  }

// kernel: kernel.8.cloned.1.call-start
scs
__scs_entry_jumppad:
0x0: {  	(pc) =	sbr.rel $0x88, $3  }
0x1: {  	(tag) =	ssettag $0x0;
	lr =	simm.s32 $0x1  }
0x2: {  	[smem:$0x3F9B] =	sst lr;
	_ =	strace $0xD0000000  }
0x3: {  	_ = 	snop  }
0x4: {  	_ = 	snop  }
0x5: {  	_ = 	snop  }
0x6: {  	_ = 	snop  }
0x7: {  	_ = 	snop  }
__scs_overlays_trampoline_lowered:
0x8: {  	[smem:$0x3FAA] =	sst s0  }
0x9: {  	[smem:$0x3FAB] =	sst s1  }
0xa: {  	[smem:$0x3FAC] =	sst s2  }
0xb: {  	[smem:$0x3FAD] =	sst s3  }
0xc: {  	[smem:$0x3FAE] =	sst s4  }
0xd: {  	[smem:$0x3FAF] =	sst s5  }
0xe: {  	[smem:$0x3FB0] =	sst s6  }
0xf: {  	[smem:$0x3FB1] =	sst s7  }
0x10: {  	[smem:$0x3FB2] =	sst s8  }
0x11: {  	[smem:$0x3FB3] =	sst s9;
	s0 =	simm.s32 @!p0 $0x0  }
0x12: {  	s1 =	sld [smem:$0x3F99];
	s0 =	simm.s32 @p0 $0x1  }
0x13: {  	[smem:$0x3FB4] =	sst s0;
	s0 =	simm.s32 @!p1 $0x0  }
0x14: {  	s2 =	sld [smem:$0x3F98];
	s0 =	simm.s32 @p1 $0x1  }
0x15: {  	[smem:$0x3FB5] =	sst s0;
	s0 =	simm.s32 @!p2 $0x0  }
0x16: {  	s3 =	sld [smem:$0x3FDB];
	s0 =	simm.s32 @p2 $0x1  }
0x17: {  	s4 =	simm.s32 $0x1BF5;
	[smem:$0x3FB7] =	sst s0  }
0x18: {  	s0 =	sld [smem:$0x3F9A];
	_ =	swait.ge [sflag:s4], $0x0  }
0x19: {  	s7 =	sld [smem:$0x3F9B]  }
0x1a: {  	s8 =	sadd.s32 $0xFFFFE003, lr  }
0x1b: {  	s9 =	sadd.s32 $0xFFFFFEF7, lr;
	s5 =	simm.s32 $0xFFFFFFFF;
	p2 =	slt.u32 s8, $0xFFFFF086  }
0x1c: {  	p1 =	slt.u32 s9, $0xF7A;
	s5 =	simm.s32 @!p2 $0x0  }
0x1d: {  	s5 =	simm.s32 @p1 $0x1;
	p0 =	seq.s32 s7, s2  }
0x1e: {  	s7 =	smul.u32 @!p0 $0xF7A, s2;
	p2 =	seq.s32 @!p0 s5, $0x0  }
0x1f: {  	s9 =	smul.u32 $0xF7A, s1;
	s8 =	simm.s32 @!p0 $0x1BF5;
	p2 =	por !p2, p0  }
0x20: {  	[sflag:s8] =	ssyncset.s32 @!p0 $0xFFFFF086;
	s6 =	sadd.s32 @!p0 s3, s7;
	s7 =	simm.s32 @!p0 $0x108  }
0x21: {  	s3 =	sadd.s32 s3, s9;
	s6 =	sadd.s32 @!p0 $0x88, s6;
	s7 =	simm.s32 @p2 $0x1082  }
0x22: {  	[simem:s7], [sflag:s8] =	dma.local @!p0 [hbm:s6], $0xF7A  }
0x23: {  	s9 =	sor.u32 $0xD0000000, s2;
	s6 =	simm.s32 $0x108;
	_ =	swait.ge @!p0 [sflag:s8], $0x0  }
0x24: {  	s3 =	sadd.s32 $0x88, s3;
	s6 =	simm.s32 @!p1 $0x1082;
	[sflag:s4] =	ssyncset.s32 $0xFFFFF086  }
0x25: {  	[simem:s6], [sflag:s4] =	dma.local [hbm:s3], $0xF7A  }
0x26: {  	[smem:$0x3F9B] =	sst s1;
	(tag) =	ssettag s2;
	_ =	strace s9  }
0x27: {  	s1 =	sld [smem:$0x3FAB]  }
0x28: {  	s2 =	sld [smem:$0x3FAC]  }
0x29: {  	s4 =	sld [smem:$0x3FAE]  }
0x2a: {  	p0 =	seq.s32 s5, $0x0;
	s5 =	sld [smem:$0x3FAF]  }
0x2b: {  	s6 =	sld [smem:$0x3FB0]  }
0x2c: {  	s7 =	sld [smem:$0x3FB1]  }
0x2d: {  	s3 =	simm.s32 $0x108;
	s8 =	sld [smem:$0x3FB2]  }
0x2e: {  	s3 =	simm.s32 @!p0 $0x1082;
	s9 =	sld [smem:$0x3FB3]  }
0x2f: {  	lr =	sadd.s32 s0, s3;
	s0 =	sld [smem:$0x3FAA]  }
0x30: {  	s3 =	sld [smem:$0x3FAD]  }
0x31: {  	[smem:$0x3FB6] =	sst s10  }
0x32: {  	s10 =	sld [smem:$0x3FB4];
	_ =	sdelay $0x3  }
0x33: {  	p0 =	seq.s32 s10, $0x1;
	s10 =	sld [smem:$0x3FB6];
	_ =	sdelay $0x3  }
0x34: {  	[smem:$0x3FB6] =	sst s10  }
0x35: {  	s10 =	sld [smem:$0x3FB5];
	_ =	sdelay $0x3  }
0x36: {  	p1 =	seq.s32 s10, $0x1;
	s10 =	sld [smem:$0x3FB6];
	_ =	sdelay $0x3  }
0x37: {  	[smem:$0x3FB6] =	sst s10  }
0x38: {  	s10 =	sld [smem:$0x3FB7]  }
0x39: {  	_ = 	snop;
	(pc) =	sbr.ind lr, $3  }
0x3a: {  	_ = 	snop  }
0x3b: {  	_ = 	snop  }
0x3c: {  	p2 =	seq.s32 s10, $0x1;
	s10 =	sld [smem:$0x3FB6]  }
0x3d: {  	_ =	shalt  }
0x3e: {  	_ =	shalt  }
0x3f: {  	_ =	shalt  }
0x40: {  	_ =	shalt  }
0x41: {  	_ =	shalt  }
0x42: {  	_ =	shalt  }
0x43: {  	_ =	shalt  }
0x44: {  	_ =	shalt  }
0x45: {  	_ =	shalt  }
0x46: {  	_ =	shalt  }
0x47: {  	_ =	shalt  }
0x48: {  	_ =	shalt  }
0x49: {  	_ =	shalt  }
0x4a: {  	_ =	shalt  }
0x4b: {  	_ =	shalt  }
0x4c: {  	_ =	shalt  }
0x4d: {  	_ =	shalt  }
0x4e: {  	_ =	shalt  }
0x4f: {  	_ =	shalt  }
0x50: {  	_ =	shalt  }
0x51: {  	_ =	shalt  }
0x52: {  	_ =	shalt  }
0x53: {  	_ =	shalt  }
0x54: {  	_ =	shalt  }
0x55: {  	_ =	shalt  }
0x56: {  	_ =	shalt  }
0x57: {  	_ =	shalt  }
0x58: {  	_ =	shalt  }
0x59: {  	_ =	shalt  }
0x5a: {  	_ =	shalt  }
0x5b: {  	_ =	shalt  }
0x5c: {  	_ =	shalt  }
0x5d: {  	_ =	shalt  }
0x5e: {  	_ =	shalt  }
0x5f: {  	_ =	shalt  }
0x60: {  	_ =	shalt  }
0x61: {  	_ =	shalt  }
0x62: {  	_ =	shalt  }
0x63: {  	_ =	shalt  }
0x64: {  	_ =	shalt  }
0x65: {  	_ =	shalt  }
0x66: {  	_ =	shalt  }
0x67: {  	_ =	shalt  }
0x68: {  	_ =	shalt  }
0x69: {  	_ =	shalt  }
0x6a: {  	_ =	shalt  }
0x6b: {  	_ =	shalt  }
0x6c: {  	_ =	shalt  }
0x6d: {  	_ =	shalt  }
0x6e: {  	_ =	shalt  }
0x6f: {  	_ =	shalt  }
0x70: {  	_ =	shalt  }
0x71: {  	_ =	shalt  }
0x72: {  	_ =	shalt  }
0x73: {  	_ =	shalt  }
0x74: {  	_ =	shalt  }
0x75: {  	_ =	shalt  }
0x76: {  	_ =	shalt  }
0x77: {  	_ =	shalt  }
0x78: {  	_ =	shalt  }
0x79: {  	_ =	shalt  }
0x7a: {  	_ =	shalt  }
0x7b: {  	_ =	shalt  }
0x7c: {  	_ =	shalt  }
0x7d: {  	_ =	shalt  }
0x7e: {  	_ =	shalt  }
0x7f: {  	_ =	shalt  }
0x80: {  	_ =	shalt  }
0x81: {  	_ =	shalt  }
0x82: {  	_ =	shalt  }
0x83: {  	_ =	shalt  }
0x84: {  	_ =	shalt  }
0x85: {  	_ =	shalt  }
0x86: {  	_ =	shalt  }
0x87: {  	_ =	shalt  }
.Lfunc_end0:
.L_simem_size_0:
called_computation_lowered:
.L_overlay_start_0:
0x88: {  	s2 =	sld [smem:$0x3FD9]  }
0x89: {  	s3 =	sld [smem:$0x3FFE];
	_ =	sdelay $0x1  }
0x8a: {  	s1 =	srdreg.scid  }
0x8b: {  	s0 =	sand.u32 $0x1, s1  }
0x8c: {  	s16 =	sshll.u32 s0, $0xA;
	s2 =	sadd.s32 s3, s2  }
0x8d: {  	s2 =	sadd.s32 s2, s16  }
0x8e: {  	[smem:$0x3FC2] =	sst s2  }
0x8f: {  	_ = 	snop  }
0x90: {  	(tm) =	ssettm $0x1  }
0x91: {  	s17 =	sld [smem:$0x3FFB];
	_ =	sdelay $0x3  }
0x92: {  	_ =	strace s17  }
0x93: {  	s2 =	sld [smem:$0x3FFC];
	_ =	sdelay $0x3  }
0x94: {  	_ =	strace s2  }
0x95: {  	s2 =	sld [smem:$0x3FFD];
	_ =	sdelay $0x3  }
0x96: {  	_ =	strace s2  }
0x97: {  	_ =	strace $0x8FFFFFFF  }
0x98: {  	s18 =	sld [smem:$0x3FDB];
	_ =	sdelay $0x1  }
0x99: {  	s19 =	simm.s32 $_scs_section_size  }
0x9a: {  	s4 =	simm.s32 $_size__tile_overlayer_lowered;
	s5 =	simm.s32 $_tile_overlayer_lowered  }
0x9b: {  	s22 =	simm.s32 $0x1BFF;
	s21 =	sshll.u32 s5, $0x1;
	s2 =	sadd.s32 s19, s18  }
0x9c: {  	s6 =	simm.s32 $0x0;
	s20 =	sshll.u32 s4, $0x1;
	s4 =	sadd.s32 s21, s2  }
0x9d: {  	[timem:s6], [sflag:s22] =	dma.local [hbm:s4], s20  }
0x9e: {  	_ =	swait.ge [sflag:s22], s20  }
0x9f: {  	s3 =	ssub.s32 $0x0, s20;
	[sflag:s22] =	ssyncset.done $0x0  }
0xa0: {  	[sflag:s22] =	ssyncadd.s32 s3;
	_ =	sdelay $0x1  }
0xa1: {  	s23 =	simm.s32 $0x1B8B  }
0xa2: {  	_ =	swait.ge [sflag:s23], $0x1  }
0xa3: {  	[sflag:s23] =	ssyncset.done $0x0  }
0xa4: {  	s25 =	simm.s32 $0x1B8E;
	s24 =	sld [smem:$0x3FFE];
	[sflag:s23] =	ssyncadd.s32 $0xFFFFFFFF  }
0xa5: {  	s26 =	simm.s32 $execute0_lowered;
	[smem:$0x3FD2] =	sst s25  }
0xa6: {  	s4 =	sshll.u32 s26, $0x1;
	_ =	strace $0x80000046;
	[dreg:$0x1] =	wrdreg $0xFFFFFFFF  }
0xa7: {  	s28 =	simm.s32 $_size_execute0_lowered;
	s2 =	sadd.s32 s2, s4;
	[dreg:$0x0] =	wrdreg $0x0  }
0xa8: {  	s4 =	sshll.u32 s28, $0x1;
	[dreg:$0x2] =	wrdreg s2  }
0xa9: {  	[dreg:$0x3] =	wrdreg s4  }
0xaa: {  	[dreg:$0x4] =	wrdreg $0xC0  }
0xab: {  	_ =	task [dreg:s6], $0x5FFFF  }
0xac: {  	[dreg:$0x1] =	wrdreg $0xFFFFFFFF  }
0xad: {  	[dreg:$0x0] =	wrdreg $0x60  }
0xae: {  	[dreg:$0x2] =	wrdreg s24  }
0xaf: {  	[dreg:$0x3] =	wrdreg $0x9  }
0xb0: {  	_ =	task.clear_ibuf [dreg:s6], $0x4FFFF;
	_ =	strace $0x90000046  }
0xb1: {  	s29 =	simm.s32 $0x9;
	_ =	strace $0x80000048  }
0xb2: {  	_ =	swait.ge [sflag:s29], $0x1  }
0xb3: {  	[sflag:s29] =	ssyncadd.s32 $0xFFFFFFFF  }
0xb4: {  	_ =	strace $0x90000048  }
0xb5: {  	_ =	sfence  }
0xb6: {  	s30 =	sld [smem:$0x0];
	_ =	sdelay $0x2  }
0xb7: {  	s31 =	sshll.u32 s1, $0xD;
	s1 =	sshrl.u32 s1, $0x2  }
0xb8: {  	s3 =	sand.u32 $0x4000, s31;
	s1 =	sadd.s32 s1, s30  }
0xb9: {  	s0 =	sor.u32 s3, s0;
	s1 =	sshll.u32 s1, $0x11  }
0xba: {  	s0 =	sor.u32 s1, s0  }
0xbb: {  	s0 =	sadd.s32 $0x8F2B, s0  }
0xbc: {  	[sflag:s0] =	ssyncadd.remote.s32 $0x1  }
0xbd: {  	_ =	sfence.sel $0xFFFF  }
0xbe: {  	[dreg:$0x0] =	wrdreg $0xFFFFFFFF;
	(pc) =	sbr.abs _section_cstart, $3  }
0xbf: {  	[dreg:$0x1] =	wrdreg $0xFFFFFFFF  }
0xc0: {  	_ =	task.clear_ibuf [dreg:s6], $0x2FFFF;
	_ =	strace $0x9FFFFFFF  }
0xc1: {  	(tm) =	ssettm $0x7FFFFFFF  }
tec
execute0_lowered:
.L_overlay_start_1:
0x0: {  	(tag) =	ssettag $0x1  }
0x1: {  	s0 =	srdreg.scid  }
0x2: {  	s4 =	rddreg [dreg:$0x0];
	s3 =	sand.u32 $0x1, s0  }
0x3: {  	s1 =	stileid.u32;
	s7 =	simm.s32 $0x2710;
	s2 =	sshll.u32 s3, $0x4  }
0x4: {  	s0 =	rddreg [dreg:$0x1];
	s3 =	ssub.s32 $0x2, s3;
	s5 =	sor.u32 s1, s2  }
0x5: {  	s2 =	simm.s32 $0x0;
	s6 =	sshrl.u32 s3, $0x1;
	s5 =	smul.u32 $0x4E2, s5  }
0x6: {  	s8 =	simm.s32 $0x0;
	[smem:$0x7FF] =	sst s2;
	s31 =	ssub.s32 s3, s6  }
0x7: {  	s6 =	simm.s32 $0x1;
	_ =	strace $0x80000047;
	s4 =	sadd.s32 s5, s4  }
0x8: {  	v0 =	vimm.f32 $0.0e+00;
	v1 =	vimm.f32 $1.000000000e+00;
	s5 =	smax.u32 s31, $0x1;
	s3 =	sadd.s32 $0xC000, s4;
	s4 =	sadd.s32 $0x15E00, s4  }
.LBB2_1:
0x9: {  	[tilespmem:s2], [sflag:$0x1] =	stream.linear.gather [hbm4b:s3+s2], $0x2710, $0x38;
	[tilespmem:$0x4E20] =	vst v63  }
0xa: {  	_ =	swait.ge [sflag:s6], $0x2710  }
0xb: {  	[sflag:s6] =	ssyncset.done $0x0  }
0xc: {  	s9 =	simm.s32 $0x0;
	[sflag:s6] =	ssyncadd.s32 $0xFFFFD8F0  }
.LBB2_2:
0xd: {  	p0 =	sne.s32 s9, $0x9C00  }
.Ltmp0:
0xe: {  	_ = 	snop;
	(pc) =	sbr.rel @p0 .LBB2_2-.Ltmp0, $3  }
0xf: {  	_ =	sdelay $0x1  }
0x10: {  	s10 =	sshra.s32 s9, $0x2  }
0x11: {  	s9 =	sadd.s32 $0x40, s9;
	[tilespmem:s10+$0x2710] =	vst v0  }
0x12: {  	s10 =	simm.s32 $0x0;
	s9 =	simm.s32 $0x40  }
.LBB2_4:
0x13: {  	p0 =	sne.s32 s9, $0x9C00;
	v2 =	vld [tilespmem:s10+$0x0];
	_ =	sdelay $0x3  }
.Ltmp1:
0x14: {  	(pc) =	sbr.rel @p0 .LBB2_4-.Ltmp1, $2  }
0x15: {  	_ =	sdelay $0x2  }
0x16: {  	s10 =	sshra.s32 s9, $0x2;
	s9 =	sadd.s32 $0x40, s9;
	[tilespmem:v2+s7+$0x0] =	vst.idx.add.f32.msk $0xffff, v1  }
0x17: {  	v2 =	vld [tilespmem:s10+$0x0];
	_ =	sdelay $0x5  }
0x18: {  	s8 =	sadd.s32 $0x1, s8  }
0x19: {  	p0 =	sne.s32 s8, s5  }
.Ltmp2:
0x1a: {  	[tilespmem:v2+s7+$0x0] =	vst.idx.add.f32.msk $0xffff, v1;
	(pc) =	sbr.rel @p0 .LBB2_1-.Ltmp2, $4  }
0x1b: {  	[hbm4b:s4+s2] =	stream.linear.scatter [tilespmem:s7], [sflag:$0x1], $0x2710, $0x38;
	[tilespmem:$0x4E20] =	vst v63  }
0x1c: {  	_ =	swait.ge [sflag:s6], $0x2710  }
0x1d: {  	[sflag:s6] =	ssyncset.done $0x0  }
0x1e: {  	[sflag:s6] =	ssyncadd.s32 $0xFFFFD8F0  }
0x1f: {  	_ =	sfence.sel $0x180000  }
0x20: {  	[bflag:$0x0] =	sbarrier.arrive $0xFFFF  }
0x21: {  	p0 =	sne.s32 s1, $0x0;
	_ =	strace $0x90000047  }
0x22: {  	s0 =	sadd.s32 @!p0 $0x100000, s0;
	[bflag:$0x2] =	sbarrier.arrive $0xFFFF  }
0x23: {  	[sflag:s0] =	ssyncadd.tile.s32 @!p0 $0x1;
	_ =	shalt  }
.Lfunc_end2:
_tile_overlayer_lowered:
.L_overlay_start_2:
0x24: {  	(tag) =	ssettag $0x2  }
0x25: {  	s0 =	rddreg [dreg:$0x0];
	s2 =	stileid.u32  }
0x26: {  	s1 =	rddreg [dreg:$0x1];
	p0 =	sne.s32 s2, $0x0  }
0x27: {  	s3 =	rddreg [dreg:$0x2];
	[bflag:$0x3] =	sbarrier.arrive $0xFFFF;
	s2 =	simm.s32 @!p0 $0x1C01  }
0x28: {  	[timem:s3], [sflag:s2] =	dma.local @!p0 [hbm:s0], s1  }
0x29: {  	s0 =	simm.s32 @!p0 $0x1  }
0x2a: {  	_ =	swait.ge @!p0 [sflag:s0], s1  }
0x2b: {  	s1 =	ssub.s32 @!p0 $0x0, s1;
	[sflag:s0] =	ssyncset.done @!p0 $0x0  }
0x2c: {  	[sflag:s0] =	ssyncadd.s32 @!p0 s1  }
0x2d: {  	[bflag:$0x3] =	sbarrier.arrive $0xFFFF  }
0x2e: {  	_ =	shalt  }

</sc_bundles>
